<compile_context>
chip_gen: v7x
topology: tpu7x:2x2x1
jax: 0.10.2.dev20260603
libtpu: 0.0.44.dev20260713+nightly
codegen_flags: <defaults>
</compile_context>

<pallas_src>
import jax
import jax.numpy as jnp
from jax import lax
from jax.experimental import pallas as pl
from jax.experimental.pallas import tpu as pltpu
from jax.experimental.pallas import tpu_sc as plsc

N = 10000
E = 160000
D = 256
H = 128
EPS = 1e-5

NC = 2
NS = 16

DEG_K = 40
DEG_EPT = E // (NC * NS)
DEG_NCH = DEG_EPT // DEG_K

AGG_K = 80
AGG_EPT = E // NS
AGG_NCH = AGG_EPT // AGG_K

OUT_K = 80
OUT_NCH = N // OUT_K
OUT_PER_TILE = -(-OUT_NCH // NS)

_MESH = plsc.VectorSubcoreMesh(core_axis_name="c", subcore_axis_name="s")


def _deg_body(dst, z128, ones128, cnt, didx, onesv, obuf, acc,
              sem_i, sem_s):
    c = lax.axis_index("c")
    s = lax.axis_index("s")
    base = (c * NS + s) * DEG_EPT

    def iload(i, carry):
        pltpu.async_copy(dst.at[pl.ds(base + i * DEG_K, DEG_K)],
                         didx.at[i], sem_i)
        return carry

    lax.fori_loop(0, DEG_NCH, iload, 0)

    pltpu.sync_copy(ones128, onesv)
    pltpu.sync_copy(z128, obuf)

    def zbody(j, carry):
        g = s + j * NS

        @pl.when(g < OUT_NCH)
        def _():
            pltpu.sync_copy(obuf, acc.at[pl.ds(g * OUT_K, OUT_K)])

        return carry

    lax.fori_loop(0, OUT_PER_TILE, zbody, 0)

    def idrain(i, carry):
        pltpu.make_async_copy(dst.at[pl.ds(base + i * DEG_K, DEG_K)],
                              didx.at[i], sem_i).wait()
        return carry

    lax.fori_loop(0, DEG_NCH, idrain, 0)
    plsc.subcore_barrier()

    def cbody(i, carry):
        pltpu.async_copy(onesv, acc.at[didx.at[i]], sem_s, add=True)
        return carry

    lax.fori_loop(0, DEG_NCH, cbody, 0)

    def cdrain(i, carry):
        pltpu.make_async_copy(onesv, acc.at[didx.at[i]], sem_s).wait()
        return carry

    lax.fori_loop(0, DEG_NCH, cdrain, 0)
    plsc.subcore_barrier()

    def obody(j, carry):
        g = s + j * NS

        @pl.when(g < OUT_NCH)
        def _():
            r = g * OUT_K
            pltpu.sync_copy(acc.at[pl.ds(r, OUT_K)], obuf)
            pltpu.sync_copy(obuf, cnt.at[c, pl.ds(r, OUT_K)])

        return carry

    lax.fori_loop(0, OUT_PER_TILE, obody, 0)


_deg_call = pl.kernel(
    _deg_body,
    out_type=jax.ShapeDtypeStruct((NC, N, H), jnp.float32),
    mesh=_MESH,
    scratch_types=[
        pltpu.VMEM((DEG_NCH, DEG_K), jnp.int32),
        pltpu.VMEM((DEG_K, H), jnp.float32),
        pltpu.VMEM((OUT_K, H), jnp.float32),
        pltpu.VMEM_SHARED((N, H), jnp.float32),
        pltpu.SemaphoreType.DMA,
        pltpu.SemaphoreType.DMA,
    ],
    name="sc_deg",
)


def _agg_body(hs2n, srccat, dst, z128, out, sidx, didx, gbuf, acc,
              sem_i, sem_g0, sem_g1):
    c = lax.axis_index("c")
    s = lax.axis_index("s")
    base = s * AGG_EPT

    pltpu.async_copy(srccat.at[pl.ds(c * E + base, AGG_EPT)], sidx, sem_i)

    def iload(i, carry):
        pltpu.async_copy(dst.at[pl.ds(base + i * AGG_K, AGG_K)],
                         didx.at[i], sem_i)
        return carry

    lax.fori_loop(0, AGG_NCH, iload, 0)

    pltpu.sync_copy(z128, gbuf.at[0])

    def zbody(j, carry):
        g = s + j * NS

        @pl.when(g < OUT_NCH)
        def _():
            pltpu.sync_copy(gbuf.at[0], acc.at[pl.ds(g * OUT_K, OUT_K)])

        return carry

    lax.fori_loop(0, OUT_PER_TILE, zbody, 0)

    pltpu.make_async_copy(srccat.at[pl.ds(c * E + base, AGG_EPT)],
                          sidx, sem_i).wait()

    def idrain(i, carry):
        pltpu.make_async_copy(dst.at[pl.ds(base + i * AGG_K, AGG_K)],
                              didx.at[i], sem_i).wait()
        return carry

    lax.fori_loop(0, AGG_NCH, idrain, 0)
    plsc.subcore_barrier()

    def gissue(k, buf, sem):
        pltpu.async_copy(hs2n.at[sidx.at[pl.ds(k * AGG_K, AGG_K)]],
                         gbuf.at[buf], sem)

    def gwait(k, buf, sem):
        pltpu.make_async_copy(hs2n.at[sidx.at[pl.ds(k * AGG_K, AGG_K)]],
                              gbuf.at[buf], sem).wait()

    def scat(k, buf):
        pltpu.sync_copy(gbuf.at[buf], acc.at[didx.at[k]], add=True)

    gissue(0, 0, sem_g0)

    def pair(i, carry):
        k = 2 * i
        gissue(k + 1, 1, sem_g1)
        gwait(k, 0, sem_g0)
        scat(k, 0)
        gissue(k + 2, 0, sem_g0)
        gwait(k + 1, 1, sem_g1)
        scat(k + 1, 1)
        return carry

    lax.fori_loop(0, (AGG_NCH - 1) // 2, pair, 0)
    gwait(AGG_NCH - 1, 0, sem_g0)
    scat(AGG_NCH - 1, 0)
    plsc.subcore_barrier()

    def obody(j, carry):
        g = s + j * NS

        @pl.when(g < OUT_NCH)
        def _():
            r = g * OUT_K
            pltpu.sync_copy(acc.at[pl.ds(r, OUT_K)], gbuf.at[0])
            pltpu.sync_copy(gbuf.at[0], out.at[c, pl.ds(r, OUT_K)])

        return carry

    lax.fori_loop(0, OUT_PER_TILE, obody, 0)


_agg_call = pl.kernel(
    _agg_body,
    out_type=jax.ShapeDtypeStruct((NC, N, H), jnp.float32),
    mesh=_MESH,
    scratch_types=[
        pltpu.VMEM((AGG_EPT,), jnp.int32),
        pltpu.VMEM((AGG_NCH, AGG_K), jnp.int32),
        pltpu.VMEM((2, AGG_K, H), jnp.float32),
        pltpu.VMEM_SHARED((N, H), jnp.float32),
        pltpu.SemaphoreType.DMA,
        pltpu.SemaphoreType.DMA,
        pltpu.SemaphoreType.DMA,
    ],
    name="sc_agg",
)


RB = 1000
GRID = N // RB


def _dinv_from_cnt(cnt_ref):
    deg = cnt_ref[0, :, 0:1] + cnt_ref[1, :, 0:1] + 1.0
    return lax.rsqrt(deg)


def _dinv_from_d8(d8_ref):
    return d8_ref[:, 0:1]


def _layer_norm_tc(xb, g, b):
    mu = jnp.mean(xb, axis=1, keepdims=True)
    xc = xb - mu
    var = jnp.mean(xc * xc, axis=1, keepdims=True)
    return xc * lax.rsqrt(var + EPS) * g + b


def _tc1_body(x_ref, cnt_ref, g_ref, b_ref, w_ref, hs_ref, d8_ref):
    ln = _layer_norm_tc(x_ref[...], g_ref[...], b_ref[...])
    h = jnp.dot(ln, w_ref[...], preferred_element_type=jnp.float32)
    dinv = _dinv_from_cnt(cnt_ref)
    hs = h * dinv
    hs_ref[0] = hs[:, :H]
    hs_ref[1] = hs[:, H:]
    d8_ref[...] = jnp.broadcast_to(dinv, (RB, 8))


_row_spec = pl.BlockSpec((RB, D), lambda i: (i, 0))
_pair_spec = pl.BlockSpec((NC, RB, H), lambda i: (0, i, 0))
_cnt_spec = pl.BlockSpec((NC, RB, H), lambda i: (0, i, 0))
_d8_spec = pl.BlockSpec((RB, 8), lambda i: (i, 0))
_vecD_spec = pl.BlockSpec((1, D), lambda i: (0, 0))
_vecH_spec = pl.BlockSpec((1, H), lambda i: (0, 0))
_mat_spec = pl.BlockSpec((D, D), lambda i: (0, 0))
_proj_spec = pl.BlockSpec((H, D), lambda i: (0, 0))

_tc1 = pl.pallas_call(
    _tc1_body,
    grid=(GRID,),
    in_specs=[_row_spec, _cnt_spec, _vecD_spec, _vecD_spec, _mat_spec],
    out_specs=[_pair_spec, _d8_spec],
    out_shape=[
        jax.ShapeDtypeStruct((NC, N, H), jnp.float32),
        jax.ShapeDtypeStruct((N, 8), jnp.float32),
    ],
)


def _tc2_body(a, hsp, d8, t, ce, wt, bt, wc, bc, b1, g2, be2, w2, o):
    dinv = _dinv_from_d8(d8)
    u0 = (a[0] + hsp[0]) * dinv
    u1 = (a[1] + hsp[1]) * dinv
    u = jnp.concatenate([u0, u1], axis=1)
    bias = (b1[...] + bt[...] + bc[...]
            + jnp.dot(t[...], wt[...], preferred_element_type=jnp.float32)
            + jnp.dot(ce[...], wc[...], preferred_element_type=jnp.float32))
    v = u + bias
    v = v * jax.nn.sigmoid(v)
    ln = _layer_norm_tc(v, g2[...], be2[...])
    h2 = jnp.dot(ln, w2[...], preferred_element_type=jnp.float32)
    hs2 = h2 * dinv
    o[0] = hs2[:, :H]
    o[1] = hs2[:, H:]


_tc2 = pl.pallas_call(
    _tc2_body,
    grid=(GRID,),
    in_specs=[_pair_spec, _pair_spec, _d8_spec,
              _vecH_spec, _vecH_spec, _proj_spec, _vecD_spec, _proj_spec,
              _vecD_spec, _vecD_spec, _vecD_spec, _vecD_spec, _mat_spec],
    out_specs=_pair_spec,
    out_shape=jax.ShapeDtypeStruct((NC, N, H), jnp.float32),
)


def _tc3_body(a, hsp, d8, x, t, ce, wt, bt, wc, bc, b2, o):
    dinv = _dinv_from_d8(d8)
    u0 = (a[0] + hsp[0]) * dinv
    u1 = (a[1] + hsp[1]) * dinv
    u = jnp.concatenate([u0, u1], axis=1)
    bias = (b2[...] + bt[...] + bc[...]
            + jnp.dot(t[...], wt[...], preferred_element_type=jnp.float32)
            + jnp.dot(ce[...], wc[...], preferred_element_type=jnp.float32))
    v = u + bias
    v = v * jax.nn.sigmoid(v)
    o[...] = v + x[...]


_tc3 = pl.pallas_call(
    _tc3_body,
    grid=(GRID,),
    in_specs=[_pair_spec, _pair_spec, _d8_spec,
              _row_spec, _vecH_spec, _vecH_spec, _proj_spec, _vecD_spec,
              _proj_spec, _vecD_spec, _vecD_spec],
    out_specs=_row_spec,
    out_shape=jax.ShapeDtypeStruct((N, D), jnp.float32),
)


def kernel(x, t_emb, c_emb, edge_index, W1, b1, Wt1, bt1, Wc1, bc1, g1, beta1,
           W2, b2, Wt2, bt2, Wc2, bc2, g2, beta2):
    f32 = jnp.float32
    ones128 = jnp.ones((DEG_K, H), f32)
    z128 = jnp.zeros((OUT_K, H), f32)

    t2 = t_emb.reshape(1, -1)
    c2 = c_emb.reshape(1, -1)
    b1r, bt1r, bc1r = b1.reshape(1, -1), bt1.reshape(1, -1), bc1.reshape(1, -1)
    b2r, bt2r, bc2r = b2.reshape(1, -1), bt2.reshape(1, -1), bc2.reshape(1, -1)
    g1r, beta1r = g1.reshape(1, -1), beta1.reshape(1, -1)
    g2r, beta2r = g2.reshape(1, -1), beta2.reshape(1, -1)

    src = edge_index[0]
    dst = edge_index[1]
    srccat = jnp.concatenate([src, src + jnp.int32(N)])

    cnt = _deg_call(dst, z128, ones128)
    hsp, d8 = _tc1(x, cnt, g1r, beta1r, W1)
    agg = _agg_call(hsp.reshape(NC * N, H), srccat, dst, z128)
    hsp2 = _tc2(agg, hsp, d8, t2, c2, Wt1, bt1r, Wc1, bc1r, b1r,
                g2r, beta2r, W2)
    agg2 = _agg_call(hsp2.reshape(NC * N, H), srccat, dst, z128)
    y = _tc3(agg2, hsp2, d8, x, t2, c2, Wt2, bt2r, Wc2, bc2r, b2r)
    return y

# --- scband reference (transcript-rebuilt; emitter-appended) ---
"""Pipeline reference for scband-conditional-graph-conv-block-5858335392213 (READ-ONLY COPY).

The authoritative reference and input builder live on the scoring server;
editing this copy changes nothing except your own understanding.
"""

import jax, jax.numpy as jnp
import numpy as np

N = 10000
E = 160000
D = 256
TC = 128
CC = 128
EPS = 1e-5


def setup_inputs(seed: int = 0) -> dict:
    key = jax.random.key(seed)
    ks = jax.random.split(key, 24)
    inp = {}
    inp["x"] = jax.random.normal(ks[0], (N, D), dtype=jnp.float32)
    inp["t_emb"] = jax.random.normal(ks[1], (TC,), dtype=jnp.float32)
    inp["c_emb"] = jax.random.normal(ks[2], (CC,), dtype=jnp.float32)
    inp["edge_index"] = jax.random.randint(ks[3], (2, E), 0, N, dtype=jnp.int32)
    # block 1 params
    inp["W1"] = 0.02 * jax.random.normal(ks[4], (D, D), dtype=jnp.float32)
    inp["b1"] = jnp.zeros((D,), dtype=jnp.float32)
    inp["Wt1"] = 0.02 * jax.random.normal(ks[5], (TC, D), dtype=jnp.float32)
    inp["bt1"] = jnp.zeros((D,), dtype=jnp.float32)
    inp["Wc1"] = 0.02 * jax.random.normal(ks[6], (CC, D), dtype=jnp.float32)
    inp["bc1"] = jnp.zeros((D,), dtype=jnp.float32)
    inp["g1"] = jnp.ones((D,), dtype=jnp.float32)
    inp["beta1"] = jnp.zeros((D,), dtype=jnp.float32)
    # block 2 params
    inp["W2"] = 0.02 * jax.random.normal(ks[7], (D, D), dtype=jnp.float32)
    inp["b2"] = jnp.zeros((D,), dtype=jnp.float32)
    inp["Wt2"] = 0.02 * jax.random.normal(ks[8], (TC, D), dtype=jnp.float32)
    inp["bt2"] = jnp.zeros((D,), dtype=jnp.float32)
    inp["Wc2"] = 0.02 * jax.random.normal(ks[9], (CC, D), dtype=jnp.float32)
    inp["bc2"] = jnp.zeros((D,), dtype=jnp.float32)
    inp["g2"] = jnp.ones((D,), dtype=jnp.float32)
    inp["beta2"] = jnp.zeros((D,), dtype=jnp.float32)
    return inp


def _layer_norm(x, g, b):
    mu = jnp.mean(x, axis=-1, keepdims=True)
    var = jnp.mean((x - mu) ** 2, axis=-1, keepdims=True)
    return (x - mu) * jax.lax.rsqrt(var + EPS) * g + b


def _gcn_conv(x, W, b, src, dst):
    # GCNConv: linear transform, add self-loops, symmetric normalization, scatter-add
    h = x @ W
    sl = jnp.arange(N, dtype=src.dtype)
    s = jnp.concatenate([src, sl])
    d = jnp.concatenate([dst, sl])
    deg = jnp.zeros((N,), dtype=h.dtype).at[d].add(1.0)
    dinv = jax.lax.rsqrt(deg)
    norm = dinv[s] * dinv[d]
    out = jnp.zeros_like(h).at[d].add(norm[:, None] * h[s])
    return out + b


def reference(x, t_emb, c_emb, edge_index, W1, b1, Wt1, bt1, Wc1, bc1, g1, beta1, W2, b2, Wt2, bt2, Wc2, bc2, g2, beta2):
    src = edge_index[0]
    dst = edge_index[1]
    h = _layer_norm(x, g1, beta1)
    h = _gcn_conv(h, W1, b1, src, dst) + (t_emb @ Wt1 + bt1) + (c_emb @ Wc1 + bc1)
    h = jax.nn.silu(h)
    # dropout is identity in eval mode
    h = _layer_norm(h, g2, beta2)
    h = _gcn_conv(h, W2, b2, src, dst) + (t_emb @ Wt2 + bt2) + (c_emb @ Wc2 + bc2)
    h = jax.nn.silu(h)
    # skip is Identity since in_channels == out_channels
    return h + x

if __name__ == "__main__":
    import jax
    _d = setup_inputs()
    print(jax.jit(kernel)(*tuple(_d.values())))

</pallas_src>

<mosaic_0001>
#map = affine_map<(d0, d1) -> (0, 0)>
#map1 = affine_map<(d0, d1) -> (0)>
#map2 = affine_map<(d0, d1) -> (0, 0, 0)>
module attributes {stable_mosaic.version = 14 : i64} {
  func.func @sc_agg(%arg0: i32, %arg1: i32, %arg2: memref<20000x128xf32, #tpu.memory_space<hbm>>, %arg3: memref<320000xi32, #tpu.memory_space<hbm>>, %arg4: memref<160000xi32, #tpu.memory_space<hbm>>, %arg5: memref<80x128xf32, #tpu.memory_space<hbm>>, %arg6: memref<2x10000x128xf32, #tpu.memory_space<hbm>>, %arg7: memref<10000xi32, #tpu.memory_space<vmem>>, %arg8: memref<125x80xi32, #tpu.memory_space<vmem>>, %arg9: memref<2x80x128xf32, #tpu.memory_space<vmem>>, %arg10: memref<10000x128xf32, #tpu.memory_space<vmem_shared>>, %arg11: memref<!tpu.dma_semaphore, #tpu.memory_space<semaphore_mem>>, %arg12: memref<!tpu.dma_semaphore, #tpu.memory_space<semaphore_mem>>, %arg13: memref<!tpu.dma_semaphore, #tpu.memory_space<semaphore_mem>>) attributes {dimension_semantics = [#tpu.dimension_semantics<core_parallel>, #tpu.dimension_semantics<subcore_parallel>], iteration_bounds = array<i64: 2, 16>, scalar_prefetch = 0 : i64, scratch_operands = 7 : i64, tpu.core_type = #tpu.core_type<sc_vector_subcore>, window_params = [{transform_indices = #map}, {transform_indices = #map1}, {transform_indices = #map1}, {transform_indices = #map}, {transform_indices = #map2}]} {
    %mul3A = arith.constant 10000 : i32
    %mul3A_0 = arith.muli %arg1, %mul3A : i32
    %mul3A_1 = arith.constant 160000 : i32
    %mul3A_2 = arith.muli %arg0, %mul3A_1 : i32
    %add3A = arith.addi %mul3A_2, %mul3A_0 : i32
    %dma_start3A = tpu.memref_slice %arg3[%add3A] : memref<320000xi32, #tpu.memory_space<hbm>> -> memref<10000xi32, #tpu.memory_space<hbm>>
    %dma_start3A_3 = tpu.memref_slice %arg3[%add3A] : memref<320000xi32, #tpu.memory_space<hbm>> -> memref<10000xi32, #tpu.memory_space<hbm>>
    tpu.enqueue_dma source(%dma_start3A_3 : memref<10000xi32, #tpu.memory_space<hbm>>) target(%arg7 : memref<10000xi32, #tpu.memory_space<vmem>>) target_semaphore(%arg11 : memref<!tpu.dma_semaphore, #tpu.memory_space<semaphore_mem>>)
    %scan3A = arith.constant 0 : i32
    %scan3A_4 = arith.constant 0 : i32
    %scan3A_5 = arith.constant 125 : i32
    %scan3A_6 = arith.addi %scan3A_4, %scan3A_5 : i32
    %scan3A_7 = arith.constant 1 : i32
    scf.for %scan3A_60 = %scan3A_4 to %scan3A_6 step %scan3A_7  : i32 {
      %mul3A_61 = arith.constant 80 : i32
      %mul3A_62 = arith.muli %scan3A_60, %mul3A_61 : i32
      %add3A_63 = arith.addi %mul3A_0, %mul3A_62 : i32
      %dma_start3A_64 = arith.constant 0 : i32
      %dma_start3A_65 = tpu.memref_slice %arg8[%scan3A_60, %dma_start3A_64] : memref<125x80xi32, #tpu.memory_space<vmem>> -> memref<1x80xi32, #tpu.memory_space<vmem>>
      %dma_start3A_66 = tpu.memref_squeeze %dma_start3A_65 : memref<1x80xi32, #tpu.memory_space<vmem>> -> memref<80xi32, #tpu.memory_space<vmem>>
      %dma_start3A_67 = tpu.memref_slice %arg4[%add3A_63] : memref<160000xi32, #tpu.memory_space<hbm>> -> memref<80xi32, #tpu.memory_space<hbm>>
      %dma_start3A_68 = arith.constant 0 : i32
      %dma_start3A_69 = tpu.memref_slice %arg8[%scan3A_60, %dma_start3A_68] : memref<125x80xi32, #tpu.memory_space<vmem>> -> memref<1x80xi32, #tpu.memory_space<vmem>>
      %dma_start3A_70 = tpu.memref_squeeze %dma_start3A_69 : memref<1x80xi32, #tpu.memory_space<vmem>> -> memref<80xi32, #tpu.memory_space<vmem>>
      %dma_start3A_71 = tpu.memref_slice %arg4[%add3A_63] : memref<160000xi32, #tpu.memory_space<hbm>> -> memref<80xi32, #tpu.memory_space<hbm>>
      tpu.enqueue_dma source(%dma_start3A_71 : memref<80xi32, #tpu.memory_space<hbm>>) target(%dma_start3A_70 : memref<80xi32, #tpu.memory_space<vmem>>) target_semaphore(%arg11 : memref<!tpu.dma_semaphore, #tpu.memory_space<semaphore_mem>>)
    }
    %scan3A_8 = arith.constant 125 : i32
    %run_scoped3A = arith.constant 0 : i32
    "tpu.region"() ({
      %run_scoped3A_60 = tpu.sem_alloc : memref<!tpu.dma_semaphore, #tpu.memory_space<semaphore_mem>>
      %dma_start3A_61 = arith.constant 0 : i32
      %dma_start3A_62 = arith.constant 0 : i32
      %dma_start3A_63 = tpu.memref_slice %arg9[%run_scoped3A, %dma_start3A_61, %dma_start3A_62] : memref<2x80x128xf32, #tpu.memory_space<vmem>> -> memref<1x80x128xf32, #tpu.memory_space<vmem>>
      %dma_start3A_64 = tpu.memref_squeeze %dma_start3A_63 : memref<1x80x128xf32, #tpu.memory_space<vmem>> -> memref<80x128xf32, #tpu.memory_space<vmem>>
      %dma_start3A_65 = arith.constant 0 : i32
      %dma_start3A_66 = arith.constant 0 : i32
      %dma_start3A_67 = tpu.memref_slice %arg9[%run_scoped3A, %dma_start3A_65, %dma_start3A_66] : memref<2x80x128xf32, #tpu.memory_space<vmem>> -> memref<1x80x128xf32, #tpu.memory_space<vmem>>
      %dma_start3A_68 = tpu.memref_squeeze %dma_start3A_67 : memref<1x80x128xf32, #tpu.memory_space<vmem>> -> memref<80x128xf32, #tpu.memory_space<vmem>>
      tpu.enqueue_dma source(%arg5 : memref<80x128xf32, #tpu.memory_space<hbm>>) target(%dma_start3A_68 : memref<80x128xf32, #tpu.memory_space<vmem>>) target_semaphore(%run_scoped3A_60 : memref<!tpu.dma_semaphore, #tpu.memory_space<semaphore_mem>>)
      %dma_wait3A_69 = arith.constant 0 : i32
      %dma_wait3A_70 = arith.constant 0 : i32
      %dma_wait3A_71 = tpu.memref_slice %arg9[%run_scoped3A, %dma_wait3A_69, %dma_wait3A_70] : memref<2x80x128xf32, #tpu.memory_space<vmem>> -> memref<1x80x128xf32, #tpu.memory_space<vmem>>
      %dma_wait3A_72 = tpu.memref_squeeze %dma_wait3A_71 : memref<1x80x128xf32, #tpu.memory_space<vmem>> -> memref<80x128xf32, #tpu.memory_space<vmem>>
      %dma_wait3A_73 = arith.constant 0 : i32
      %dma_wait3A_74 = arith.constant 0 : i32
      %dma_wait3A_75 = tpu.memref_slice %arg9[%run_scoped3A, %dma_wait3A_73, %dma_wait3A_74] : memref<2x80x128xf32, #tpu.memory_space<vmem>> -> memref<1x80x128xf32, #tpu.memory_space<vmem>>
      %dma_wait3A_76 = tpu.memref_squeeze %dma_wait3A_75 : memref<1x80x128xf32, #tpu.memory_space<vmem>> -> memref<80x128xf32, #tpu.memory_space<vmem>>
      tpu.wait_dma2 semaphore(%run_scoped3A_60 : memref<!tpu.dma_semaphore, #tpu.memory_space<semaphore_mem>>) src(%arg5 : memref<80x128xf32, #tpu.memory_space<hbm>>) dst(%dma_wait3A_76 : memref<80x128xf32, #tpu.memory_space<vmem>>)
      tpu.yield
    }) : () -> ()
    %scan3A_9 = arith.constant 0 : i32
    %scan3A_10 = arith.constant 0 : i32
    %scan3A_11 = arith.constant 8 : i32
    %scan3A_12 = arith.addi %scan3A_10, %scan3A_11 : i32
    %scan3A_13 = arith.constant 1 : i32
    scf.for %scan3A_60 = %scan3A_10 to %scan3A_12 step %scan3A_13  : i32 {
      %mul3A_61 = arith.constant 16 : i32
      %mul3A_62 = arith.muli %scan3A_60, %mul3A_61 : i32
      %add3A_63 = arith.addi %arg1, %mul3A_62 : i32
      %lt3A = arith.constant 125 : i32
      %lt3A_64 = arith.cmpi slt, %add3A_63, %lt3A : i32
      %convert_element_type3A = arith.extui %lt3A_64 : i1 to i32
      %cond3A = arith.constant 0 : i32
      %cond3A_65 = arith.cmpi ne, %convert_element_type3A, %cond3A : i32
      scf.if %cond3A_65 {
        %mul3A_66 = arith.constant 80 : i32
        %mul3A_67 = arith.muli %add3A_63, %mul3A_66 : i32
        %run_scoped3A_68 = arith.constant 0 : i32
        "tpu.region"() ({
          %run_scoped3A_69 = tpu.sem_alloc : memref<!tpu.dma_semaphore, #tpu.memory_space<semaphore_mem>>
          %dma_start3A_70 = arith.constant 0 : i32
          %dma_start3A_71 = arith.constant 0 : i32
          %dma_start3A_72 = tpu.memref_slice %arg9[%run_scoped3A_68, %dma_start3A_70, %dma_start3A_71] : memref<2x80x128xf32, #tpu.memory_space<vmem>> -> memref<1x80x128xf32, #tpu.memory_space<vmem>>
          %dma_start3A_73 = tpu.memref_squeeze %dma_start3A_72 : memref<1x80x128xf32, #tpu.memory_space<vmem>> -> memref<80x128xf32, #tpu.memory_space<vmem>>
          %dma_start3A_74 = arith.constant 0 : i32
          %dma_start3A_75 = tpu.memref_slice %arg10[%mul3A_67, %dma_start3A_74] : memref<10000x128xf32, #tpu.memory_space<vmem_shared>> -> memref<80x128xf32, #tpu.memory_space<vmem_shared>>
          %dma_start3A_76 = arith.constant 0 : i32
          %dma_start3A_77 = tpu.memref_slice %arg10[%mul3A_67, %dma_start3A_76] : memref<10000x128xf32, #tpu.memory_space<vmem_shared>> -> memref<80x128xf32, #tpu.memory_space<vmem_shared>>
          %dma_start3A_78 = arith.constant 0 : i32
          %dma_start3A_79 = arith.constant 0 : i32
          %dma_start3A_80 = tpu.memref_slice %arg9[%run_scoped3A_68, %dma_start3A_78, %dma_start3A_79] : memref<2x80x128xf32, #tpu.memory_space<vmem>> -> memref<1x80x128xf32, #tpu.memory_space<vmem>>
          %dma_start3A_81 = tpu.memref_squeeze %dma_start3A_80 : memref<1x80x128xf32, #tpu.memory_space<vmem>> -> memref<80x128xf32, #tpu.memory_space<vmem>>
          tpu.enqueue_dma source(%dma_start3A_81 : memref<80x128xf32, #tpu.memory_space<vmem>>) target(%dma_start3A_77 : memref<80x128xf32, #tpu.memory_space<vmem_shared>>) target_semaphore(%run_scoped3A_69 : memref<!tpu.dma_semaphore, #tpu.memory_space<semaphore_mem>>)
          %dma_wait3A_82 = arith.constant 0 : i32
          %dma_wait3A_83 = arith.constant 0 : i32
          %dma_wait3A_84 = tpu.memref_slice %arg9[%run_scoped3A_68, %dma_wait3A_82, %dma_wait3A_83] : memref<2x80x128xf32, #tpu.memory_space<vmem>> -> memref<1x80x128xf32, #tpu.memory_space<vmem>>
          %dma_wait3A_85 = tpu.memref_squeeze %dma_wait3A_84 : memref<1x80x128xf32, #tpu.memory_space<vmem>> -> memref<80x128xf32, #tpu.memory_space<vmem>>
          %dma_wait3A_86 = arith.constant 0 : i32
          %dma_wait3A_87 = tpu.memref_slice %arg10[%mul3A_67, %dma_wait3A_86] : memref<10000x128xf32, #tpu.memory_space<vmem_shared>> -> memref<80x128xf32, #tpu.memory_space<vmem_shared>>
          %dma_wait3A_88 = arith.constant 0 : i32
          %dma_wait3A_89 = tpu.memref_slice %arg10[%mul3A_67, %dma_wait3A_88] : memref<10000x128xf32, #tpu.memory_space<vmem_shared>> -> memref<80x128xf32, #tpu.memory_space<vmem_shared>>
          %dma_wait3A_90 = arith.constant 0 : i32
          %dma_wait3A_91 = arith.constant 0 : i32
          %dma_wait3A_92 = tpu.memref_slice %arg9[%run_scoped3A_68, %dma_wait3A_90, %dma_wait3A_91] : memref<2x80x128xf32, #tpu.memory_space<vmem>> -> memref<1x80x128xf32, #tpu.memory_space<vmem>>
          %dma_wait3A_93 = tpu.memref_squeeze %dma_wait3A_92 : memref<1x80x128xf32, #tpu.memory_space<vmem>> -> memref<80x128xf32, #tpu.memory_space<vmem>>
          tpu.wait_dma2 semaphore(%run_scoped3A_69 : memref<!tpu.dma_semaphore, #tpu.memory_space<semaphore_mem>>) src(%dma_wait3A_93 : memref<80x128xf32, #tpu.memory_space<vmem>>) dst(%dma_wait3A_89 : memref<80x128xf32, #tpu.memory_space<vmem_shared>>)
          tpu.yield
        }) : () -> ()
      } else {
      }
    }
    %scan3A_14 = arith.constant 8 : i32
    %mul3A_15 = arith.constant 160000 : i32
    %mul3A_16 = arith.muli %arg0, %mul3A_15 : i32
    %add3A_17 = arith.addi %mul3A_16, %mul3A_0 : i32
    %dma_wait3A = tpu.memref_slice %arg3[%add3A_17] : memref<320000xi32, #tpu.memory_space<hbm>> -> memref<10000xi32, #tpu.memory_space<hbm>>
    %dma_wait3A_18 = tpu.memref_slice %arg3[%add3A_17] : memref<320000xi32, #tpu.memory_space<hbm>> -> memref<10000xi32, #tpu.memory_space<hbm>>
    tpu.wait_dma2 semaphore(%arg11 : memref<!tpu.dma_semaphore, #tpu.memory_space<semaphore_mem>>) src(%dma_wait3A_18 : memref<10000xi32, #tpu.memory_space<hbm>>) dst(%arg7 : memref<10000xi32, #tpu.memory_space<vmem>>)
    %scan3A_19 = arith.constant 0 : i32
    %scan3A_20 = arith.constant 0 : i32
    %scan3A_21 = arith.constant 125 : i32
    %scan3A_22 = arith.addi %scan3A_20, %scan3A_21 : i32
    %scan3A_23 = arith.constant 1 : i32
    scf.for %scan3A_60 = %scan3A_20 to %scan3A_22 step %scan3A_23  : i32 {
      %mul3A_61 = arith.constant 80 : i32
      %mul3A_62 = arith.muli %scan3A_60, %mul3A_61 : i32
      %add3A_63 = arith.addi %mul3A_0, %mul3A_62 : i32
      %dma_wait3A_64 = arith.constant 0 : i32
      %dma_wait3A_65 = tpu.memref_slice %arg8[%scan3A_60, %dma_wait3A_64] : memref<125x80xi32, #tpu.memory_space<vmem>> -> memref<1x80xi32, #tpu.memory_space<vmem>>
      %dma_wait3A_66 = tpu.memref_squeeze %dma_wait3A_65 : memref<1x80xi32, #tpu.memory_space<vmem>> -> memref<80xi32, #tpu.memory_space<vmem>>
      %dma_wait3A_67 = tpu.memref_slice %arg4[%add3A_63] : memref<160000xi32, #tpu.memory_space<hbm>> -> memref<80xi32, #tpu.memory_space<hbm>>
      %dma_wait3A_68 = arith.constant 0 : i32
      %dma_wait3A_69 = tpu.memref_slice %arg8[%scan3A_60, %dma_wait3A_68] : memref<125x80xi32, #tpu.memory_space<vmem>> -> memref<1x80xi32, #tpu.memory_space<vmem>>
      %dma_wait3A_70 = tpu.memref_squeeze %dma_wait3A_69 : memref<1x80xi32, #tpu.memory_space<vmem>> -> memref<80xi32, #tpu.memory_space<vmem>>
      %dma_wait3A_71 = tpu.memref_slice %arg4[%add3A_63] : memref<160000xi32, #tpu.memory_space<hbm>> -> memref<80xi32, #tpu.memory_space<hbm>>
      tpu.wait_dma2 semaphore(%arg11 : memref<!tpu.dma_semaphore, #tpu.memory_space<semaphore_mem>>) src(%dma_wait3A_71 : memref<80xi32, #tpu.memory_space<hbm>>) dst(%dma_wait3A_70 : memref<80xi32, #tpu.memory_space<vmem>>)
    }
    %scan3A_24 = arith.constant 125 : i32
    %barrier3A = arith.constant 0 : index
    tpu.barrier barrier_id(%barrier3A)
    %dma_start3A_25 = arith.constant 0 : i32
    %dma_start3A_26 = arith.constant 0 : i32
    %dma_start3A_27 = arith.constant 0 : i32
    %dma_start3A_28 = tpu.memref_slice %arg9[%dma_start3A_25, %dma_start3A_26, %dma_start3A_27] : memref<2x80x128xf32, #tpu.memory_space<vmem>> -> memref<1x80x128xf32, #tpu.memory_space<vmem>>
    %dma_start3A_29 = tpu.memref_squeeze %dma_start3A_28 : memref<1x80x128xf32, #tpu.memory_space<vmem>> -> memref<80x128xf32, #tpu.memory_space<vmem>>
    %dma_start3A_30 = arith.constant 0 : i32
    %dma_start3A_31 = tpu.memref_slice %arg7[%dma_start3A_30] : memref<10000xi32, #tpu.memory_space<vmem>> -> memref<80xi32, #tpu.memory_space<vmem>>
    %dma_start3A_32 = arith.constant 0 : i32
    %dma_start3A_33 = arith.constant 0 : i32
    %dma_start3A_34 = tpu.memref_slice %arg2[%dma_start3A_32, %dma_start3A_33] : memref<20000x128xf32, #tpu.memory_space<hbm>> -> memref<20000x128xf32, #tpu.memory_space<hbm>>
    tpu.enqueue_indirect_dma source(%dma_start3A_34 : memref<20000x128xf32, #tpu.memory_space<hbm>>) target(%dma_start3A_29 : memref<80x128xf32, #tpu.memory_space<vmem>>) offsets(%dma_start3A_31 : memref<80xi32, #tpu.memory_space<vmem>>) semaphore(%arg12 : memref<!tpu.dma_semaphore, #tpu.memory_space<semaphore_mem>>)
    %scan3A_35 = arith.constant 0 : i32
    %scan3A_36 = arith.constant 0 : i32
    %scan3A_37 = arith.constant 62 : i32
    %scan3A_38 = arith.addi %scan3A_36, %scan3A_37 : i32
    %scan3A_39 = arith.constant 1 : i32
    scf.for %scan3A_60 = %scan3A_36 to %scan3A_38 step %scan3A_39  : i32 {
      %mul3A_61 = arith.constant 2 : i32
      %mul3A_62 = arith.muli %mul3A_61, %scan3A_60 : i32
      %add3A_63 = arith.constant 1 : i32
      %add3A_64 = arith.addi %mul3A_62, %add3A_63 : i32
      %mul3A_65 = arith.constant 80 : i32
      %mul3A_66 = arith.muli %add3A_64, %mul3A_65 : i32
      %dma_start3A_67 = arith.constant 1 : i32
      %dma_start3A_68 = arith.constant 0 : i32
      %dma_start3A_69 = arith.constant 0 : i32
      %dma_start3A_70 = tpu.memref_slice %arg9[%dma_start3A_67, %dma_start3A_68, %dma_start3A_69] : memref<2x80x128xf32, #tpu.memory_space<vmem>> -> memref<1x80x128xf32, #tpu.memory_space<vmem>>
      %dma_start3A_71 = tpu.memref_squeeze %dma_start3A_70 : memref<1x80x128xf32, #tpu.memory_space<vmem>> -> memref<80x128xf32, #tpu.memory_space<vmem>>
      %dma_start3A_72 = tpu.memref_slice %arg7[%mul3A_66] : memref<10000xi32, #tpu.memory_space<vmem>> -> memref<80xi32, #tpu.memory_space<vmem>>
      %dma_start3A_73 = arith.constant 0 : i32
      %dma_start3A_74 = arith.constant 0 : i32
      %dma_start3A_75 = tpu.memref_slice %arg2[%dma_start3A_73, %dma_start3A_74] : memref<20000x128xf32, #tpu.memory_space<hbm>> -> memref<20000x128xf32, #tpu.memory_space<hbm>>
      tpu.enqueue_indirect_dma source(%dma_start3A_75 : memref<20000x128xf32, #tpu.memory_space<hbm>>) target(%dma_start3A_71 : memref<80x128xf32, #tpu.memory_space<vmem>>) offsets(%dma_start3A_72 : memref<80xi32, #tpu.memory_space<vmem>>) semaphore(%arg13 : memref<!tpu.dma_semaphore, #tpu.memory_space<semaphore_mem>>)
      %mul3A_76 = arith.constant 80 : i32
      %mul3A_77 = arith.muli %mul3A_62, %mul3A_76 : i32
      %dma_wait3A_78 = arith.constant 0 : i32
      %dma_wait3A_79 = arith.constant 0 : i32
      %dma_wait3A_80 = arith.constant 0 : i32
      %dma_wait3A_81 = tpu.memref_slice %arg9[%dma_wait3A_78, %dma_wait3A_79, %dma_wait3A_80] : memref<2x80x128xf32, #tpu.memory_space<vmem>> -> memref<1x80x128xf32, #tpu.memory_space<vmem>>
      %dma_wait3A_82 = tpu.memref_squeeze %dma_wait3A_81 : memref<1x80x128xf32, #tpu.memory_space<vmem>> -> memref<80x128xf32, #tpu.memory_space<vmem>>
      %dma_wait3A_83 = tpu.memref_slice %arg7[%mul3A_77] : memref<10000xi32, #tpu.memory_space<vmem>> -> memref<80xi32, #tpu.memory_space<vmem>>
      %dma_wait3A_84 = arith.constant 0 : i32
      %dma_wait3A_85 = arith.constant 0 : i32
      %dma_wait3A_86 = tpu.memref_slice %arg2[%dma_wait3A_84, %dma_wait3A_85] : memref<20000x128xf32, #tpu.memory_space<hbm>> -> memref<20000x128xf32, #tpu.memory_space<hbm>>
      tpu.wait_indirect_dma semaphore(%arg12 : memref<!tpu.dma_semaphore, #tpu.memory_space<semaphore_mem>>) src(%dma_wait3A_86 : memref<20000x128xf32, #tpu.memory_space<hbm>>) dst(%dma_wait3A_82 : memref<80x128xf32, #tpu.memory_space<vmem>>)
      %run_scoped3A_87 = arith.constant 0 : i32
      "tpu.region"() ({
        %run_scoped3A_117 = tpu.sem_alloc : memref<!tpu.dma_semaphore, #tpu.memory_space<semaphore_mem>>
        %dma_start3A_118 = arith.constant 0 : i32
        %dma_start3A_119 = arith.constant 0 : i32
        %dma_start3A_120 = tpu.memref_slice %arg9[%run_scoped3A_87, %dma_start3A_118, %dma_start3A_119] : memref<2x80x128xf32, #tpu.memory_space<vmem>> -> memref<1x80x128xf32, #tpu.memory_space<vmem>>
        %dma_start3A_121 = tpu.memref_squeeze %dma_start3A_120 : memref<1x80x128xf32, #tpu.memory_space<vmem>> -> memref<80x128xf32, #tpu.memory_space<vmem>>
        %dma_start3A_122 = arith.constant 0 : i32
        %dma_start3A_123 = tpu.memref_slice %arg8[%mul3A_62, %dma_start3A_122] : memref<125x80xi32, #tpu.memory_space<vmem>> -> memref<1x80xi32, #tpu.memory_space<vmem>>
        %dma_start3A_124 = tpu.memref_squeeze %dma_start3A_123 : memref<1x80xi32, #tpu.memory_space<vmem>> -> memref<80xi32, #tpu.memory_space<vmem>>
        %dma_start3A_125 = arith.constant 0 : i32
        %dma_start3A_126 = arith.constant 0 : i32
        %dma_start3A_127 = tpu.memref_slice %arg10[%dma_start3A_125, %dma_start3A_126] : memref<10000x128xf32, #tpu.memory_space<vmem_shared>> -> memref<10000x128xf32, #tpu.memory_space<vmem_shared>>
        tpu.enqueue_indirect_dma source(%dma_start3A_121 : memref<80x128xf32, #tpu.memory_space<vmem>>) target(%dma_start3A_127 : memref<10000x128xf32, #tpu.memory_space<vmem_shared>>) offsets(%dma_start3A_124 : memref<80xi32, #tpu.memory_space<vmem>>) semaphore(%run_scoped3A_117 : memref<!tpu.dma_semaphore, #tpu.memory_space<semaphore_mem>>) {add = true}
        %dma_wait3A_128 = arith.constant 0 : i32
        %dma_wait3A_129 = arith.constant 0 : i32
        %dma_wait3A_130 = tpu.memref_slice %arg9[%run_scoped3A_87, %dma_wait3A_128, %dma_wait3A_129] : memref<2x80x128xf32, #tpu.memory_space<vmem>> -> memref<1x80x128xf32, #tpu.memory_space<vmem>>
        %dma_wait3A_131 = tpu.memref_squeeze %dma_wait3A_130 : memref<1x80x128xf32, #tpu.memory_space<vmem>> -> memref<80x128xf32, #tpu.memory_space<vmem>>
        %dma_wait3A_132 = arith.constant 0 : i32
        %dma_wait3A_133 = tpu.memref_slice %arg8[%mul3A_62, %dma_wait3A_132] : memref<125x80xi32, #tpu.memory_space<vmem>> -> memref<1x80xi32, #tpu.memory_space<vmem>>
        %dma_wait3A_134 = tpu.memref_squeeze %dma_wait3A_133 : memref<1x80xi32, #tpu.memory_space<vmem>> -> memref<80xi32, #tpu.memory_space<vmem>>
        %dma_wait3A_135 = arith.constant 0 : i32
        %dma_wait3A_136 = arith.constant 0 : i32
        %dma_wait3A_137 = tpu.memref_slice %arg10[%dma_wait3A_135, %dma_wait3A_136] : memref<10000x128xf32, #tpu.memory_space<vmem_shared>> -> memref<10000x128xf32, #tpu.memory_space<vmem_shared>>
        tpu.wait_indirect_dma semaphore(%run_scoped3A_117 : memref<!tpu.dma_semaphore, #tpu.memory_space<semaphore_mem>>) src(%dma_wait3A_131 : memref<80x128xf32, #tpu.memory_space<vmem>>) dst(%dma_wait3A_137 : memref<10000x128xf32, #tpu.memory_space<vmem_shared>>)
        tpu.yield
      }) : () -> ()
      %add3A_88 = arith.constant 2 : i32
      %add3A_89 = arith.addi %mul3A_62, %add3A_88 : i32
      %mul3A_90 = arith.constant 80 : i32
      %mul3A_91 = arith.muli %add3A_89, %mul3A_90 : i32
      %dma_start3A_92 = arith.constant 0 : i32
      %dma_start3A_93 = arith.constant 0 : i32
      %dma_start3A_94 = arith.constant 0 : i32
      %dma_start3A_95 = tpu.memref_slice %arg9[%dma_start3A_92, %dma_start3A_93, %dma_start3A_94] : memref<2x80x128xf32, #tpu.memory_space<vmem>> -> memref<1x80x128xf32, #tpu.memory_space<vmem>>
      %dma_start3A_96 = tpu.memref_squeeze %dma_start3A_95 : memref<1x80x128xf32, #tpu.memory_space<vmem>> -> memref<80x128xf32, #tpu.memory_space<vmem>>
      %dma_start3A_97 = tpu.memref_slice %arg7[%mul3A_91] : memref<10000xi32, #tpu.memory_space<vmem>> -> memref<80xi32, #tpu.memory_space<vmem>>
      %dma_start3A_98 = arith.constant 0 : i32
      %dma_start3A_99 = arith.constant 0 : i32
      %dma_start3A_100 = tpu.memref_slice %arg2[%dma_start3A_98, %dma_start3A_99] : memref<20000x128xf32, #tpu.memory_space<hbm>> -> memref<20000x128xf32, #tpu.memory_space<hbm>>
      tpu.enqueue_indirect_dma source(%dma_start3A_100 : memref<20000x128xf32, #tpu.memory_space<hbm>>) target(%dma_start3A_96 : memref<80x128xf32, #tpu.memory_space<vmem>>) offsets(%dma_start3A_97 : memref<80xi32, #tpu.memory_space<vmem>>) semaphore(%arg12 : memref<!tpu.dma_semaphore, #tpu.memory_space<semaphore_mem>>)
      %add3A_101 = arith.constant 1 : i32
      %add3A_102 = arith.addi %mul3A_62, %add3A_101 : i32
      %mul3A_103 = arith.constant 80 : i32
      %mul3A_104 = arith.muli %add3A_102, %mul3A_103 : i32
      %dma_wait3A_105 = arith.constant 1 : i32
      %dma_wait3A_106 = arith.constant 0 : i32
      %dma_wait3A_107 = arith.constant 0 : i32
      %dma_wait3A_108 = tpu.memref_slice %arg9[%dma_wait3A_105, %dma_wait3A_106, %dma_wait3A_107] : memref<2x80x128xf32, #tpu.memory_space<vmem>> -> memref<1x80x128xf32, #tpu.memory_space<vmem>>
      %dma_wait3A_109 = tpu.memref_squeeze %dma_wait3A_108 : memref<1x80x128xf32, #tpu.memory_space<vmem>> -> memref<80x128xf32, #tpu.memory_space<vmem>>
      %dma_wait3A_110 = tpu.memref_slice %arg7[%mul3A_104] : memref<10000xi32, #tpu.memory_space<vmem>> -> memref<80xi32, #tpu.memory_space<vmem>>
      %dma_wait3A_111 = arith.constant 0 : i32
      %dma_wait3A_112 = arith.constant 0 : i32
      %dma_wait3A_113 = tpu.memref_slice %arg2[%dma_wait3A_111, %dma_wait3A_112] : memref<20000x128xf32, #tpu.memory_space<hbm>> -> memref<20000x128xf32, #tpu.memory_space<hbm>>
      tpu.wait_indirect_dma semaphore(%arg13 : memref<!tpu.dma_semaphore, #tpu.memory_space<semaphore_mem>>) src(%dma_wait3A_113 : memref<20000x128xf32, #tpu.memory_space<hbm>>) dst(%dma_wait3A_109 : memref<80x128xf32, #tpu.memory_space<vmem>>)
      %add3A_114 = arith.constant 1 : i32
      %add3A_115 = arith.addi %mul3A_62, %add3A_114 : i32
      %run_scoped3A_116 = arith.constant 1 : i32
      "tpu.region"() ({
        %run_scoped3A_117 = tpu.sem_alloc : memref<!tpu.dma_semaphore, #tpu.memory_space<semaphore_mem>>
        %dma_start3A_118 = arith.constant 0 : i32
        %dma_start3A_119 = arith.constant 0 : i32
        %dma_start3A_120 = tpu.memref_slice %arg9[%run_scoped3A_116, %dma_start3A_118, %dma_start3A_119] : memref<2x80x128xf32, #tpu.memory_space<vmem>> -> memref<1x80x128xf32, #tpu.memory_space<vmem>>
        %dma_start3A_121 = tpu.memref_squeeze %dma_start3A_120 : memref<1x80x128xf32, #tpu.memory_space<vmem>> -> memref<80x128xf32, #tpu.memory_space<vmem>>
        %dma_start3A_122 = arith.constant 0 : i32
        %dma_start3A_123 = tpu.memref_slice %arg8[%add3A_115, %dma_start3A_122] : memref<125x80xi32, #tpu.memory_space<vmem>> -> memref<1x80xi32, #tpu.memory_space<vmem>>
        %dma_start3A_124 = tpu.memref_squeeze %dma_start3A_123 : memref<1x80xi32, #tpu.memory_space<vmem>> -> memref<80xi32, #tpu.memory_space<vmem>>
        %dma_start3A_125 = arith.constant 0 : i32
        %dma_start3A_126 = arith.constant 0 : i32
        %dma_start3A_127 = tpu.memref_slice %arg10[%dma_start3A_125, %dma_start3A_126] : memref<10000x128xf32, #tpu.memory_space<vmem_shared>> -> memref<10000x128xf32, #tpu.memory_space<vmem_shared>>
        tpu.enqueue_indirect_dma source(%dma_start3A_121 : memref<80x128xf32, #tpu.memory_space<vmem>>) target(%dma_start3A_127 : memref<10000x128xf32, #tpu.memory_space<vmem_shared>>) offsets(%dma_start3A_124 : memref<80xi32, #tpu.memory_space<vmem>>) semaphore(%run_scoped3A_117 : memref<!tpu.dma_semaphore, #tpu.memory_space<semaphore_mem>>) {add = true}
        %dma_wait3A_128 = arith.constant 0 : i32
        %dma_wait3A_129 = arith.constant 0 : i32
        %dma_wait3A_130 = tpu.memref_slice %arg9[%run_scoped3A_116, %dma_wait3A_128, %dma_wait3A_129] : memref<2x80x128xf32, #tpu.memory_space<vmem>> -> memref<1x80x128xf32, #tpu.memory_space<vmem>>
        %dma_wait3A_131 = tpu.memref_squeeze %dma_wait3A_130 : memref<1x80x128xf32, #tpu.memory_space<vmem>> -> memref<80x128xf32, #tpu.memory_space<vmem>>
        %dma_wait3A_132 = arith.constant 0 : i32
        %dma_wait3A_133 = tpu.memref_slice %arg8[%add3A_115, %dma_wait3A_132] : memref<125x80xi32, #tpu.memory_space<vmem>> -> memref<1x80xi32, #tpu.memory_space<vmem>>
        %dma_wait3A_134 = tpu.memref_squeeze %dma_wait3A_133 : memref<1x80xi32, #tpu.memory_space<vmem>> -> memref<80xi32, #tpu.memory_space<vmem>>
        %dma_wait3A_135 = arith.constant 0 : i32
        %dma_wait3A_136 = arith.constant 0 : i32
        %dma_wait3A_137 = tpu.memref_slice %arg10[%dma_wait3A_135, %dma_wait3A_136] : memref<10000x128xf32, #tpu.memory_space<vmem_shared>> -> memref<10000x128xf32, #tpu.memory_space<vmem_shared>>
        tpu.wait_indirect_dma semaphore(%run_scoped3A_117 : memref<!tpu.dma_semaphore, #tpu.memory_space<semaphore_mem>>) src(%dma_wait3A_131 : memref<80x128xf32, #tpu.memory_space<vmem>>) dst(%dma_wait3A_137 : memref<10000x128xf32, #tpu.memory_space<vmem_shared>>)
        tpu.yield
      }) : () -> ()
    }
    %scan3A_40 = arith.constant 62 : i32
    %dma_wait3A_41 = arith.constant 0 : i32
    %dma_wait3A_42 = arith.constant 0 : i32
    %dma_wait3A_43 = arith.constant 0 : i32
    %dma_wait3A_44 = tpu.memref_slice %arg9[%dma_wait3A_41, %dma_wait3A_42, %dma_wait3A_43] : memref<2x80x128xf32, #tpu.memory_space<vmem>> -> memref<1x80x128xf32, #tpu.memory_space<vmem>>
    %dma_wait3A_45 = tpu.memref_squeeze %dma_wait3A_44 : memref<1x80x128xf32, #tpu.memory_space<vmem>> -> memref<80x128xf32, #tpu.memory_space<vmem>>
    %dma_wait3A_46 = arith.constant 9920 : i32
    %dma_wait3A_47 = tpu.memref_slice %arg7[%dma_wait3A_46] : memref<10000xi32, #tpu.memory_space<vmem>> -> memref<80xi32, #tpu.memory_space<vmem>>
    %dma_wait3A_48 = arith.constant 0 : i32
    %dma_wait3A_49 = arith.constant 0 : i32
    %dma_wait3A_50 = tpu.memref_slice %arg2[%dma_wait3A_48, %dma_wait3A_49] : memref<20000x128xf32, #tpu.memory_space<hbm>> -> memref<20000x128xf32, #tpu.memory_space<hbm>>
    tpu.wait_indirect_dma semaphore(%arg12 : memref<!tpu.dma_semaphore, #tpu.memory_space<semaphore_mem>>) src(%dma_wait3A_50 : memref<20000x128xf32, #tpu.memory_space<hbm>>) dst(%dma_wait3A_45 : memref<80x128xf32, #tpu.memory_space<vmem>>)
    %run_scoped3A_51 = arith.constant 0 : i32
    %run_scoped3A_52 = arith.constant 124 : i32
    "tpu.region"() ({
      %run_scoped3A_60 = tpu.sem_alloc : memref<!tpu.dma_semaphore, #tpu.memory_space<semaphore_mem>>
      %dma_start3A_61 = arith.constant 0 : i32
      %dma_start3A_62 = arith.constant 0 : i32
      %dma_start3A_63 = tpu.memref_slice %arg9[%run_scoped3A_51, %dma_start3A_61, %dma_start3A_62] : memref<2x80x128xf32, #tpu.memory_space<vmem>> -> memref<1x80x128xf32, #tpu.memory_space<vmem>>
      %dma_start3A_64 = tpu.memref_squeeze %dma_start3A_63 : memref<1x80x128xf32, #tpu.memory_space<vmem>> -> memref<80x128xf32, #tpu.memory_space<vmem>>
      %dma_start3A_65 = arith.constant 0 : i32
      %dma_start3A_66 = tpu.memref_slice %arg8[%run_scoped3A_52, %dma_start3A_65] : memref<125x80xi32, #tpu.memory_space<vmem>> -> memref<1x80xi32, #tpu.memory_space<vmem>>
      %dma_start3A_67 = tpu.memref_squeeze %dma_start3A_66 : memref<1x80xi32, #tpu.memory_space<vmem>> -> memref<80xi32, #tpu.memory_space<vmem>>
      %dma_start3A_68 = arith.constant 0 : i32
      %dma_start3A_69 = arith.constant 0 : i32
      %dma_start3A_70 = tpu.memref_slice %arg10[%dma_start3A_68, %dma_start3A_69] : memref<10000x128xf32, #tpu.memory_space<vmem_shared>> -> memref<10000x128xf32, #tpu.memory_space<vmem_shared>>
      tpu.enqueue_indirect_dma source(%dma_start3A_64 : memref<80x128xf32, #tpu.memory_space<vmem>>) target(%dma_start3A_70 : memref<10000x128xf32, #tpu.memory_space<vmem_shared>>) offsets(%dma_start3A_67 : memref<80xi32, #tpu.memory_space<vmem>>) semaphore(%run_scoped3A_60 : memref<!tpu.dma_semaphore, #tpu.memory_space<semaphore_mem>>) {add = true}
      %dma_wait3A_71 = arith.constant 0 : i32
      %dma_wait3A_72 = arith.constant 0 : i32
      %dma_wait3A_73 = tpu.memref_slice %arg9[%run_scoped3A_51, %dma_wait3A_71, %dma_wait3A_72] : memref<2x80x128xf32, #tpu.memory_space<vmem>> -> memref<1x80x128xf32, #tpu.memory_space<vmem>>
      %dma_wait3A_74 = tpu.memref_squeeze %dma_wait3A_73 : memref<1x80x128xf32, #tpu.memory_space<vmem>> -> memref<80x128xf32, #tpu.memory_space<vmem>>
      %dma_wait3A_75 = arith.constant 0 : i32
      %dma_wait3A_76 = tpu.memref_slice %arg8[%run_scoped3A_52, %dma_wait3A_75] : memref<125x80xi32, #tpu.memory_space<vmem>> -> memref<1x80xi32, #tpu.memory_space<vmem>>
      %dma_wait3A_77 = tpu.memref_squeeze %dma_wait3A_76 : memref<1x80xi32, #tpu.memory_space<vmem>> -> memref<80xi32, #tpu.memory_space<vmem>>
      %dma_wait3A_78 = arith.constant 0 : i32
      %dma_wait3A_79 = arith.constant 0 : i32
      %dma_wait3A_80 = tpu.memref_slice %arg10[%dma_wait3A_78, %dma_wait3A_79] : memref<10000x128xf32, #tpu.memory_space<vmem_shared>> -> memref<10000x128xf32, #tpu.memory_space<vmem_shared>>
      tpu.wait_indirect_dma semaphore(%run_scoped3A_60 : memref<!tpu.dma_semaphore, #tpu.memory_space<semaphore_mem>>) src(%dma_wait3A_74 : memref<80x128xf32, #tpu.memory_space<vmem>>) dst(%dma_wait3A_80 : memref<10000x128xf32, #tpu.memory_space<vmem_shared>>)
      tpu.yield
    }) : () -> ()
    %barrier3A_53 = arith.constant 0 : index
    tpu.barrier barrier_id(%barrier3A_53)
    %scan3A_54 = arith.constant 0 : i32
    %scan3A_55 = arith.constant 0 : i32
    %scan3A_56 = arith.constant 8 : i32
    %scan3A_57 = arith.addi %scan3A_55, %scan3A_56 : i32
    %scan3A_58 = arith.constant 1 : i32
    scf.for %scan3A_60 = %scan3A_55 to %scan3A_57 step %scan3A_58  : i32 {
      %mul3A_61 = arith.constant 16 : i32
      %mul3A_62 = arith.muli %scan3A_60, %mul3A_61 : i32
      %add3A_63 = arith.addi %arg1, %mul3A_62 : i32
      %lt3A = arith.constant 125 : i32
      %lt3A_64 = arith.cmpi slt, %add3A_63, %lt3A : i32
      %convert_element_type3A = arith.extui %lt3A_64 : i1 to i32
      %cond3A = arith.constant 0 : i32
      %cond3A_65 = arith.cmpi ne, %convert_element_type3A, %cond3A : i32
      scf.if %cond3A_65 {
        %mul3A_66 = arith.constant 80 : i32
        %mul3A_67 = arith.muli %add3A_63, %mul3A_66 : i32
        %run_scoped3A_68 = arith.constant 0 : i32
        "tpu.region"() ({
          %run_scoped3A_70 = tpu.sem_alloc : memref<!tpu.dma_semaphore, #tpu.memory_space<semaphore_mem>>
          %dma_start3A_71 = arith.constant 0 : i32
          %dma_start3A_72 = arith.constant 0 : i32
          %dma_start3A_73 = tpu.memref_slice %arg9[%run_scoped3A_68, %dma_start3A_71, %dma_start3A_72] : memref<2x80x128xf32, #tpu.memory_space<vmem>> -> memref<1x80x128xf32, #tpu.memory_space<vmem>>
          %dma_start3A_74 = tpu.memref_squeeze %dma_start3A_73 : memref<1x80x128xf32, #tpu.memory_space<vmem>> -> memref<80x128xf32, #tpu.memory_space<vmem>>
          %dma_start3A_75 = arith.constant 0 : i32
          %dma_start3A_76 = tpu.memref_slice %arg10[%mul3A_67, %dma_start3A_75] : memref<10000x128xf32, #tpu.memory_space<vmem_shared>> -> memref<80x128xf32, #tpu.memory_space<vmem_shared>>
          %dma_start3A_77 = arith.constant 0 : i32
          %dma_start3A_78 = arith.constant 0 : i32
          %dma_start3A_79 = tpu.memref_slice %arg9[%run_scoped3A_68, %dma_start3A_77, %dma_start3A_78] : memref<2x80x128xf32, #tpu.memory_space<vmem>> -> memref<1x80x128xf32, #tpu.memory_space<vmem>>
          %dma_start3A_80 = tpu.memref_squeeze %dma_start3A_79 : memref<1x80x128xf32, #tpu.memory_space<vmem>> -> memref<80x128xf32, #tpu.memory_space<vmem>>
          %dma_start3A_81 = arith.constant 0 : i32
          %dma_start3A_82 = tpu.memref_slice %arg10[%mul3A_67, %dma_start3A_81] : memref<10000x128xf32, #tpu.memory_space<vmem_shared>> -> memref<80x128xf32, #tpu.memory_space<vmem_shared>>
          tpu.enqueue_dma source(%dma_start3A_82 : memref<80x128xf32, #tpu.memory_space<vmem_shared>>) target(%dma_start3A_80 : memref<80x128xf32, #tpu.memory_space<vmem>>) target_semaphore(%run_scoped3A_70 : memref<!tpu.dma_semaphore, #tpu.memory_space<semaphore_mem>>)
          %dma_wait3A_83 = arith.constant 0 : i32
          %dma_wait3A_84 = arith.constant 0 : i32
          %dma_wait3A_85 = tpu.memref_slice %arg9[%run_scoped3A_68, %dma_wait3A_83, %dma_wait3A_84] : memref<2x80x128xf32, #tpu.memory_space<vmem>> -> memref<1x80x128xf32, #tpu.memory_space<vmem>>
          %dma_wait3A_86 = tpu.memref_squeeze %dma_wait3A_85 : memref<1x80x128xf32, #tpu.memory_space<vmem>> -> memref<80x128xf32, #tpu.memory_space<vmem>>
          %dma_wait3A_87 = arith.constant 0 : i32
          %dma_wait3A_88 = tpu.memref_slice %arg10[%mul3A_67, %dma_wait3A_87] : memref<10000x128xf32, #tpu.memory_space<vmem_shared>> -> memref<80x128xf32, #tpu.memory_space<vmem_shared>>
          %dma_wait3A_89 = arith.constant 0 : i32
          %dma_wait3A_90 = arith.constant 0 : i32
          %dma_wait3A_91 = tpu.memref_slice %arg9[%run_scoped3A_68, %dma_wait3A_89, %dma_wait3A_90] : memref<2x80x128xf32, #tpu.memory_space<vmem>> -> memref<1x80x128xf32, #tpu.memory_space<vmem>>
          %dma_wait3A_92 = tpu.memref_squeeze %dma_wait3A_91 : memref<1x80x128xf32, #tpu.memory_space<vmem>> -> memref<80x128xf32, #tpu.memory_space<vmem>>
          %dma_wait3A_93 = arith.constant 0 : i32
          %dma_wait3A_94 = tpu.memref_slice %arg10[%mul3A_67, %dma_wait3A_93] : memref<10000x128xf32, #tpu.memory_space<vmem_shared>> -> memref<80x128xf32, #tpu.memory_space<vmem_shared>>
          tpu.wait_dma2 semaphore(%run_scoped3A_70 : memref<!tpu.dma_semaphore, #tpu.memory_space<semaphore_mem>>) src(%dma_wait3A_94 : memref<80x128xf32, #tpu.memory_space<vmem_shared>>) dst(%dma_wait3A_92 : memref<80x128xf32, #tpu.memory_space<vmem>>)
          tpu.yield
        }) : () -> ()
        %run_scoped3A_69 = arith.constant 0 : i32
        "tpu.region"() ({
          %run_scoped3A_70 = tpu.sem_alloc : memref<!tpu.dma_semaphore, #tpu.memory_space<semaphore_mem>>
          %dma_start3A_71 = arith.constant 0 : i32
          %dma_start3A_72 = arith.constant 0 : i32
          %dma_start3A_73 = tpu.memref_slice %arg9[%run_scoped3A_69, %dma_start3A_71, %dma_start3A_72] : memref<2x80x128xf32, #tpu.memory_space<vmem>> -> memref<1x80x128xf32, #tpu.memory_space<vmem>>
          %dma_start3A_74 = tpu.memref_squeeze %dma_start3A_73 : memref<1x80x128xf32, #tpu.memory_space<vmem>> -> memref<80x128xf32, #tpu.memory_space<vmem>>
          %dma_start3A_75 = arith.constant 0 : i32
          %dma_start3A_76 = tpu.memref_slice %arg6[%arg0, %mul3A_67, %dma_start3A_75] : memref<2x10000x128xf32, #tpu.memory_space<hbm>> -> memref<1x80x128xf32, #tpu.memory_space<hbm>>
          %dma_start3A_77 = tpu.memref_squeeze %dma_start3A_76 : memref<1x80x128xf32, #tpu.memory_space<hbm>> -> memref<80x128xf32, #tpu.memory_space<hbm>>
          %dma_start3A_78 = arith.constant 0 : i32
          %dma_start3A_79 = tpu.memref_slice %arg6[%arg0, %mul3A_67, %dma_start3A_78] : memref<2x10000x128xf32, #tpu.memory_space<hbm>> -> memref<1x80x128xf32, #tpu.memory_space<hbm>>
          %dma_start3A_80 = tpu.memref_squeeze %dma_start3A_79 : memref<1x80x128xf32, #tpu.memory_space<hbm>> -> memref<80x128xf32, #tpu.memory_space<hbm>>
          %dma_start3A_81 = arith.constant 0 : i32
          %dma_start3A_82 = arith.constant 0 : i32
          %dma_start3A_83 = tpu.memref_slice %arg9[%run_scoped3A_69, %dma_start3A_81, %dma_start3A_82] : memref<2x80x128xf32, #tpu.memory_space<vmem>> -> memref<1x80x128xf32, #tpu.memory_space<vmem>>
          %dma_start3A_84 = tpu.memref_squeeze %dma_start3A_83 : memref<1x80x128xf32, #tpu.memory_space<vmem>> -> memref<80x128xf32, #tpu.memory_space<vmem>>
          tpu.enqueue_dma source(%dma_start3A_84 : memref<80x128xf32, #tpu.memory_space<vmem>>) target(%dma_start3A_80 : memref<80x128xf32, #tpu.memory_space<hbm>>) target_semaphore(%run_scoped3A_70 : memref<!tpu.dma_semaphore, #tpu.memory_space<semaphore_mem>>)
          %dma_wait3A_85 = arith.constant 0 : i32
          %dma_wait3A_86 = arith.constant 0 : i32
          %dma_wait3A_87 = tpu.memref_slice %arg9[%run_scoped3A_69, %dma_wait3A_85, %dma_wait3A_86] : memref<2x80x128xf32, #tpu.memory_space<vmem>> -> memref<1x80x128xf32, #tpu.memory_space<vmem>>
          %dma_wait3A_88 = tpu.memref_squeeze %dma_wait3A_87 : memref<1x80x128xf32, #tpu.memory_space<vmem>> -> memref<80x128xf32, #tpu.memory_space<vmem>>
          %dma_wait3A_89 = arith.constant 0 : i32
          %dma_wait3A_90 = tpu.memref_slice %arg6[%arg0, %mul3A_67, %dma_wait3A_89] : memref<2x10000x128xf32, #tpu.memory_space<hbm>> -> memref<1x80x128xf32, #tpu.memory_space<hbm>>
          %dma_wait3A_91 = tpu.memref_squeeze %dma_wait3A_90 : memref<1x80x128xf32, #tpu.memory_space<hbm>> -> memref<80x128xf32, #tpu.memory_space<hbm>>
          %dma_wait3A_92 = arith.constant 0 : i32
          %dma_wait3A_93 = tpu.memref_slice %arg6[%arg0, %mul3A_67, %dma_wait3A_92] : memref<2x10000x128xf32, #tpu.memory_space<hbm>> -> memref<1x80x128xf32, #tpu.memory_space<hbm>>
          %dma_wait3A_94 = tpu.memref_squeeze %dma_wait3A_93 : memref<1x80x128xf32, #tpu.memory_space<hbm>> -> memref<80x128xf32, #tpu.memory_space<hbm>>
          %dma_wait3A_95 = arith.constant 0 : i32
          %dma_wait3A_96 = arith.constant 0 : i32
          %dma_wait3A_97 = tpu.memref_slice %arg9[%run_scoped3A_69, %dma_wait3A_95, %dma_wait3A_96] : memref<2x80x128xf32, #tpu.memory_space<vmem>> -> memref<1x80x128xf32, #tpu.memory_space<vmem>>
          %dma_wait3A_98 = tpu.memref_squeeze %dma_wait3A_97 : memref<1x80x128xf32, #tpu.memory_space<vmem>> -> memref<80x128xf32, #tpu.memory_space<vmem>>
          tpu.wait_dma2 semaphore(%run_scoped3A_70 : memref<!tpu.dma_semaphore, #tpu.memory_space<semaphore_mem>>) src(%dma_wait3A_98 : memref<80x128xf32, #tpu.memory_space<vmem>>) dst(%dma_wait3A_94 : memref<80x128xf32, #tpu.memory_space<hbm>>)
          tpu.yield
        }) : () -> ()
      } else {
      }
    }
    %scan3A_59 = arith.constant 8 : i32
    return
  }
}

#map = affine_map<(d0, d1) -> (0, 0)>
#map1 = affine_map<(d0, d1) -> (0)>
#map2 = affine_map<(d0, d1) -> (0, 0, 0)>
module attributes {stable_mosaic.version = 14 : i64} {
  func.func @sc_agg(%arg0: i32, %arg1: i32, %arg2: memref<20000x128xf32, #tpu.memory_space<hbm>>, %arg3: memref<320000xi32, #tpu.memory_space<hbm>>, %arg4: memref<160000xi32, #tpu.memory_space<hbm>>, %arg5: memref<80x128xf32, #tpu.memory_space<hbm>>, %arg6: memref<2x10000x128xf32, #tpu.memory_space<hbm>>, %arg7: memref<10000xi32, #tpu.memory_space<vmem>>, %arg8: memref<125x80xi32, #tpu.memory_space<vmem>>, %arg9: memref<2x80x128xf32, #tpu.memory_space<vmem>>, %arg10: memref<10000x128xf32, #tpu.memory_space<vmem_shared>>, %arg11: memref<!tpu.dma_semaphore, #tpu.memory_space<semaphore_mem>>, %arg12: memref<!tpu.dma_semaphore, #tpu.memory_space<semaphore_mem>>, %arg13: memref<!tpu.dma_semaphore, #tpu.memory_space<semaphore_mem>>) attributes {dimension_semantics = [#tpu.dimension_semantics<core_parallel>, #tpu.dimension_semantics<subcore_parallel>], iteration_bounds = array<i64: 2, 16>, scalar_prefetch = 0 : i64, scratch_operands = 7 : i64, tpu.core_type = #tpu.core_type<sc_vector_subcore>, window_params = [{transform_indices = #map}, {transform_indices = #map1}, {transform_indices = #map1}, {transform_indices = #map}, {transform_indices = #map2}]} {
    %mul3A = arith.constant 10000 : i32
    %mul3A_0 = arith.muli %arg1, %mul3A : i32
    %mul3A_1 = arith.constant 160000 : i32
    %mul3A_2 = arith.muli %arg0, %mul3A_1 : i32
    %add3A = arith.addi %mul3A_2, %mul3A_0 : i32
    %dma_start3A = tpu.memref_slice %arg3[%add3A] : memref<320000xi32, #tpu.memory_space<hbm>> -> memref<10000xi32, #tpu.memory_space<hbm>>
    %dma_start3A_3 = tpu.memref_slice %arg3[%add3A] : memref<320000xi32, #tpu.memory_space<hbm>> -> memref<10000xi32, #tpu.memory_space<hbm>>
    tpu.enqueue_dma source(%dma_start3A_3 : memref<10000xi32, #tpu.memory_space<hbm>>) target(%arg7 : memref<10000xi32, #tpu.memory_space<vmem>>) target_semaphore(%arg11 : memref<!tpu.dma_semaphore, #tpu.memory_space<semaphore_mem>>)
    %scan3A = arith.constant 0 : i32
    %scan3A_4 = arith.constant 0 : i32
    %scan3A_5 = arith.constant 125 : i32
    %scan3A_6 = arith.addi %scan3A_4, %scan3A_5 : i32
    %scan3A_7 = arith.constant 1 : i32
    scf.for %scan3A_60 = %scan3A_4 to %scan3A_6 step %scan3A_7  : i32 {
      %mul3A_61 = arith.constant 80 : i32
      %mul3A_62 = arith.muli %scan3A_60, %mul3A_61 : i32
      %add3A_63 = arith.addi %mul3A_0, %mul3A_62 : i32
      %dma_start3A_64 = arith.constant 0 : i32
      %dma_start3A_65 = tpu.memref_slice %arg8[%scan3A_60, %dma_start3A_64] : memref<125x80xi32, #tpu.memory_space<vmem>> -> memref<1x80xi32, #tpu.memory_space<vmem>>
      %dma_start3A_66 = tpu.memref_squeeze %dma_start3A_65 : memref<1x80xi32, #tpu.memory_space<vmem>> -> memref<80xi32, #tpu.memory_space<vmem>>
      %dma_start3A_67 = tpu.memref_slice %arg4[%add3A_63] : memref<160000xi32, #tpu.memory_space<hbm>> -> memref<80xi32, #tpu.memory_space<hbm>>
      %dma_start3A_68 = arith.constant 0 : i32
      %dma_start3A_69 = tpu.memref_slice %arg8[%scan3A_60, %dma_start3A_68] : memref<125x80xi32, #tpu.memory_space<vmem>> -> memref<1x80xi32, #tpu.memory_space<vmem>>
      %dma_start3A_70 = tpu.memref_squeeze %dma_start3A_69 : memref<1x80xi32, #tpu.memory_space<vmem>> -> memref<80xi32, #tpu.memory_space<vmem>>
      %dma_start3A_71 = tpu.memref_slice %arg4[%add3A_63] : memref<160000xi32, #tpu.memory_space<hbm>> -> memref<80xi32, #tpu.memory_space<hbm>>
      tpu.enqueue_dma source(%dma_start3A_71 : memref<80xi32, #tpu.memory_space<hbm>>) target(%dma_start3A_70 : memref<80xi32, #tpu.memory_space<vmem>>) target_semaphore(%arg11 : memref<!tpu.dma_semaphore, #tpu.memory_space<semaphore_mem>>)
    }
    %scan3A_8 = arith.constant 125 : i32
    %run_scoped3A = arith.constant 0 : i32
    "tpu.region"() ({
      %run_scoped3A_60 = tpu.sem_alloc : memref<!tpu.dma_semaphore, #tpu.memory_space<semaphore_mem>>
      %dma_start3A_61 = arith.constant 0 : i32
      %dma_start3A_62 = arith.constant 0 : i32
      %dma_start3A_63 = tpu.memref_slice %arg9[%run_scoped3A, %dma_start3A_61, %dma_start3A_62] : memref<2x80x128xf32, #tpu.memory_space<vmem>> -> memref<1x80x128xf32, #tpu.memory_space<vmem>>
      %dma_start3A_64 = tpu.memref_squeeze %dma_start3A_63 : memref<1x80x128xf32, #tpu.memory_space<vmem>> -> memref<80x128xf32, #tpu.memory_space<vmem>>
      %dma_start3A_65 = arith.constant 0 : i32
      %dma_start3A_66 = arith.constant 0 : i32
      %dma_start3A_67 = tpu.memref_slice %arg9[%run_scoped3A, %dma_start3A_65, %dma_start3A_66] : memref<2x80x128xf32, #tpu.memory_space<vmem>> -> memref<1x80x128xf32, #tpu.memory_space<vmem>>
      %dma_start3A_68 = tpu.memref_squeeze %dma_start3A_67 : memref<1x80x128xf32, #tpu.memory_space<vmem>> -> memref<80x128xf32, #tpu.memory_space<vmem>>
      tpu.enqueue_dma source(%arg5 : memref<80x128xf32, #tpu.memory_space<hbm>>) target(%dma_start3A_68 : memref<80x128xf32, #tpu.memory_space<vmem>>) target_semaphore(%run_scoped3A_60 : memref<!tpu.dma_semaphore, #tpu.memory_space<semaphore_mem>>)
      %dma_wait3A_69 = arith.constant 0 : i32
      %dma_wait3A_70 = arith.constant 0 : i32
      %dma_wait3A_71 = tpu.memref_slice %arg9[%run_scoped3A, %dma_wait3A_69, %dma_wait3A_70] : memref<2x80x128xf32, #tpu.memory_space<vmem>> -> memref<1x80x128xf32, #tpu.memory_space<vmem>>
      %dma_wait3A_72 = tpu.memref_squeeze %dma_wait3A_71 : memref<1x80x128xf32, #tpu.memory_space<vmem>> -> memref<80x128xf32, #tpu.memory_space<vmem>>
      %dma_wait3A_73 = arith.constant 0 : i32
      %dma_wait3A_74 = arith.constant 0 : i32
      %dma_wait3A_75 = tpu.memref_slice %arg9[%run_scoped3A, %dma_wait3A_73, %dma_wait3A_74] : memref<2x80x128xf32, #tpu.memory_space<vmem>> -> memref<1x80x128xf32, #tpu.memory_space<vmem>>
      %dma_wait3A_76 = tpu.memref_squeeze %dma_wait3A_75 : memref<1x80x128xf32, #tpu.memory_space<vmem>> -> memref<80x128xf32, #tpu.memory_space<vmem>>
      tpu.wait_dma2 semaphore(%run_scoped3A_60 : memref<!tpu.dma_semaphore, #tpu.memory_space<semaphore_mem>>) src(%arg5 : memref<80x128xf32, #tpu.memory_space<hbm>>) dst(%dma_wait3A_76 : memref<80x128xf32, #tpu.memory_space<vmem>>)
      tpu.yield
    }) : () -> ()
    %scan3A_9 = arith.constant 0 : i32
    %scan3A_10 = arith.constant 0 : i32
    %scan3A_11 = arith.constant 8 : i32
    %scan3A_12 = arith.addi %scan3A_10, %scan3A_11 : i32
    %scan3A_13 = arith.constant 1 : i32
    scf.for %scan3A_60 = %scan3A_10 to %scan3A_12 step %scan3A_13  : i32 {
      %mul3A_61 = arith.constant 16 : i32
      %mul3A_62 = arith.muli %scan3A_60, %mul3A_61 : i32
      %add3A_63 = arith.addi %arg1, %mul3A_62 : i32
      %lt3A = arith.constant 125 : i32
      %lt3A_64 = arith.cmpi slt, %add3A_63, %lt3A : i32
      %convert_element_type3A = arith.extui %lt3A_64 : i1 to i32
      %cond3A = arith.constant 0 : i32
      %cond3A_65 = arith.cmpi ne, %convert_element_type3A, %cond3A : i32
      scf.if %cond3A_65 {
        %mul3A_66 = arith.constant 80 : i32
        %mul3A_67 = arith.muli %add3A_63, %mul3A_66 : i32
        %run_scoped3A_68 = arith.constant 0 : i32
        "tpu.region"() ({
          %run_scoped3A_69 = tpu.sem_alloc : memref<!tpu.dma_semaphore, #tpu.memory_space<semaphore_mem>>
          %dma_start3A_70 = arith.constant 0 : i32
          %dma_start3A_71 = arith.constant 0 : i32
          %dma_start3A_72 = tpu.memref_slice %arg9[%run_scoped3A_68, %dma_start3A_70, %dma_start3A_71] : memref<2x80x128xf32, #tpu.memory_space<vmem>> -> memref<1x80x128xf32, #tpu.memory_space<vmem>>
          %dma_start3A_73 = tpu.memref_squeeze %dma_start3A_72 : memref<1x80x128xf32, #tpu.memory_space<vmem>> -> memref<80x128xf32, #tpu.memory_space<vmem>>
          %dma_start3A_74 = arith.constant 0 : i32
          %dma_start3A_75 = tpu.memref_slice %arg10[%mul3A_67, %dma_start3A_74] : memref<10000x128xf32, #tpu.memory_space<vmem_shared>> -> memref<80x128xf32, #tpu.memory_space<vmem_shared>>
          %dma_start3A_76 = arith.constant 0 : i32
          %dma_start3A_77 = tpu.memref_slice %arg10[%mul3A_67, %dma_start3A_76] : memref<10000x128xf32, #tpu.memory_space<vmem_shared>> -> memref<80x128xf32, #tpu.memory_space<vmem_shared>>
          %dma_start3A_78 = arith.constant 0 : i32
          %dma_start3A_79 = arith.constant 0 : i32
          %dma_start3A_80 = tpu.memref_slice %arg9[%run_scoped3A_68, %dma_start3A_78, %dma_start3A_79] : memref<2x80x128xf32, #tpu.memory_space<vmem>> -> memref<1x80x128xf32, #tpu.memory_space<vmem>>
          %dma_start3A_81 = tpu.memref_squeeze %dma_start3A_80 : memref<1x80x128xf32, #tpu.memory_space<vmem>> -> memref<80x128xf32, #tpu.memory_space<vmem>>
          tpu.enqueue_dma source(%dma_start3A_81 : memref<80x128xf32, #tpu.memory_space<vmem>>) target(%dma_start3A_77 : memref<80x128xf32, #tpu.memory_space<vmem_shared>>) target_semaphore(%run_scoped3A_69 : memref<!tpu.dma_semaphore, #tpu.memory_space<semaphore_mem>>)
          %dma_wait3A_82 = arith.constant 0 : i32
          %dma_wait3A_83 = arith.constant 0 : i32
          %dma_wait3A_84 = tpu.memref_slice %arg9[%run_scoped3A_68, %dma_wait3A_82, %dma_wait3A_83] : memref<2x80x128xf32, #tpu.memory_space<vmem>> -> memref<1x80x128xf32, #tpu.memory_space<vmem>>
          %dma_wait3A_85 = tpu.memref_squeeze %dma_wait3A_84 : memref<1x80x128xf32, #tpu.memory_space<vmem>> -> memref<80x128xf32, #tpu.memory_space<vmem>>
          %dma_wait3A_86 = arith.constant 0 : i32
          %dma_wait3A_87 = tpu.memref_slice %arg10[%mul3A_67, %dma_wait3A_86] : memref<10000x128xf32, #tpu.memory_space<vmem_shared>> -> memref<80x128xf32, #tpu.memory_space<vmem_shared>>
          %dma_wait3A_88 = arith.constant 0 : i32
          %dma_wait3A_89 = tpu.memref_slice %arg10[%mul3A_67, %dma_wait3A_88] : memref<10000x128xf32, #tpu.memory_space<vmem_shared>> -> memref<80x128xf32, #tpu.memory_space<vmem_shared>>
          %dma_wait3A_90 = arith.constant 0 : i32
          %dma_wait3A_91 = arith.constant 0 : i32
          %dma_wait3A_92 = tpu.memref_slice %arg9[%run_scoped3A_68, %dma_wait3A_90, %dma_wait3A_91] : memref<2x80x128xf32, #tpu.memory_space<vmem>> -> memref<1x80x128xf32, #tpu.memory_space<vmem>>
          %dma_wait3A_93 = tpu.memref_squeeze %dma_wait3A_92 : memref<1x80x128xf32, #tpu.memory_space<vmem>> -> memref<80x128xf32, #tpu.memory_space<vmem>>
          tpu.wait_dma2 semaphore(%run_scoped3A_69 : memref<!tpu.dma_semaphore, #tpu.memory_space<semaphore_mem>>) src(%dma_wait3A_93 : memref<80x128xf32, #tpu.memory_space<vmem>>) dst(%dma_wait3A_89 : memref<80x128xf32, #tpu.memory_space<vmem_shared>>)
          tpu.yield
        }) : () -> ()
      } else {
      }
    }
    %scan3A_14 = arith.constant 8 : i32
    %mul3A_15 = arith.constant 160000 : i32
    %mul3A_16 = arith.muli %arg0, %mul3A_15 : i32
    %add3A_17 = arith.addi %mul3A_16, %mul3A_0 : i32
    %dma_wait3A = tpu.memref_slice %arg3[%add3A_17] : memref<320000xi32, #tpu.memory_space<hbm>> -> memref<10000xi32, #tpu.memory_space<hbm>>
    %dma_wait3A_18 = tpu.memref_slice %arg3[%add3A_17] : memref<320000xi32, #tpu.memory_space<hbm>> -> memref<10000xi32, #tpu.memory_space<hbm>>
    tpu.wait_dma2 semaphore(%arg11 : memref<!tpu.dma_semaphore, #tpu.memory_space<semaphore_mem>>) src(%dma_wait3A_18 : memref<10000xi32, #tpu.memory_space<hbm>>) dst(%arg7 : memref<10000xi32, #tpu.memory_space<vmem>>)
    %scan3A_19 = arith.constant 0 : i32
    %scan3A_20 = arith.constant 0 : i32
    %scan3A_21 = arith.constant 125 : i32
    %scan3A_22 = arith.addi %scan3A_20, %scan3A_21 : i32
    %scan3A_23 = arith.constant 1 : i32
    scf.for %scan3A_60 = %scan3A_20 to %scan3A_22 step %scan3A_23  : i32 {
      %mul3A_61 = arith.constant 80 : i32
      %mul3A_62 = arith.muli %scan3A_60, %mul3A_61 : i32
      %add3A_63 = arith.addi %mul3A_0, %mul3A_62 : i32
      %dma_wait3A_64 = arith.constant 0 : i32
      %dma_wait3A_65 = tpu.memref_slice %arg8[%scan3A_60, %dma_wait3A_64] : memref<125x80xi32, #tpu.memory_space<vmem>> -> memref<1x80xi32, #tpu.memory_space<vmem>>
      %dma_wait3A_66 = tpu.memref_squeeze %dma_wait3A_65 : memref<1x80xi32, #tpu.memory_space<vmem>> -> memref<80xi32, #tpu.memory_space<vmem>>
      %dma_wait3A_67 = tpu.memref_slice %arg4[%add3A_63] : memref<160000xi32, #tpu.memory_space<hbm>> -> memref<80xi32, #tpu.memory_space<hbm>>
      %dma_wait3A_68 = arith.constant 0 : i32
      %dma_wait3A_69 = tpu.memref_slice %arg8[%scan3A_60, %dma_wait3A_68] : memref<125x80xi32, #tpu.memory_space<vmem>> -> memref<1x80xi32, #tpu.memory_space<vmem>>
      %dma_wait3A_70 = tpu.memref_squeeze %dma_wait3A_69 : memref<1x80xi32, #tpu.memory_space<vmem>> -> memref<80xi32, #tpu.memory_space<vmem>>
      %dma_wait3A_71 = tpu.memref_slice %arg4[%add3A_63] : memref<160000xi32, #tpu.memory_space<hbm>> -> memref<80xi32, #tpu.memory_space<hbm>>
      tpu.wait_dma2 semaphore(%arg11 : memref<!tpu.dma_semaphore, #tpu.memory_space<semaphore_mem>>) src(%dma_wait3A_71 : memref<80xi32, #tpu.memory_space<hbm>>) dst(%dma_wait3A_70 : memref<80xi32, #tpu.memory_space<vmem>>)
    }
    %scan3A_24 = arith.constant 125 : i32
    %barrier3A = arith.constant 0 : index
    tpu.barrier barrier_id(%barrier3A)
    %dma_start3A_25 = arith.constant 0 : i32
    %dma_start3A_26 = arith.constant 0 : i32
    %dma_start3A_27 = arith.constant 0 : i32
    %dma_start3A_28 = tpu.memref_slice %arg9[%dma_start3A_25, %dma_start3A_26, %dma_start3A_27] : memref<2x80x128xf32, #tpu.memory_space<vmem>> -> memref<1x80x128xf32, #tpu.memory_space<vmem>>
    %dma_start3A_29 = tpu.memref_squeeze %dma_start3A_28 : memref<1x80x128xf32, #tpu.memory_space<vmem>> -> memref<80x128xf32, #tpu.memory_space<vmem>>
    %dma_start3A_30 = arith.constant 0 : i32
    %dma_start3A_31 = tpu.memref_slice %arg7[%dma_start3A_30] : memref<10000xi32, #tpu.memory_space<vmem>> -> memref<80xi32, #tpu.memory_space<vmem>>
    %dma_start3A_32 = arith.constant 0 : i32
    %dma_start3A_33 = arith.constant 0 : i32
    %dma_start3A_34 = tpu.memref_slice %arg2[%dma_start3A_32, %dma_start3A_33] : memref<20000x128xf32, #tpu.memory_space<hbm>> -> memref<20000x128xf32, #tpu.memory_space<hbm>>
    tpu.enqueue_indirect_dma source(%dma_start3A_34 : memref<20000x128xf32, #tpu.memory_space<hbm>>) target(%dma_start3A_29 : memref<80x128xf32, #tpu.memory_space<vmem>>) offsets(%dma_start3A_31 : memref<80xi32, #tpu.memory_space<vmem>>) semaphore(%arg12 : memref<!tpu.dma_semaphore, #tpu.memory_space<semaphore_mem>>)
    %scan3A_35 = arith.constant 0 : i32
    %scan3A_36 = arith.constant 0 : i32
    %scan3A_37 = arith.constant 62 : i32
    %scan3A_38 = arith.addi %scan3A_36, %scan3A_37 : i32
    %scan3A_39 = arith.constant 1 : i32
    scf.for %scan3A_60 = %scan3A_36 to %scan3A_38 step %scan3A_39  : i32 {
      %mul3A_61 = arith.constant 2 : i32
      %mul3A_62 = arith.muli %mul3A_61, %scan3A_60 : i32
      %add3A_63 = arith.constant 1 : i32
      %add3A_64 = arith.addi %mul3A_62, %add3A_63 : i32
      %mul3A_65 = arith.constant 80 : i32
      %mul3A_66 = arith.muli %add3A_64, %mul3A_65 : i32
      %dma_start3A_67 = arith.constant 1 : i32
      %dma_start3A_68 = arith.constant 0 : i32
      %dma_start3A_69 = arith.constant 0 : i32
      %dma_start3A_70 = tpu.memref_slice %arg9[%dma_start3A_67, %dma_start3A_68, %dma_start3A_69] : memref<2x80x128xf32, #tpu.memory_space<vmem>> -> memref<1x80x128xf32, #tpu.memory_space<vmem>>
      %dma_start3A_71 = tpu.memref_squeeze %dma_start3A_70 : memref<1x80x128xf32, #tpu.memory_space<vmem>> -> memref<80x128xf32, #tpu.memory_space<vmem>>
      %dma_start3A_72 = tpu.memref_slice %arg7[%mul3A_66] : memref<10000xi32, #tpu.memory_space<vmem>> -> memref<80xi32, #tpu.memory_space<vmem>>
      %dma_start3A_73 = arith.constant 0 : i32
      %dma_start3A_74 = arith.constant 0 : i32
      %dma_start3A_75 = tpu.memref_slice %arg2[%dma_start3A_73, %dma_start3A_74] : memref<20000x128xf32, #tpu.memory_space<hbm>> -> memref<20000x128xf32, #tpu.memory_space<hbm>>
      tpu.enqueue_indirect_dma source(%dma_start3A_75 : memref<20000x128xf32, #tpu.memory_space<hbm>>) target(%dma_start3A_71 : memref<80x128xf32, #tpu.memory_space<vmem>>) offsets(%dma_start3A_72 : memref<80xi32, #tpu.memory_space<vmem>>) semaphore(%arg13 : memref<!tpu.dma_semaphore, #tpu.memory_space<semaphore_mem>>)
      %mul3A_76 = arith.constant 80 : i32
      %mul3A_77 = arith.muli %mul3A_62, %mul3A_76 : i32
      %dma_wait3A_78 = arith.constant 0 : i32
      %dma_wait3A_79 = arith.constant 0 : i32
      %dma_wait3A_80 = arith.constant 0 : i32
      %dma_wait3A_81 = tpu.memref_slice %arg9[%dma_wait3A_78, %dma_wait3A_79, %dma_wait3A_80] : memref<2x80x128xf32, #tpu.memory_space<vmem>> -> memref<1x80x128xf32, #tpu.memory_space<vmem>>
      %dma_wait3A_82 = tpu.memref_squeeze %dma_wait3A_81 : memref<1x80x128xf32, #tpu.memory_space<vmem>> -> memref<80x128xf32, #tpu.memory_space<vmem>>
      %dma_wait3A_83 = tpu.memref_slice %arg7[%mul3A_77] : memref<10000xi32, #tpu.memory_space<vmem>> -> memref<80xi32, #tpu.memory_space<vmem>>
      %dma_wait3A_84 = arith.constant 0 : i32
      %dma_wait3A_85 = arith.constant 0 : i32
      %dma_wait3A_86 = tpu.memref_slice %arg2[%dma_wait3A_84, %dma_wait3A_85] : memref<20000x128xf32, #tpu.memory_space<hbm>> -> memref<20000x128xf32, #tpu.memory_space<hbm>>
      tpu.wait_indirect_dma semaphore(%arg12 : memref<!tpu.dma_semaphore, #tpu.memory_space<semaphore_mem>>) src(%dma_wait3A_86 : memref<20000x128xf32, #tpu.memory_space<hbm>>) dst(%dma_wait3A_82 : memref<80x128xf32, #tpu.memory_space<vmem>>)
      %run_scoped3A_87 = arith.constant 0 : i32
      "tpu.region"() ({
        %run_scoped3A_117 = tpu.sem_alloc : memref<!tpu.dma_semaphore, #tpu.memory_space<semaphore_mem>>
        %dma_start3A_118 = arith.constant 0 : i32
        %dma_start3A_119 = arith.constant 0 : i32
        %dma_start3A_120 = tpu.memref_slice %arg9[%run_scoped3A_87, %dma_start3A_118, %dma_start3A_119] : memref<2x80x128xf32, #tpu.memory_space<vmem>> -> memref<1x80x128xf32, #tpu.memory_space<vmem>>
        %dma_start3A_121 = tpu.memref_squeeze %dma_start3A_120 : memref<1x80x128xf32, #tpu.memory_space<vmem>> -> memref<80x128xf32, #tpu.memory_space<vmem>>
        %dma_start3A_122 = arith.constant 0 : i32
        %dma_start3A_123 = tpu.memref_slice %arg8[%mul3A_62, %dma_start3A_122] : memref<125x80xi32, #tpu.memory_space<vmem>> -> memref<1x80xi32, #tpu.memory_space<vmem>>
        %dma_start3A_124 = tpu.memref_squeeze %dma_start3A_123 : memref<1x80xi32, #tpu.memory_space<vmem>> -> memref<80xi32, #tpu.memory_space<vmem>>
        %dma_start3A_125 = arith.constant 0 : i32
        %dma_start3A_126 = arith.constant 0 : i32
        %dma_start3A_127 = tpu.memref_slice %arg10[%dma_start3A_125, %dma_start3A_126] : memref<10000x128xf32, #tpu.memory_space<vmem_shared>> -> memref<10000x128xf32, #tpu.memory_space<vmem_shared>>
        tpu.enqueue_indirect_dma source(%dma_start3A_121 : memref<80x128xf32, #tpu.memory_space<vmem>>) target(%dma_start3A_127 : memref<10000x128xf32, #tpu.memory_space<vmem_shared>>) offsets(%dma_start3A_124 : memref<80xi32, #tpu.memory_space<vmem>>) semaphore(%run_scoped3A_117 : memref<!tpu.dma_semaphore, #tpu.memory_space<semaphore_mem>>) {add = true}
        %dma_wait3A_128 = arith.constant 0 : i32
        %dma_wait3A_129 = arith.constant 0 : i32
        %dma_wait3A_130 = tpu.memref_slice %arg9[%run_scoped3A_87, %dma_wait3A_128, %dma_wait3A_129] : memref<2x80x128xf32, #tpu.memory_space<vmem>> -> memref<1x80x128xf32, #tpu.memory_space<vmem>>
        %dma_wait3A_131 = tpu.memref_squeeze %dma_wait3A_130 : memref<1x80x128xf32, #tpu.memory_space<vmem>> -> memref<80x128xf32, #tpu.memory_space<vmem>>
        %dma_wait3A_132 = arith.constant 0 : i32
        %dma_wait3A_133 = tpu.memref_slice %arg8[%mul3A_62, %dma_wait3A_132] : memref<125x80xi32, #tpu.memory_space<vmem>> -> memref<1x80xi32, #tpu.memory_space<vmem>>
        %dma_wait3A_134 = tpu.memref_squeeze %dma_wait3A_133 : memref<1x80xi32, #tpu.memory_space<vmem>> -> memref<80xi32, #tpu.memory_space<vmem>>
        %dma_wait3A_135 = arith.constant 0 : i32
        %dma_wait3A_136 = arith.constant 0 : i32
        %dma_wait3A_137 = tpu.memref_slice %arg10[%dma_wait3A_135, %dma_wait3A_136] : memref<10000x128xf32, #tpu.memory_space<vmem_shared>> -> memref<10000x128xf32, #tpu.memory_space<vmem_shared>>
        tpu.wait_indirect_dma semaphore(%run_scoped3A_117 : memref<!tpu.dma_semaphore, #tpu.memory_space<semaphore_mem>>) src(%dma_wait3A_131 : memref<80x128xf32, #tpu.memory_space<vmem>>) dst(%dma_wait3A_137 : memref<10000x128xf32, #tpu.memory_space<vmem_shared>>)
        tpu.yield
      }) : () -> ()
      %add3A_88 = arith.constant 2 : i32
      %add3A_89 = arith.addi %mul3A_62, %add3A_88 : i32
      %mul3A_90 = arith.constant 80 : i32
      %mul3A_91 = arith.muli %add3A_89, %mul3A_90 : i32
      %dma_start3A_92 = arith.constant 0 : i32
      %dma_start3A_93 = arith.constant 0 : i32
      %dma_start3A_94 = arith.constant 0 : i32
      %dma_start3A_95 = tpu.memref_slice %arg9[%dma_start3A_92, %dma_start3A_93, %dma_start3A_94] : memref<2x80x128xf32, #tpu.memory_space<vmem>> -> memref<1x80x128xf32, #tpu.memory_space<vmem>>
      %dma_start3A_96 = tpu.memref_squeeze %dma_start3A_95 : memref<1x80x128xf32, #tpu.memory_space<vmem>> -> memref<80x128xf32, #tpu.memory_space<vmem>>
      %dma_start3A_97 = tpu.memref_slice %arg7[%mul3A_91] : memref<10000xi32, #tpu.memory_space<vmem>> -> memref<80xi32, #tpu.memory_space<vmem>>
      %dma_start3A_98 = arith.constant 0 : i32
      %dma_start3A_99 = arith.constant 0 : i32
      %dma_start3A_100 = tpu.memref_slice %arg2[%dma_start3A_98, %dma_start3A_99] : memref<20000x128xf32, #tpu.memory_space<hbm>> -> memref<20000x128xf32, #tpu.memory_space<hbm>>
      tpu.enqueue_indirect_dma source(%dma_start3A_100 : memref<20000x128xf32, #tpu.memory_space<hbm>>) target(%dma_start3A_96 : memref<80x128xf32, #tpu.memory_space<vmem>>) offsets(%dma_start3A_97 : memref<80xi32, #tpu.memory_space<vmem>>) semaphore(%arg12 : memref<!tpu.dma_semaphore, #tpu.memory_space<semaphore_mem>>)
      %add3A_101 = arith.constant 1 : i32
      %add3A_102 = arith.addi %mul3A_62, %add3A_101 : i32
      %mul3A_103 = arith.constant 80 : i32
      %mul3A_104 = arith.muli %add3A_102, %mul3A_103 : i32
      %dma_wait3A_105 = arith.constant 1 : i32
      %dma_wait3A_106 = arith.constant 0 : i32
      %dma_wait3A_107 = arith.constant 0 : i32
      %dma_wait3A_108 = tpu.memref_slice %arg9[%dma_wait3A_105, %dma_wait3A_106, %dma_wait3A_107] : memref<2x80x128xf32, #tpu.memory_space<vmem>> -> memref<1x80x128xf32, #tpu.memory_space<vmem>>
      %dma_wait3A_109 = tpu.memref_squeeze %dma_wait3A_108 : memref<1x80x128xf32, #tpu.memory_space<vmem>> -> memref<80x128xf32, #tpu.memory_space<vmem>>
      %dma_wait3A_110 = tpu.memref_slice %arg7[%mul3A_104] : memref<10000xi32, #tpu.memory_space<vmem>> -> memref<80xi32, #tpu.memory_space<vmem>>
      %dma_wait3A_111 = arith.constant 0 : i32
      %dma_wait3A_112 = arith.constant 0 : i32
      %dma_wait3A_113 = tpu.memref_slice %arg2[%dma_wait3A_111, %dma_wait3A_112] : memref<20000x128xf32, #tpu.memory_space<hbm>> -> memref<20000x128xf32, #tpu.memory_space<hbm>>
      tpu.wait_indirect_dma semaphore(%arg13 : memref<!tpu.dma_semaphore, #tpu.memory_space<semaphore_mem>>) src(%dma_wait3A_113 : memref<20000x128xf32, #tpu.memory_space<hbm>>) dst(%dma_wait3A_109 : memref<80x128xf32, #tpu.memory_space<vmem>>)
      %add3A_114 = arith.constant 1 : i32
      %add3A_115 = arith.addi %mul3A_62, %add3A_114 : i32
      %run_scoped3A_116 = arith.constant 1 : i32
      "tpu.region"() ({
        %run_scoped3A_117 = tpu.sem_alloc : memref<!tpu.dma_semaphore, #tpu.memory_space<semaphore_mem>>
        %dma_start3A_118 = arith.constant 0 : i32
        %dma_start3A_119 = arith.constant 0 : i32
        %dma_start3A_120 = tpu.memref_slice %arg9[%run_scoped3A_116, %dma_start3A_118, %dma_start3A_119] : memref<2x80x128xf32, #tpu.memory_space<vmem>> -> memref<1x80x128xf32, #tpu.memory_space<vmem>>
        %dma_start3A_121 = tpu.memref_squeeze %dma_start3A_120 : memref<1x80x128xf32, #tpu.memory_space<vmem>> -> memref<80x128xf32, #tpu.memory_space<vmem>>
        %dma_start3A_122 = arith.constant 0 : i32
        %dma_start3A_123 = tpu.memref_slice %arg8[%add3A_115, %dma_start3A_122] : memref<125x80xi32, #tpu.memory_space<vmem>> -> memref<1x80xi32, #tpu.memory_space<vmem>>
        %dma_start3A_124 = tpu.memref_squeeze %dma_start3A_123 : memref<1x80xi32, #tpu.memory_space<vmem>> -> memref<80xi32, #tpu.memory_space<vmem>>
        %dma_start3A_125 = arith.constant 0 : i32
        %dma_start3A_126 = arith.constant 0 : i32
        %dma_start3A_127 = tpu.memref_slice %arg10[%dma_start3A_125, %dma_start3A_126] : memref<10000x128xf32, #tpu.memory_space<vmem_shared>> -> memref<10000x128xf32, #tpu.memory_space<vmem_shared>>
        tpu.enqueue_indirect_dma source(%dma_start3A_121 : memref<80x128xf32, #tpu.memory_space<vmem>>) target(%dma_start3A_127 : memref<10000x128xf32, #tpu.memory_space<vmem_shared>>) offsets(%dma_start3A_124 : memref<80xi32, #tpu.memory_space<vmem>>) semaphore(%run_scoped3A_117 : memref<!tpu.dma_semaphore, #tpu.memory_space<semaphore_mem>>) {add = true}
        %dma_wait3A_128 = arith.constant 0 : i32
        %dma_wait3A_129 = arith.constant 0 : i32
        %dma_wait3A_130 = tpu.memref_slice %arg9[%run_scoped3A_116, %dma_wait3A_128, %dma_wait3A_129] : memref<2x80x128xf32, #tpu.memory_space<vmem>> -> memref<1x80x128xf32, #tpu.memory_space<vmem>>
        %dma_wait3A_131 = tpu.memref_squeeze %dma_wait3A_130 : memref<1x80x128xf32, #tpu.memory_space<vmem>> -> memref<80x128xf32, #tpu.memory_space<vmem>>
        %dma_wait3A_132 = arith.constant 0 : i32
        %dma_wait3A_133 = tpu.memref_slice %arg8[%add3A_115, %dma_wait3A_132] : memref<125x80xi32, #tpu.memory_space<vmem>> -> memref<1x80xi32, #tpu.memory_space<vmem>>
        %dma_wait3A_134 = tpu.memref_squeeze %dma_wait3A_133 : memref<1x80xi32, #tpu.memory_space<vmem>> -> memref<80xi32, #tpu.memory_space<vmem>>
        %dma_wait3A_135 = arith.constant 0 : i32
        %dma_wait3A_136 = arith.constant 0 : i32
        %dma_wait3A_137 = tpu.memref_slice %arg10[%dma_wait3A_135, %dma_wait3A_136] : memref<10000x128xf32, #tpu.memory_space<vmem_shared>> -> memref<10000x128xf32, #tpu.memory_space<vmem_shared>>
        tpu.wait_indirect_dma semaphore(%run_scoped3A_117 : memref<!tpu.dma_semaphore, #tpu.memory_space<semaphore_mem>>) src(%dma_wait3A_131 : memref<80x128xf32, #tpu.memory_space<vmem>>) dst(%dma_wait3A_137 : memref<10000x128xf32, #tpu.memory_space<vmem_shared>>)
        tpu.yield
      }) : () -> ()
    }
    %scan3A_40 = arith.constant 62 : i32
    %dma_wait3A_41 = arith.constant 0 : i32
    %dma_wait3A_42 = arith.constant 0 : i32
    %dma_wait3A_43 = arith.constant 0 : i32
    %dma_wait3A_44 = tpu.memref_slice %arg9[%dma_wait3A_41, %dma_wait3A_42, %dma_wait3A_43] : memref<2x80x128xf32, #tpu.memory_space<vmem>> -> memref<1x80x128xf32, #tpu.memory_space<vmem>>
    %dma_wait3A_45 = tpu.memref_squeeze %dma_wait3A_44 : memref<1x80x128xf32, #tpu.memory_space<vmem>> -> memref<80x128xf32, #tpu.memory_space<vmem>>
    %dma_wait3A_46 = arith.constant 9920 : i32
    %dma_wait3A_47 = tpu.memref_slice %arg7[%dma_wait3A_46] : memref<10000xi32, #tpu.memory_space<vmem>> -> memref<80xi32, #tpu.memory_space<vmem>>
    %dma_wait3A_48 = arith.constant 0 : i32
    %dma_wait3A_49 = arith.constant 0 : i32
    %dma_wait3A_50 = tpu.memref_slice %arg2[%dma_wait3A_48, %dma_wait3A_49] : memref<20000x128xf32, #tpu.memory_space<hbm>> -> memref<20000x128xf32, #tpu.memory_space<hbm>>
    tpu.wait_indirect_dma semaphore(%arg12 : memref<!tpu.dma_semaphore, #tpu.memory_space<semaphore_mem>>) src(%dma_wait3A_50 : memref<20000x128xf32, #tpu.memory_space<hbm>>) dst(%dma_wait3A_45 : memref<80x128xf32, #tpu.memory_space<vmem>>)
    %run_scoped3A_51 = arith.constant 0 : i32
    %run_scoped3A_52 = arith.constant 124 : i32
    "tpu.region"() ({
      %run_scoped3A_60 = tpu.sem_alloc : memref<!tpu.dma_semaphore, #tpu.memory_space<semaphore_mem>>
      %dma_start3A_61 = arith.constant 0 : i32
      %dma_start3A_62 = arith.constant 0 : i32
      %dma_start3A_63 = tpu.memref_slice %arg9[%run_scoped3A_51, %dma_start3A_61, %dma_start3A_62] : memref<2x80x128xf32, #tpu.memory_space<vmem>> -> memref<1x80x128xf32, #tpu.memory_space<vmem>>
      %dma_start3A_64 = tpu.memref_squeeze %dma_start3A_63 : memref<1x80x128xf32, #tpu.memory_space<vmem>> -> memref<80x128xf32, #tpu.memory_space<vmem>>
      %dma_start3A_65 = arith.constant 0 : i32
      %dma_start3A_66 = tpu.memref_slice %arg8[%run_scoped3A_52, %dma_start3A_65] : memref<125x80xi32, #tpu.memory_space<vmem>> -> memref<1x80xi32, #tpu.memory_space<vmem>>
      %dma_start3A_67 = tpu.memref_squeeze %dma_start3A_66 : memref<1x80xi32, #tpu.memory_space<vmem>> -> memref<80xi32, #tpu.memory_space<vmem>>
      %dma_start3A_68 = arith.constant 0 : i32
      %dma_start3A_69 = arith.constant 0 : i32
      %dma_start3A_70 = tpu.memref_slice %arg10[%dma_start3A_68, %dma_start3A_69] : memref<10000x128xf32, #tpu.memory_space<vmem_shared>> -> memref<10000x128xf32, #tpu.memory_space<vmem_shared>>
      tpu.enqueue_indirect_dma source(%dma_start3A_64 : memref<80x128xf32, #tpu.memory_space<vmem>>) target(%dma_start3A_70 : memref<10000x128xf32, #tpu.memory_space<vmem_shared>>) offsets(%dma_start3A_67 : memref<80xi32, #tpu.memory_space<vmem>>) semaphore(%run_scoped3A_60 : memref<!tpu.dma_semaphore, #tpu.memory_space<semaphore_mem>>) {add = true}
      %dma_wait3A_71 = arith.constant 0 : i32
      %dma_wait3A_72 = arith.constant 0 : i32
      %dma_wait3A_73 = tpu.memref_slice %arg9[%run_scoped3A_51, %dma_wait3A_71, %dma_wait3A_72] : memref<2x80x128xf32, #tpu.memory_space<vmem>> -> memref<1x80x128xf32, #tpu.memory_space<vmem>>
      %dma_wait3A_74 = tpu.memref_squeeze %dma_wait3A_73 : memref<1x80x128xf32, #tpu.memory_space<vmem>> -> memref<80x128xf32, #tpu.memory_space<vmem>>
      %dma_wait3A_75 = arith.constant 0 : i32
      %dma_wait3A_76 = tpu.memref_slice %arg8[%run_scoped3A_52, %dma_wait3A_75] : memref<125x80xi32, #tpu.memory_space<vmem>> -> memref<1x80xi32, #tpu.memory_space<vmem>>
      %dma_wait3A_77 = tpu.memref_squeeze %dma_wait3A_76 : memref<1x80xi32, #tpu.memory_space<vmem>> -> memref<80xi32, #tpu.memory_space<vmem>>
      %dma_wait3A_78 = arith.constant 0 : i32
      %dma_wait3A_79 = arith.constant 0 : i32
      %dma_wait3A_80 = tpu.memref_slice %arg10[%dma_wait3A_78, %dma_wait3A_79] : memref<10000x128xf32, #tpu.memory_space<vmem_shared>> -> memref<10000x128xf32, #tpu.memory_space<vmem_shared>>
      tpu.wait_indirect_dma semaphore(%run_scoped3A_60 : memref<!tpu.dma_semaphore, #tpu.memory_space<semaphore_mem>>) src(%dma_wait3A_74 : memref<80x128xf32, #tpu.memory_space<vmem>>) dst(%dma_wait3A_80 : memref<10000x128xf32, #tpu.memory_space<vmem_shared>>)
      tpu.yield
    }) : () -> ()
    %barrier3A_53 = arith.constant 0 : index
    tpu.barrier barrier_id(%barrier3A_53)
    %scan3A_54 = arith.constant 0 : i32
    %scan3A_55 = arith.constant 0 : i32
    %scan3A_56 = arith.constant 8 : i32
    %scan3A_57 = arith.addi %scan3A_55, %scan3A_56 : i32
    %scan3A_58 = arith.constant 1 : i32
    scf.for %scan3A_60 = %scan3A_55 to %scan3A_57 step %scan3A_58  : i32 {
      %mul3A_61 = arith.constant 16 : i32
      %mul3A_62 = arith.muli %scan3A_60, %mul3A_61 : i32
      %add3A_63 = arith.addi %arg1, %mul3A_62 : i32
      %lt3A = arith.constant 125 : i32
      %lt3A_64 = arith.cmpi slt, %add3A_63, %lt3A : i32
      %convert_element_type3A = arith.extui %lt3A_64 : i1 to i32
      %cond3A = arith.constant 0 : i32
      %cond3A_65 = arith.cmpi ne, %convert_element_type3A, %cond3A : i32
      scf.if %cond3A_65 {
        %mul3A_66 = arith.constant 80 : i32
        %mul3A_67 = arith.muli %add3A_63, %mul3A_66 : i32
        %run_scoped3A_68 = arith.constant 0 : i32
        "tpu.region"() ({
          %run_scoped3A_70 = tpu.sem_alloc : memref<!tpu.dma_semaphore, #tpu.memory_space<semaphore_mem>>
          %dma_start3A_71 = arith.constant 0 : i32
          %dma_start3A_72 = arith.constant 0 : i32
          %dma_start3A_73 = tpu.memref_slice %arg9[%run_scoped3A_68, %dma_start3A_71, %dma_start3A_72] : memref<2x80x128xf32, #tpu.memory_space<vmem>> -> memref<1x80x128xf32, #tpu.memory_space<vmem>>
          %dma_start3A_74 = tpu.memref_squeeze %dma_start3A_73 : memref<1x80x128xf32, #tpu.memory_space<vmem>> -> memref<80x128xf32, #tpu.memory_space<vmem>>
          %dma_start3A_75 = arith.constant 0 : i32
          %dma_start3A_76 = tpu.memref_slice %arg10[%mul3A_67, %dma_start3A_75] : memref<10000x128xf32, #tpu.memory_space<vmem_shared>> -> memref<80x128xf32, #tpu.memory_space<vmem_shared>>
          %dma_start3A_77 = arith.constant 0 : i32
          %dma_start3A_78 = arith.constant 0 : i32
          %dma_start3A_79 = tpu.memref_slice %arg9[%run_scoped3A_68, %dma_start3A_77, %dma_start3A_78] : memref<2x80x128xf32, #tpu.memory_space<vmem>> -> memref<1x80x128xf32, #tpu.memory_space<vmem>>
          %dma_start3A_80 = tpu.memref_squeeze %dma_start3A_79 : memref<1x80x128xf32, #tpu.memory_space<vmem>> -> memref<80x128xf32, #tpu.memory_space<vmem>>
          %dma_start3A_81 = arith.constant 0 : i32
          %dma_start3A_82 = tpu.memref_slice %arg10[%mul3A_67, %dma_start3A_81] : memref<10000x128xf32, #tpu.memory_space<vmem_shared>> -> memref<80x128xf32, #tpu.memory_space<vmem_shared>>
          tpu.enqueue_dma source(%dma_start3A_82 : memref<80x128xf32, #tpu.memory_space<vmem_shared>>) target(%dma_start3A_80 : memref<80x128xf32, #tpu.memory_space<vmem>>) target_semaphore(%run_scoped3A_70 : memref<!tpu.dma_semaphore, #tpu.memory_space<semaphore_mem>>)
          %dma_wait3A_83 = arith.constant 0 : i32
          %dma_wait3A_84 = arith.constant 0 : i32
          %dma_wait3A_85 = tpu.memref_slice %arg9[%run_scoped3A_68, %dma_wait3A_83, %dma_wait3A_84] : memref<2x80x128xf32, #tpu.memory_space<vmem>> -> memref<1x80x128xf32, #tpu.memory_space<vmem>>
          %dma_wait3A_86 = tpu.memref_squeeze %dma_wait3A_85 : memref<1x80x128xf32, #tpu.memory_space<vmem>> -> memref<80x128xf32, #tpu.memory_space<vmem>>
          %dma_wait3A_87 = arith.constant 0 : i32
          %dma_wait3A_88 = tpu.memref_slice %arg10[%mul3A_67, %dma_wait3A_87] : memref<10000x128xf32, #tpu.memory_space<vmem_shared>> -> memref<80x128xf32, #tpu.memory_space<vmem_shared>>
          %dma_wait3A_89 = arith.constant 0 : i32
          %dma_wait3A_90 = arith.constant 0 : i32
          %dma_wait3A_91 = tpu.memref_slice %arg9[%run_scoped3A_68, %dma_wait3A_89, %dma_wait3A_90] : memref<2x80x128xf32, #tpu.memory_space<vmem>> -> memref<1x80x128xf32, #tpu.memory_space<vmem>>
          %dma_wait3A_92 = tpu.memref_squeeze %dma_wait3A_91 : memref<1x80x128xf32, #tpu.memory_space<vmem>> -> memref<80x128xf32, #tpu.memory_space<vmem>>
          %dma_wait3A_93 = arith.constant 0 : i32
          %dma_wait3A_94 = tpu.memref_slice %arg10[%mul3A_67, %dma_wait3A_93] : memref<10000x128xf32, #tpu.memory_space<vmem_shared>> -> memref<80x128xf32, #tpu.memory_space<vmem_shared>>
          tpu.wait_dma2 semaphore(%run_scoped3A_70 : memref<!tpu.dma_semaphore, #tpu.memory_space<semaphore_mem>>) src(%dma_wait3A_94 : memref<80x128xf32, #tpu.memory_space<vmem_shared>>) dst(%dma_wait3A_92 : memref<80x128xf32, #tpu.memory_space<vmem>>)
          tpu.yield
        }) : () -> ()
        %run_scoped3A_69 = arith.constant 0 : i32
        "tpu.region"() ({
          %run_scoped3A_70 = tpu.sem_alloc : memref<!tpu.dma_semaphore, #tpu.memory_space<semaphore_mem>>
          %dma_start3A_71 = arith.constant 0 : i32
          %dma_start3A_72 = arith.constant 0 : i32
          %dma_start3A_73 = tpu.memref_slice %arg9[%run_scoped3A_69, %dma_start3A_71, %dma_start3A_72] : memref<2x80x128xf32, #tpu.memory_space<vmem>> -> memref<1x80x128xf32, #tpu.memory_space<vmem>>
          %dma_start3A_74 = tpu.memref_squeeze %dma_start3A_73 : memref<1x80x128xf32, #tpu.memory_space<vmem>> -> memref<80x128xf32, #tpu.memory_space<vmem>>
          %dma_start3A_75 = arith.constant 0 : i32
          %dma_start3A_76 = tpu.memref_slice %arg6[%arg0, %mul3A_67, %dma_start3A_75] : memref<2x10000x128xf32, #tpu.memory_space<hbm>> -> memref<1x80x128xf32, #tpu.memory_space<hbm>>
          %dma_start3A_77 = tpu.memref_squeeze %dma_start3A_76 : memref<1x80x128xf32, #tpu.memory_space<hbm>> -> memref<80x128xf32, #tpu.memory_space<hbm>>
          %dma_start3A_78 = arith.constant 0 : i32
          %dma_start3A_79 = tpu.memref_slice %arg6[%arg0, %mul3A_67, %dma_start3A_78] : memref<2x10000x128xf32, #tpu.memory_space<hbm>> -> memref<1x80x128xf32, #tpu.memory_space<hbm>>
          %dma_start3A_80 = tpu.memref_squeeze %dma_start3A_79 : memref<1x80x128xf32, #tpu.memory_space<hbm>> -> memref<80x128xf32, #tpu.memory_space<hbm>>
          %dma_start3A_81 = arith.constant 0 : i32
          %dma_start3A_82 = arith.constant 0 : i32
          %dma_start3A_83 = tpu.memref_slice %arg9[%run_scoped3A_69, %dma_start3A_81, %dma_start3A_82] : memref<2x80x128xf32, #tpu.memory_space<vmem>> -> memref<1x80x128xf32, #tpu.memory_space<vmem>>
          %dma_start3A_84 = tpu.memref_squeeze %dma_start3A_83 : memref<1x80x128xf32, #tpu.memory_space<vmem>> -> memref<80x128xf32, #tpu.memory_space<vmem>>
          tpu.enqueue_dma source(%dma_start3A_84 : memref<80x128xf32, #tpu.memory_space<vmem>>) target(%dma_start3A_80 : memref<80x128xf32, #tpu.memory_space<hbm>>) target_semaphore(%run_scoped3A_70 : memref<!tpu.dma_semaphore, #tpu.memory_space<semaphore_mem>>)
          %dma_wait3A_85 = arith.constant 0 : i32
          %dma_wait3A_86 = arith.constant 0 : i32
          %dma_wait3A_87 = tpu.memref_slice %arg9[%run_scoped3A_69, %dma_wait3A_85, %dma_wait3A_86] : memref<2x80x128xf32, #tpu.memory_space<vmem>> -> memref<1x80x128xf32, #tpu.memory_space<vmem>>
          %dma_wait3A_88 = tpu.memref_squeeze %dma_wait3A_87 : memref<1x80x128xf32, #tpu.memory_space<vmem>> -> memref<80x128xf32, #tpu.memory_space<vmem>>
          %dma_wait3A_89 = arith.constant 0 : i32
          %dma_wait3A_90 = tpu.memref_slice %arg6[%arg0, %mul3A_67, %dma_wait3A_89] : memref<2x10000x128xf32, #tpu.memory_space<hbm>> -> memref<1x80x128xf32, #tpu.memory_space<hbm>>
          %dma_wait3A_91 = tpu.memref_squeeze %dma_wait3A_90 : memref<1x80x128xf32, #tpu.memory_space<hbm>> -> memref<80x128xf32, #tpu.memory_space<hbm>>
          %dma_wait3A_92 = arith.constant 0 : i32
          %dma_wait3A_93 = tpu.memref_slice %arg6[%arg0, %mul3A_67, %dma_wait3A_92] : memref<2x10000x128xf32, #tpu.memory_space<hbm>> -> memref<1x80x128xf32, #tpu.memory_space<hbm>>
          %dma_wait3A_94 = tpu.memref_squeeze %dma_wait3A_93 : memref<1x80x128xf32, #tpu.memory_space<hbm>> -> memref<80x128xf32, #tpu.memory_space<hbm>>
          %dma_wait3A_95 = arith.constant 0 : i32
          %dma_wait3A_96 = arith.constant 0 : i32
          %dma_wait3A_97 = tpu.memref_slice %arg9[%run_scoped3A_69, %dma_wait3A_95, %dma_wait3A_96] : memref<2x80x128xf32, #tpu.memory_space<vmem>> -> memref<1x80x128xf32, #tpu.memory_space<vmem>>
          %dma_wait3A_98 = tpu.memref_squeeze %dma_wait3A_97 : memref<1x80x128xf32, #tpu.memory_space<vmem>> -> memref<80x128xf32, #tpu.memory_space<vmem>>
          tpu.wait_dma2 semaphore(%run_scoped3A_70 : memref<!tpu.dma_semaphore, #tpu.memory_space<semaphore_mem>>) src(%dma_wait3A_98 : memref<80x128xf32, #tpu.memory_space<vmem>>) dst(%dma_wait3A_94 : memref<80x128xf32, #tpu.memory_space<hbm>>)
          tpu.yield
        }) : () -> ()
      } else {
      }
    }
    %scan3A_59 = arith.constant 8 : i32
    return
  }
}

#map = affine_map<(d0, d1) -> (0)>
#map1 = affine_map<(d0, d1) -> (0, 0)>
#map2 = affine_map<(d0, d1) -> (0, 0, 0)>
module attributes {stable_mosaic.version = 14 : i64} {
  func.func @sc_deg(%arg0: i32, %arg1: i32, %arg2: memref<160000xi32, #tpu.memory_space<hbm>>, %arg3: memref<80x128xf32, #tpu.memory_space<hbm>>, %arg4: memref<40x128xf32, #tpu.memory_space<hbm>>, %arg5: memref<2x10000x128xf32, #tpu.memory_space<hbm>>, %arg6: memref<125x40xi32, #tpu.memory_space<vmem>>, %arg7: memref<40x128xf32, #tpu.memory_space<vmem>>, %arg8: memref<80x128xf32, #tpu.memory_space<vmem>>, %arg9: memref<10000x128xf32, #tpu.memory_space<vmem_shared>>, %arg10: memref<!tpu.dma_semaphore, #tpu.memory_space<semaphore_mem>>, %arg11: memref<!tpu.dma_semaphore, #tpu.memory_space<semaphore_mem>>) attributes {dimension_semantics = [#tpu.dimension_semantics<core_parallel>, #tpu.dimension_semantics<subcore_parallel>], iteration_bounds = array<i64: 2, 16>, scalar_prefetch = 0 : i64, scratch_operands = 6 : i64, tpu.core_type = #tpu.core_type<sc_vector_subcore>, window_params = [{transform_indices = #map}, {transform_indices = #map1}, {transform_indices = #map1}, {transform_indices = #map2}]} {
    %mul3A = arith.constant 16 : i32
    %mul3A_0 = arith.muli %arg0, %mul3A : i32
    %add3A = arith.addi %mul3A_0, %arg1 : i32
    %mul3A_1 = arith.constant 5000 : i32
    %mul3A_2 = arith.muli %add3A, %mul3A_1 : i32
    %scan3A = arith.constant 0 : i32
    %scan3A_3 = arith.constant 0 : i32
    %scan3A_4 = arith.constant 125 : i32
    %scan3A_5 = arith.addi %scan3A_3, %scan3A_4 : i32
    %scan3A_6 = arith.constant 1 : i32
    scf.for %scan3A_39 = %scan3A_3 to %scan3A_5 step %scan3A_6  : i32 {
      %mul3A_40 = arith.constant 40 : i32
      %mul3A_41 = arith.muli %scan3A_39, %mul3A_40 : i32
      %add3A_42 = arith.addi %mul3A_2, %mul3A_41 : i32
      %dma_start3A = arith.constant 0 : i32
      %dma_start3A_43 = tpu.memref_slice %arg6[%scan3A_39, %dma_start3A] : memref<125x40xi32, #tpu.memory_space<vmem>> -> memref<1x40xi32, #tpu.memory_space<vmem>>
      %dma_start3A_44 = tpu.memref_squeeze %dma_start3A_43 : memref<1x40xi32, #tpu.memory_space<vmem>> -> memref<40xi32, #tpu.memory_space<vmem>>
      %dma_start3A_45 = tpu.memref_slice %arg2[%add3A_42] : memref<160000xi32, #tpu.memory_space<hbm>> -> memref<40xi32, #tpu.memory_space<hbm>>
      %dma_start3A_46 = arith.constant 0 : i32
      %dma_start3A_47 = tpu.memref_slice %arg6[%scan3A_39, %dma_start3A_46] : memref<125x40xi32, #tpu.memory_space<vmem>> -> memref<1x40xi32, #tpu.memory_space<vmem>>
      %dma_start3A_48 = tpu.memref_squeeze %dma_start3A_47 : memref<1x40xi32, #tpu.memory_space<vmem>> -> memref<40xi32, #tpu.memory_space<vmem>>
      %dma_start3A_49 = tpu.memref_slice %arg2[%add3A_42] : memref<160000xi32, #tpu.memory_space<hbm>> -> memref<40xi32, #tpu.memory_space<hbm>>
      tpu.enqueue_dma source(%dma_start3A_49 : memref<40xi32, #tpu.memory_space<hbm>>) target(%dma_start3A_48 : memref<40xi32, #tpu.memory_space<vmem>>) target_semaphore(%arg10 : memref<!tpu.dma_semaphore, #tpu.memory_space<semaphore_mem>>)
    }
    %scan3A_7 = arith.constant 125 : i32
    "tpu.region"() ({
      %run_scoped3A = tpu.sem_alloc : memref<!tpu.dma_semaphore, #tpu.memory_space<semaphore_mem>>
      tpu.enqueue_dma source(%arg4 : memref<40x128xf32, #tpu.memory_space<hbm>>) target(%arg7 : memref<40x128xf32, #tpu.memory_space<vmem>>) target_semaphore(%run_scoped3A : memref<!tpu.dma_semaphore, #tpu.memory_space<semaphore_mem>>)
      tpu.wait_dma2 semaphore(%run_scoped3A : memref<!tpu.dma_semaphore, #tpu.memory_space<semaphore_mem>>) src(%arg4 : memref<40x128xf32, #tpu.memory_space<hbm>>) dst(%arg7 : memref<40x128xf32, #tpu.memory_space<vmem>>)
      tpu.yield
    }) : () -> ()
    "tpu.region"() ({
      %run_scoped3A = tpu.sem_alloc : memref<!tpu.dma_semaphore, #tpu.memory_space<semaphore_mem>>
      tpu.enqueue_dma source(%arg3 : memref<80x128xf32, #tpu.memory_space<hbm>>) target(%arg8 : memref<80x128xf32, #tpu.memory_space<vmem>>) target_semaphore(%run_scoped3A : memref<!tpu.dma_semaphore, #tpu.memory_space<semaphore_mem>>)
      tpu.wait_dma2 semaphore(%run_scoped3A : memref<!tpu.dma_semaphore, #tpu.memory_space<semaphore_mem>>) src(%arg3 : memref<80x128xf32, #tpu.memory_space<hbm>>) dst(%arg8 : memref<80x128xf32, #tpu.memory_space<vmem>>)
      tpu.yield
    }) : () -> ()
    %scan3A_8 = arith.constant 0 : i32
    %scan3A_9 = arith.constant 0 : i32
    %scan3A_10 = arith.constant 8 : i32
    %scan3A_11 = arith.addi %scan3A_9, %scan3A_10 : i32
    %scan3A_12 = arith.constant 1 : i32
    scf.for %scan3A_39 = %scan3A_9 to %scan3A_11 step %scan3A_12  : i32 {
      %mul3A_40 = arith.constant 16 : i32
      %mul3A_41 = arith.muli %scan3A_39, %mul3A_40 : i32
      %add3A_42 = arith.addi %arg1, %mul3A_41 : i32
      %lt3A = arith.constant 125 : i32
      %lt3A_43 = arith.cmpi slt, %add3A_42, %lt3A : i32
      %convert_element_type3A = arith.extui %lt3A_43 : i1 to i32
      %cond3A = arith.constant 0 : i32
      %cond3A_44 = arith.cmpi ne, %convert_element_type3A, %cond3A : i32
      scf.if %cond3A_44 {
        %mul3A_45 = arith.constant 80 : i32
        %mul3A_46 = arith.muli %add3A_42, %mul3A_45 : i32
        "tpu.region"() ({
          %run_scoped3A = tpu.sem_alloc : memref<!tpu.dma_semaphore, #tpu.memory_space<semaphore_mem>>
          %dma_start3A = arith.constant 0 : i32
          %dma_start3A_47 = tpu.memref_slice %arg9[%mul3A_46, %dma_start3A] : memref<10000x128xf32, #tpu.memory_space<vmem_shared>> -> memref<80x128xf32, #tpu.memory_space<vmem_shared>>
          %dma_start3A_48 = arith.constant 0 : i32
          %dma_start3A_49 = tpu.memref_slice %arg9[%mul3A_46, %dma_start3A_48] : memref<10000x128xf32, #tpu.memory_space<vmem_shared>> -> memref<80x128xf32, #tpu.memory_space<vmem_shared>>
          tpu.enqueue_dma source(%arg8 : memref<80x128xf32, #tpu.memory_space<vmem>>) target(%dma_start3A_49 : memref<80x128xf32, #tpu.memory_space<vmem_shared>>) target_semaphore(%run_scoped3A : memref<!tpu.dma_semaphore, #tpu.memory_space<semaphore_mem>>)
          %dma_wait3A = arith.constant 0 : i32
          %dma_wait3A_50 = tpu.memref_slice %arg9[%mul3A_46, %dma_wait3A] : memref<10000x128xf32, #tpu.memory_space<vmem_shared>> -> memref<80x128xf32, #tpu.memory_space<vmem_shared>>
          %dma_wait3A_51 = arith.constant 0 : i32
          %dma_wait3A_52 = tpu.memref_slice %arg9[%mul3A_46, %dma_wait3A_51] : memref<10000x128xf32, #tpu.memory_space<vmem_shared>> -> memref<80x128xf32, #tpu.memory_space<vmem_shared>>
          tpu.wait_dma2 semaphore(%run_scoped3A : memref<!tpu.dma_semaphore, #tpu.memory_space<semaphore_mem>>) src(%arg8 : memref<80x128xf32, #tpu.memory_space<vmem>>) dst(%dma_wait3A_52 : memref<80x128xf32, #tpu.memory_space<vmem_shared>>)
          tpu.yield
        }) : () -> ()
      } else {
      }
    }
    %scan3A_13 = arith.constant 8 : i32
    %scan3A_14 = arith.constant 0 : i32
    %scan3A_15 = arith.constant 0 : i32
    %scan3A_16 = arith.constant 125 : i32
    %scan3A_17 = arith.addi %scan3A_15, %scan3A_16 : i32
    %scan3A_18 = arith.constant 1 : i32
    scf.for %scan3A_39 = %scan3A_15 to %scan3A_17 step %scan3A_18  : i32 {
      %mul3A_40 = arith.constant 40 : i32
      %mul3A_41 = arith.muli %scan3A_39, %mul3A_40 : i32
      %add3A_42 = arith.addi %mul3A_2, %mul3A_41 : i32
      %dma_wait3A = arith.constant 0 : i32
      %dma_wait3A_43 = tpu.memref_slice %arg6[%scan3A_39, %dma_wait3A] : memref<125x40xi32, #tpu.memory_space<vmem>> -> memref<1x40xi32, #tpu.memory_space<vmem>>
      %dma_wait3A_44 = tpu.memref_squeeze %dma_wait3A_43 : memref<1x40xi32, #tpu.memory_space<vmem>> -> memref<40xi32, #tpu.memory_space<vmem>>
      %dma_wait3A_45 = tpu.memref_slice %arg2[%add3A_42] : memref<160000xi32, #tpu.memory_space<hbm>> -> memref<40xi32, #tpu.memory_space<hbm>>
      %dma_wait3A_46 = arith.constant 0 : i32
      %dma_wait3A_47 = tpu.memref_slice %arg6[%scan3A_39, %dma_wait3A_46] : memref<125x40xi32, #tpu.memory_space<vmem>> -> memref<1x40xi32, #tpu.memory_space<vmem>>
      %dma_wait3A_48 = tpu.memref_squeeze %dma_wait3A_47 : memref<1x40xi32, #tpu.memory_space<vmem>> -> memref<40xi32, #tpu.memory_space<vmem>>
      %dma_wait3A_49 = tpu.memref_slice %arg2[%add3A_42] : memref<160000xi32, #tpu.memory_space<hbm>> -> memref<40xi32, #tpu.memory_space<hbm>>
      tpu.wait_dma2 semaphore(%arg10 : memref<!tpu.dma_semaphore, #tpu.memory_space<semaphore_mem>>) src(%dma_wait3A_49 : memref<40xi32, #tpu.memory_space<hbm>>) dst(%dma_wait3A_48 : memref<40xi32, #tpu.memory_space<vmem>>)
    }
    %scan3A_19 = arith.constant 125 : i32
    %barrier3A = arith.constant 0 : index
    tpu.barrier barrier_id(%barrier3A)
    %scan3A_20 = arith.constant 0 : i32
    %scan3A_21 = arith.constant 0 : i32
    %scan3A_22 = arith.constant 125 : i32
    %scan3A_23 = arith.addi %scan3A_21, %scan3A_22 : i32
    %scan3A_24 = arith.constant 1 : i32
    scf.for %scan3A_39 = %scan3A_21 to %scan3A_23 step %scan3A_24  : i32 {
      %dma_start3A = arith.constant 0 : i32
      %dma_start3A_40 = tpu.memref_slice %arg6[%scan3A_39, %dma_start3A] : memref<125x40xi32, #tpu.memory_space<vmem>> -> memref<1x40xi32, #tpu.memory_space<vmem>>
      %dma_start3A_41 = tpu.memref_squeeze %dma_start3A_40 : memref<1x40xi32, #tpu.memory_space<vmem>> -> memref<40xi32, #tpu.memory_space<vmem>>
      %dma_start3A_42 = arith.constant 0 : i32
      %dma_start3A_43 = arith.constant 0 : i32
      %dma_start3A_44 = tpu.memref_slice %arg9[%dma_start3A_42, %dma_start3A_43] : memref<10000x128xf32, #tpu.memory_space<vmem_shared>> -> memref<10000x128xf32, #tpu.memory_space<vmem_shared>>
      tpu.enqueue_indirect_dma source(%arg7 : memref<40x128xf32, #tpu.memory_space<vmem>>) target(%dma_start3A_44 : memref<10000x128xf32, #tpu.memory_space<vmem_shared>>) offsets(%dma_start3A_41 : memref<40xi32, #tpu.memory_space<vmem>>) semaphore(%arg11 : memref<!tpu.dma_semaphore, #tpu.memory_space<semaphore_mem>>) {add = true}
    }
    %scan3A_25 = arith.constant 125 : i32
    %scan3A_26 = arith.constant 0 : i32
    %scan3A_27 = arith.constant 0 : i32
    %scan3A_28 = arith.constant 125 : i32
    %scan3A_29 = arith.addi %scan3A_27, %scan3A_28 : i32
    %scan3A_30 = arith.constant 1 : i32
    scf.for %scan3A_39 = %scan3A_27 to %scan3A_29 step %scan3A_30  : i32 {
      %dma_wait3A = arith.constant 0 : i32
      %dma_wait3A_40 = tpu.memref_slice %arg6[%scan3A_39, %dma_wait3A] : memref<125x40xi32, #tpu.memory_space<vmem>> -> memref<1x40xi32, #tpu.memory_space<vmem>>
      %dma_wait3A_41 = tpu.memref_squeeze %dma_wait3A_40 : memref<1x40xi32, #tpu.memory_space<vmem>> -> memref<40xi32, #tpu.memory_space<vmem>>
      %dma_wait3A_42 = arith.constant 0 : i32
      %dma_wait3A_43 = arith.constant 0 : i32
      %dma_wait3A_44 = tpu.memref_slice %arg9[%dma_wait3A_42, %dma_wait3A_43] : memref<10000x128xf32, #tpu.memory_space<vmem_shared>> -> memref<10000x128xf32, #tpu.memory_space<vmem_shared>>
      tpu.wait_indirect_dma semaphore(%arg11 : memref<!tpu.dma_semaphore, #tpu.memory_space<semaphore_mem>>) src(%arg7 : memref<40x128xf32, #tpu.memory_space<vmem>>) dst(%dma_wait3A_44 : memref<10000x128xf32, #tpu.memory_space<vmem_shared>>)
    }
    %scan3A_31 = arith.constant 125 : i32
    %barrier3A_32 = arith.constant 0 : index
    tpu.barrier barrier_id(%barrier3A_32)
    %scan3A_33 = arith.constant 0 : i32
    %scan3A_34 = arith.constant 0 : i32
    %scan3A_35 = arith.constant 8 : i32
    %scan3A_36 = arith.addi %scan3A_34, %scan3A_35 : i32
    %scan3A_37 = arith.constant 1 : i32
    scf.for %scan3A_39 = %scan3A_34 to %scan3A_36 step %scan3A_37  : i32 {
      %mul3A_40 = arith.constant 16 : i32
      %mul3A_41 = arith.muli %scan3A_39, %mul3A_40 : i32
      %add3A_42 = arith.addi %arg1, %mul3A_41 : i32
      %lt3A = arith.constant 125 : i32
      %lt3A_43 = arith.cmpi slt, %add3A_42, %lt3A : i32
      %convert_element_type3A = arith.extui %lt3A_43 : i1 to i32
      %cond3A = arith.constant 0 : i32
      %cond3A_44 = arith.cmpi ne, %convert_element_type3A, %cond3A : i32
      scf.if %cond3A_44 {
        %mul3A_45 = arith.constant 80 : i32
        %mul3A_46 = arith.muli %add3A_42, %mul3A_45 : i32
        "tpu.region"() ({
          %run_scoped3A = tpu.sem_alloc : memref<!tpu.dma_semaphore, #tpu.memory_space<semaphore_mem>>
          %dma_start3A = arith.constant 0 : i32
          %dma_start3A_47 = tpu.memref_slice %arg9[%mul3A_46, %dma_start3A] : memref<10000x128xf32, #tpu.memory_space<vmem_shared>> -> memref<80x128xf32, #tpu.memory_space<vmem_shared>>
          %dma_start3A_48 = arith.constant 0 : i32
          %dma_start3A_49 = tpu.memref_slice %arg9[%mul3A_46, %dma_start3A_48] : memref<10000x128xf32, #tpu.memory_space<vmem_shared>> -> memref<80x128xf32, #tpu.memory_space<vmem_shared>>
          tpu.enqueue_dma source(%dma_start3A_49 : memref<80x128xf32, #tpu.memory_space<vmem_shared>>) target(%arg8 : memref<80x128xf32, #tpu.memory_space<vmem>>) target_semaphore(%run_scoped3A : memref<!tpu.dma_semaphore, #tpu.memory_space<semaphore_mem>>)
          %dma_wait3A = arith.constant 0 : i32
          %dma_wait3A_50 = tpu.memref_slice %arg9[%mul3A_46, %dma_wait3A] : memref<10000x128xf32, #tpu.memory_space<vmem_shared>> -> memref<80x128xf32, #tpu.memory_space<vmem_shared>>
          %dma_wait3A_51 = arith.constant 0 : i32
          %dma_wait3A_52 = tpu.memref_slice %arg9[%mul3A_46, %dma_wait3A_51] : memref<10000x128xf32, #tpu.memory_space<vmem_shared>> -> memref<80x128xf32, #tpu.memory_space<vmem_shared>>
          tpu.wait_dma2 semaphore(%run_scoped3A : memref<!tpu.dma_semaphore, #tpu.memory_space<semaphore_mem>>) src(%dma_wait3A_52 : memref<80x128xf32, #tpu.memory_space<vmem_shared>>) dst(%arg8 : memref<80x128xf32, #tpu.memory_space<vmem>>)
          tpu.yield
        }) : () -> ()
        "tpu.region"() ({
          %run_scoped3A = tpu.sem_alloc : memref<!tpu.dma_semaphore, #tpu.memory_space<semaphore_mem>>
          %dma_start3A = arith.constant 0 : i32
          %dma_start3A_47 = tpu.memref_slice %arg5[%arg0, %mul3A_46, %dma_start3A] : memref<2x10000x128xf32, #tpu.memory_space<hbm>> -> memref<1x80x128xf32, #tpu.memory_space<hbm>>
          %dma_start3A_48 = tpu.memref_squeeze %dma_start3A_47 : memref<1x80x128xf32, #tpu.memory_space<hbm>> -> memref<80x128xf32, #tpu.memory_space<hbm>>
          %dma_start3A_49 = arith.constant 0 : i32
          %dma_start3A_50 = tpu.memref_slice %arg5[%arg0, %mul3A_46, %dma_start3A_49] : memref<2x10000x128xf32, #tpu.memory_space<hbm>> -> memref<1x80x128xf32, #tpu.memory_space<hbm>>
          %dma_start3A_51 = tpu.memref_squeeze %dma_start3A_50 : memref<1x80x128xf32, #tpu.memory_space<hbm>> -> memref<80x128xf32, #tpu.memory_space<hbm>>
          tpu.enqueue_dma source(%arg8 : memref<80x128xf32, #tpu.memory_space<vmem>>) target(%dma_start3A_51 : memref<80x128xf32, #tpu.memory_space<hbm>>) target_semaphore(%run_scoped3A : memref<!tpu.dma_semaphore, #tpu.memory_space<semaphore_mem>>)
          %dma_wait3A = arith.constant 0 : i32
          %dma_wait3A_52 = tpu.memref_slice %arg5[%arg0, %mul3A_46, %dma_wait3A] : memref<2x10000x128xf32, #tpu.memory_space<hbm>> -> memref<1x80x128xf32, #tpu.memory_space<hbm>>
          %dma_wait3A_53 = tpu.memref_squeeze %dma_wait3A_52 : memref<1x80x128xf32, #tpu.memory_space<hbm>> -> memref<80x128xf32, #tpu.memory_space<hbm>>
          %dma_wait3A_54 = arith.constant 0 : i32
          %dma_wait3A_55 = tpu.memref_slice %arg5[%arg0, %mul3A_46, %dma_wait3A_54] : memref<2x10000x128xf32, #tpu.memory_space<hbm>> -> memref<1x80x128xf32, #tpu.memory_space<hbm>>
          %dma_wait3A_56 = tpu.memref_squeeze %dma_wait3A_55 : memref<1x80x128xf32, #tpu.memory_space<hbm>> -> memref<80x128xf32, #tpu.memory_space<hbm>>
          tpu.wait_dma2 semaphore(%run_scoped3A : memref<!tpu.dma_semaphore, #tpu.memory_space<semaphore_mem>>) src(%arg8 : memref<80x128xf32, #tpu.memory_space<vmem>>) dst(%dma_wait3A_56 : memref<80x128xf32, #tpu.memory_space<hbm>>)
          tpu.yield
        }) : () -> ()
      } else {
      }
    }
    %scan3A_38 = arith.constant 8 : i32
    return
  }
}

module attributes {stable_mosaic.version = 14 : i64} {
  func.func @_tc1_body(%arg0: i32, %arg1: memref<1000x256xf32, #tpu.memory_space<vmem>>, %arg2: memref<2x1000x128xf32, #tpu.memory_space<vmem>>, %arg3: memref<1x256xf32, #tpu.memory_space<vmem>>, %arg4: memref<1x256xf32, #tpu.memory_space<vmem>>, %arg5: memref<256x256xf32, #tpu.memory_space<vmem>>, %arg6: memref<2x1000x128xf32, #tpu.memory_space<vmem>>, %arg7: memref<1000x8xf32, #tpu.memory_space<vmem>>) attributes {dimension_semantics = [#tpu.dimension_semantics<arbitrary>], iteration_bounds = array<i64: 10>, scalar_prefetch = 0 : i64, scratch_operands = 0 : i64, tpu.core_type = #tpu.core_type<tc>, window_params = [{transform_indices = @transform_0, window_bounds = array<i64: 1000, 256>}, {transform_indices = @transform_1, window_bounds = array<i64: 2, 1000, 128>}, {pipeline_mode = #tpu.pipeline_mode<synchronous>, transform_indices = @transform_2, window_bounds = array<i64: 1, 256>}, {pipeline_mode = #tpu.pipeline_mode<synchronous>, transform_indices = @transform_3, window_bounds = array<i64: 1, 256>}, {pipeline_mode = #tpu.pipeline_mode<synchronous>, transform_indices = @transform_4, window_bounds = array<i64: 256, 256>}, {transform_indices = @transform_5, window_bounds = array<i64: 2, 1000, 128>}, {transform_indices = @transform_6, window_bounds = array<i64: 1000, 8>}]} {
    %get3A = arith.constant 0 : index
    %get3A_0 = arith.constant 0 : index
    %get3A_1 = vector.load %arg1[%get3A, %get3A_0] : memref<1000x256xf32, #tpu.memory_space<vmem>>, vector<1000x256xf32>
    %get3A_2 = arith.constant 0 : index
    %get3A_3 = arith.constant 0 : index
    %get3A_4 = vector.load %arg3[%get3A_2, %get3A_3] : memref<1x256xf32, #tpu.memory_space<vmem>>, vector<1x256xf32>
    %get3A_5 = arith.constant 0 : index
    %get3A_6 = arith.constant 0 : index
    %get3A_7 = vector.load %arg4[%get3A_5, %get3A_6] : memref<1x256xf32, #tpu.memory_space<vmem>>, vector<1x256xf32>
    %reduce_sum3A = arith.constant dense<0.000000e+00> : vector<1000xf32>
    %reduce_sum3A_8 = vector.multi_reduction <add>, %get3A_1, %reduce_sum3A [1] : vector<1000x256xf32> to vector<1000xf32>
    %broadcast_in_dim3A = vector.shape_cast %reduce_sum3A_8 : vector<1000xf32> to vector<1000x1xf32>
    %div3A = arith.constant 2.560000e+02 : f32
    %div3A_9 = vector.broadcast %div3A : f32 to vector<1000x1xf32>
    %div3A_10 = arith.divf %broadcast_in_dim3A, %div3A_9 : vector<1000x1xf32>
    %sub3A = vector.broadcast %div3A_10 : vector<1000x1xf32> to vector<1000x256xf32>
    %sub3A_11 = arith.subf %get3A_1, %sub3A : vector<1000x256xf32>
    %mul3A = arith.mulf %sub3A_11, %sub3A_11 : vector<1000x256xf32>
    %reduce_sum3A_12 = arith.constant dense<0.000000e+00> : vector<1000xf32>
    %reduce_sum3A_13 = vector.multi_reduction <add>, %mul3A, %reduce_sum3A_12 [1] : vector<1000x256xf32> to vector<1000xf32>
    %broadcast_in_dim3A_14 = vector.shape_cast %reduce_sum3A_13 : vector<1000xf32> to vector<1000x1xf32>
    %div3A_15 = arith.constant 2.560000e+02 : f32
    %div3A_16 = vector.broadcast %div3A_15 : f32 to vector<1000x1xf32>
    %div3A_17 = arith.divf %broadcast_in_dim3A_14, %div3A_16 : vector<1000x1xf32>
    %add3A = arith.constant 9.99999974E-6 : f32
    %add3A_18 = vector.broadcast %add3A : f32 to vector<1000x1xf32>
    %add3A_19 = arith.addf %div3A_17, %add3A_18 : vector<1000x1xf32>
    %rsqrt3A = math.rsqrt %add3A_19 : vector<1000x1xf32>
    %mul3A_20 = vector.broadcast %rsqrt3A : vector<1000x1xf32> to vector<1000x256xf32>
    %mul3A_21 = arith.mulf %sub3A_11, %mul3A_20 : vector<1000x256xf32>
    %mul3A_22 = vector.broadcast %get3A_4 : vector<1x256xf32> to vector<1000x256xf32>
    %mul3A_23 = arith.mulf %mul3A_21, %mul3A_22 : vector<1000x256xf32>
    %add3A_24 = vector.broadcast %get3A_7 : vector<1x256xf32> to vector<1000x256xf32>
    %add3A_25 = arith.addf %mul3A_23, %add3A_24 : vector<1000x256xf32>
    %get3A_26 = arith.constant 0 : index
    %get3A_27 = arith.constant 0 : index
    %get3A_28 = vector.load %arg5[%get3A_26, %get3A_27] : memref<256x256xf32, #tpu.memory_space<vmem>>, vector<256x256xf32>
    %dot_general3A = arith.constant dense<0.000000e+00> : vector<1000x256xf32>
    %dot_general3A_29 = tpu.matmul %add3A_25, %get3A_28, %dot_general3A {dimension_numbers = #tpu.dot_dimension_numbers<[1], [0], [0], [1], [0, 0, 1, 1], [], []>, transpose_lhs_hint = false} : vector<1000x256xf32>, vector<256x256xf32>, vector<1000x256xf32> -> vector<1000x256xf32>
    %get3A_30 = arith.constant 0 : index
    %get3A_31 = arith.constant 0 : index
    %get3A_32 = arith.constant 0 : index
    %get3A_33 = vector.load %arg2[%get3A_30, %get3A_31, %get3A_32] : memref<2x1000x128xf32, #tpu.memory_space<vmem>>, vector<1x1000x1xf32>
    %get3A_34 = vector.shape_cast %get3A_33 : vector<1x1000x1xf32> to vector<1000x1xf32>
    %get3A_35 = arith.constant 1 : index
    %get3A_36 = arith.constant 0 : index
    %get3A_37 = arith.constant 0 : index
    %get3A_38 = vector.load %arg2[%get3A_35, %get3A_36, %get3A_37] : memref<2x1000x128xf32, #tpu.memory_space<vmem>>, vector<1x1000x1xf32>
    %get3A_39 = vector.shape_cast %get3A_38 : vector<1x1000x1xf32> to vector<1000x1xf32>
    %add3A_40 = arith.addf %get3A_34, %get3A_39 : vector<1000x1xf32>
    %add3A_41 = arith.constant 1.000000e+00 : f32
    %add3A_42 = vector.broadcast %add3A_41 : f32 to vector<1000x1xf32>
    %add3A_43 = arith.addf %add3A_40, %add3A_42 : vector<1000x1xf32>
    %rsqrt3A_44 = math.rsqrt %add3A_43 : vector<1000x1xf32>
    %mul3A_45 = vector.broadcast %rsqrt3A_44 : vector<1000x1xf32> to vector<1000x256xf32>
    %mul3A_46 = arith.mulf %dot_general3A_29, %mul3A_45 : vector<1000x256xf32>
    %slice3A = vector.extract_strided_slice %mul3A_46 {offsets = [0, 0], sizes = [1000, 128], strides = [1, 1]} : vector<1000x256xf32> to vector<1000x128xf32>
    %swap3A = arith.constant 0 : index
    %swap3A_47 = arith.constant 0 : index
    %swap3A_48 = arith.constant 0 : index
    %swap3A_49 = vector.load %arg6[%swap3A, %swap3A_47, %swap3A_48] : memref<2x1000x128xf32, #tpu.memory_space<vmem>>, vector<1x1000x128xf32>
    %swap3A_50 = vector.shape_cast %swap3A_49 : vector<1x1000x128xf32> to vector<1000x128xf32>
    %swap3A_51 = vector.shape_cast %slice3A : vector<1000x128xf32> to vector<1x1000x128xf32>
    tpu.vector_store %arg6[%swap3A, %swap3A_47, %swap3A_48], %swap3A_51 {strides = array<i32>} : memref<2x1000x128xf32, #tpu.memory_space<vmem>>, vector<1x1000x128xf32>,
    %slice3A_52 = vector.extract_strided_slice %mul3A_46 {offsets = [0, 128], sizes = [1000, 128], strides = [1, 1]} : vector<1000x256xf32> to vector<1000x128xf32>
    %swap3A_53 = arith.constant 1 : index
    %swap3A_54 = arith.constant 0 : index
    %swap3A_55 = arith.constant 0 : index
    %swap3A_56 = vector.load %arg6[%swap3A_53, %swap3A_54, %swap3A_55] : memref<2x1000x128xf32, #tpu.memory_space<vmem>>, vector<1x1000x128xf32>
    %swap3A_57 = vector.shape_cast %swap3A_56 : vector<1x1000x128xf32> to vector<1000x128xf32>
    %swap3A_58 = vector.shape_cast %slice3A_52 : vector<1000x128xf32> to vector<1x1000x128xf32>
    tpu.vector_store %arg6[%swap3A_53, %swap3A_54, %swap3A_55], %swap3A_58 {strides = array<i32>} : memref<2x1000x128xf32, #tpu.memory_space<vmem>>, vector<1x1000x128xf32>,
    %broadcast_in_dim3A_59 = vector.shape_cast %rsqrt3A_44 : vector<1000x1xf32> to vector<1000x1xf32>
    %broadcast_in_dim3A_60 = vector.broadcast %broadcast_in_dim3A_59 : vector<1000x1xf32> to vector<1000x8xf32>
    %swap3A_61 = arith.constant 0 : index
    %swap3A_62 = arith.constant 0 : index
    %swap3A_63 = vector.load %arg7[%swap3A_61, %swap3A_62] : memref<1000x8xf32, #tpu.memory_space<vmem>>, vector<1000x8xf32>
    tpu.vector_store %arg7[%swap3A_61, %swap3A_62], %broadcast_in_dim3A_60 {strides = array<i32>} : memref<1000x8xf32, #tpu.memory_space<vmem>>, vector<1000x8xf32>,
    return
  }
  func.func @transform_0(%arg0: i32) -> (i32, i32) {
    %c0_i32 = arith.constant 0 : i32
    %c0_i32_0 = arith.constant 0 : i32
    return %arg0, %c0_i32 : i32, i32
  }
  func.func @transform_1(%arg0: i32) -> (i32, i32, i32) {
    %c0_i32 = arith.constant 0 : i32
    %c0_i32_0 = arith.constant 0 : i32
    %c0_i32_1 = arith.constant 0 : i32
    return %c0_i32, %arg0, %c0_i32_0 : i32, i32, i32
  }
  func.func @transform_2(%arg0: i32) -> (i32, i32) {
    %c0_i32 = arith.constant 0 : i32
    %c0_i32_0 = arith.constant 0 : i32
    %c0_i32_1 = arith.constant 0 : i32
    return %c0_i32, %c0_i32_0 : i32, i32
  }
  func.func @transform_3(%arg0: i32) -> (i32, i32) {
    %c0_i32 = arith.constant 0 : i32
    %c0_i32_0 = arith.constant 0 : i32
    %c0_i32_1 = arith.constant 0 : i32
    return %c0_i32, %c0_i32_0 : i32, i32
  }
  func.func @transform_4(%arg0: i32) -> (i32, i32) {
    %c0_i32 = arith.constant 0 : i32
    %c0_i32_0 = arith.constant 0 : i32
    %c0_i32_1 = arith.constant 0 : i32
    return %c0_i32, %c0_i32_0 : i32, i32
  }
  func.func @transform_5(%arg0: i32) -> (i32, i32, i32) {
    %c0_i32 = arith.constant 0 : i32
    %c0_i32_0 = arith.constant 0 : i32
    %c0_i32_1 = arith.constant 0 : i32
    return %c0_i32, %arg0, %c0_i32_0 : i32, i32, i32
  }
  func.func @transform_6(%arg0: i32) -> (i32, i32) {
    %c0_i32 = arith.constant 0 : i32
    %c0_i32_0 = arith.constant 0 : i32
    return %arg0, %c0_i32 : i32, i32
  }
}

module attributes {stable_mosaic.version = 14 : i64} {
  func.func @_tc2_body(%arg0: i32, %arg1: memref<2x1000x128xf32, #tpu.memory_space<vmem>>, %arg2: memref<2x1000x128xf32, #tpu.memory_space<vmem>>, %arg3: memref<1000x8xf32, #tpu.memory_space<vmem>>, %arg4: memref<1x128xf32, #tpu.memory_space<vmem>>, %arg5: memref<1x128xf32, #tpu.memory_space<vmem>>, %arg6: memref<128x256xf32, #tpu.memory_space<vmem>>, %arg7: memref<1x256xf32, #tpu.memory_space<vmem>>, %arg8: memref<128x256xf32, #tpu.memory_space<vmem>>, %arg9: memref<1x256xf32, #tpu.memory_space<vmem>>, %arg10: memref<1x256xf32, #tpu.memory_space<vmem>>, %arg11: memref<1x256xf32, #tpu.memory_space<vmem>>, %arg12: memref<1x256xf32, #tpu.memory_space<vmem>>, %arg13: memref<256x256xf32, #tpu.memory_space<vmem>>, %arg14: memref<2x1000x128xf32, #tpu.memory_space<vmem>>) attributes {dimension_semantics = [#tpu.dimension_semantics<arbitrary>], iteration_bounds = array<i64: 10>, scalar_prefetch = 0 : i64, scratch_operands = 0 : i64, tpu.core_type = #tpu.core_type<tc>, window_params = [{transform_indices = @transform_0, window_bounds = array<i64: 2, 1000, 128>}, {transform_indices = @transform_1, window_bounds = array<i64: 2, 1000, 128>}, {transform_indices = @transform_2, window_bounds = array<i64: 1000, 8>}, {pipeline_mode = #tpu.pipeline_mode<synchronous>, transform_indices = @transform_3, window_bounds = array<i64: 1, 128>}, {pipeline_mode = #tpu.pipeline_mode<synchronous>, transform_indices = @transform_4, window_bounds = array<i64: 1, 128>}, {pipeline_mode = #tpu.pipeline_mode<synchronous>, transform_indices = @transform_5, window_bounds = array<i64: 128, 256>}, {pipeline_mode = #tpu.pipeline_mode<synchronous>, transform_indices = @transform_6, window_bounds = array<i64: 1, 256>}, {pipeline_mode = #tpu.pipeline_mode<synchronous>, transform_indices = @transform_7, window_bounds = array<i64: 128, 256>}, {pipeline_mode = #tpu.pipeline_mode<synchronous>, transform_indices = @transform_8, window_bounds = array<i64: 1, 256>}, {pipeline_mode = #tpu.pipeline_mode<synchronous>, transform_indices = @transform_9, window_bounds = array<i64: 1, 256>}, {pipeline_mode = #tpu.pipeline_mode<synchronous>, transform_indices = @transform_10, window_bounds = array<i64: 1, 256>}, {pipeline_mode = #tpu.pipeline_mode<synchronous>, transform_indices = @transform_11, window_bounds = array<i64: 1, 256>}, {pipeline_mode = #tpu.pipeline_mode<synchronous>, transform_indices = @transform_12, window_bounds = array<i64: 256, 256>}, {transform_indices = @transform_13, window_bounds = array<i64: 2, 1000, 128>}]} {
    %get3A = arith.constant 0 : index
    %get3A_0 = arith.constant 0 : index
    %get3A_1 = vector.load %arg3[%get3A, %get3A_0] : memref<1000x8xf32, #tpu.memory_space<vmem>>, vector<1000x1xf32>
    %get3A_2 = arith.constant 0 : index
    %get3A_3 = arith.constant 0 : index
    %get3A_4 = arith.constant 0 : index
    %get3A_5 = vector.load %arg1[%get3A_2, %get3A_3, %get3A_4] : memref<2x1000x128xf32, #tpu.memory_space<vmem>>, vector<1x1000x128xf32>
    %get3A_6 = vector.shape_cast %get3A_5 : vector<1x1000x128xf32> to vector<1000x128xf32>
    %get3A_7 = arith.constant 0 : index
    %get3A_8 = arith.constant 0 : index
    %get3A_9 = arith.constant 0 : index
    %get3A_10 = vector.load %arg2[%get3A_7, %get3A_8, %get3A_9] : memref<2x1000x128xf32, #tpu.memory_space<vmem>>, vector<1x1000x128xf32>
    %get3A_11 = vector.shape_cast %get3A_10 : vector<1x1000x128xf32> to vector<1000x128xf32>
    %add3A = arith.addf %get3A_6, %get3A_11 : vector<1000x128xf32>
    %mul3A = vector.broadcast %get3A_1 : vector<1000x1xf32> to vector<1000x128xf32>
    %mul3A_12 = arith.mulf %add3A, %mul3A : vector<1000x128xf32>
    %get3A_13 = arith.constant 1 : index
    %get3A_14 = arith.constant 0 : index
    %get3A_15 = arith.constant 0 : index
    %get3A_16 = vector.load %arg1[%get3A_13, %get3A_14, %get3A_15] : memref<2x1000x128xf32, #tpu.memory_space<vmem>>, vector<1x1000x128xf32>
    %get3A_17 = vector.shape_cast %get3A_16 : vector<1x1000x128xf32> to vector<1000x128xf32>
    %get3A_18 = arith.constant 1 : index
    %get3A_19 = arith.constant 0 : index
    %get3A_20 = arith.constant 0 : index
    %get3A_21 = vector.load %arg2[%get3A_18, %get3A_19, %get3A_20] : memref<2x1000x128xf32, #tpu.memory_space<vmem>>, vector<1x1000x128xf32>
    %get3A_22 = vector.shape_cast %get3A_21 : vector<1x1000x128xf32> to vector<1000x128xf32>
    %add3A_23 = arith.addf %get3A_17, %get3A_22 : vector<1000x128xf32>
    %mul3A_24 = vector.broadcast %get3A_1 : vector<1000x1xf32> to vector<1000x128xf32>
    %mul3A_25 = arith.mulf %add3A_23, %mul3A_24 : vector<1000x128xf32>
    %concatenate3A = tpu.concatenate %mul3A_12, %mul3A_25 in 1 : vector<1000x128xf32>, vector<1000x128xf32> -> vector<1000x256xf32>
    %get3A_26 = arith.constant 0 : index
    %get3A_27 = arith.constant 0 : index
    %get3A_28 = vector.load %arg10[%get3A_26, %get3A_27] : memref<1x256xf32, #tpu.memory_space<vmem>>, vector<1x256xf32>
    %get3A_29 = arith.constant 0 : index
    %get3A_30 = arith.constant 0 : index
    %get3A_31 = vector.load %arg7[%get3A_29, %get3A_30] : memref<1x256xf32, #tpu.memory_space<vmem>>, vector<1x256xf32>
    %add3A_32 = arith.addf %get3A_28, %get3A_31 : vector<1x256xf32>
    %get3A_33 = arith.constant 0 : index
    %get3A_34 = arith.constant 0 : index
    %get3A_35 = vector.load %arg9[%get3A_33, %get3A_34] : memref<1x256xf32, #tpu.memory_space<vmem>>, vector<1x256xf32>
    %add3A_36 = arith.addf %add3A_32, %get3A_35 : vector<1x256xf32>
    %get3A_37 = arith.constant 0 : index
    %get3A_38 = arith.constant 0 : index
    %get3A_39 = vector.load %arg4[%get3A_37, %get3A_38] : memref<1x128xf32, #tpu.memory_space<vmem>>, vector<1x128xf32>
    %get3A_40 = arith.constant 0 : index
    %get3A_41 = arith.constant 0 : index
    %get3A_42 = vector.load %arg6[%get3A_40, %get3A_41] : memref<128x256xf32, #tpu.memory_space<vmem>>, vector<128x256xf32>
    %dot_general3A = arith.constant dense<0.000000e+00> : vector<1x256xf32>
    %dot_general3A_43 = tpu.matmul %get3A_39, %get3A_42, %dot_general3A {dimension_numbers = #tpu.dot_dimension_numbers<[1], [0], [0], [1], [0, 0, 1, 1], [], []>, transpose_lhs_hint = false} : vector<1x128xf32>, vector<128x256xf32>, vector<1x256xf32> -> vector<1x256xf32>
    %add3A_44 = arith.addf %add3A_36, %dot_general3A_43 : vector<1x256xf32>
    %get3A_45 = arith.constant 0 : index
    %get3A_46 = arith.constant 0 : index
    %get3A_47 = vector.load %arg5[%get3A_45, %get3A_46] : memref<1x128xf32, #tpu.memory_space<vmem>>, vector<1x128xf32>
    %get3A_48 = arith.constant 0 : index
    %get3A_49 = arith.constant 0 : index
    %get3A_50 = vector.load %arg8[%get3A_48, %get3A_49] : memref<128x256xf32, #tpu.memory_space<vmem>>, vector<128x256xf32>
    %dot_general3A_51 = arith.constant dense<0.000000e+00> : vector<1x256xf32>
    %dot_general3A_52 = tpu.matmul %get3A_47, %get3A_50, %dot_general3A_51 {dimension_numbers = #tpu.dot_dimension_numbers<[1], [0], [0], [1], [0, 0, 1, 1], [], []>, transpose_lhs_hint = false} : vector<1x128xf32>, vector<128x256xf32>, vector<1x256xf32> -> vector<1x256xf32>
    %add3A_53 = arith.addf %add3A_44, %dot_general3A_52 : vector<1x256xf32>
    %add3A_54 = vector.broadcast %add3A_53 : vector<1x256xf32> to vector<1000x256xf32>
    %add3A_55 = arith.addf %concatenate3A, %add3A_54 : vector<1000x256xf32>
    %logistic3A = arith.negf %add3A_55 : vector<1000x256xf32>
    %logistic3A_56 = math.exp %logistic3A : vector<1000x256xf32>
    %logistic3A_57 = arith.constant 1.000000e+00 : f32
    %logistic3A_58 = vector.broadcast %logistic3A_57 : f32 to vector<1000x256xf32>
    %logistic3A_59 = arith.addf %logistic3A_58, %logistic3A_56 : vector<1000x256xf32>
    %logistic3A_60 = arith.divf %logistic3A_58, %logistic3A_59 : vector<1000x256xf32>
    %mul3A_61 = arith.mulf %add3A_55, %logistic3A_60 : vector<1000x256xf32>
    %get3A_62 = arith.constant 0 : index
    %get3A_63 = arith.constant 0 : index
    %get3A_64 = vector.load %arg11[%get3A_62, %get3A_63] : memref<1x256xf32, #tpu.memory_space<vmem>>, vector<1x256xf32>
    %get3A_65 = arith.constant 0 : index
    %get3A_66 = arith.constant 0 : index
    %get3A_67 = vector.load %arg12[%get3A_65, %get3A_66] : memref<1x256xf32, #tpu.memory_space<vmem>>, vector<1x256xf32>
    %reduce_sum3A = arith.constant dense<0.000000e+00> : vector<1000xf32>
    %reduce_sum3A_68 = vector.multi_reduction <add>, %mul3A_61, %reduce_sum3A [1] : vector<1000x256xf32> to vector<1000xf32>
    %broadcast_in_dim3A = vector.shape_cast %reduce_sum3A_68 : vector<1000xf32> to vector<1000x1xf32>
    %div3A = arith.constant 2.560000e+02 : f32
    %div3A_69 = vector.broadcast %div3A : f32 to vector<1000x1xf32>
    %div3A_70 = arith.divf %broadcast_in_dim3A, %div3A_69 : vector<1000x1xf32>
    %sub3A = vector.broadcast %div3A_70 : vector<1000x1xf32> to vector<1000x256xf32>
    %sub3A_71 = arith.subf %mul3A_61, %sub3A : vector<1000x256xf32>
    %mul3A_72 = arith.mulf %sub3A_71, %sub3A_71 : vector<1000x256xf32>
    %reduce_sum3A_73 = arith.constant dense<0.000000e+00> : vector<1000xf32>
    %reduce_sum3A_74 = vector.multi_reduction <add>, %mul3A_72, %reduce_sum3A_73 [1] : vector<1000x256xf32> to vector<1000xf32>
    %broadcast_in_dim3A_75 = vector.shape_cast %reduce_sum3A_74 : vector<1000xf32> to vector<1000x1xf32>
    %div3A_76 = arith.constant 2.560000e+02 : f32
    %div3A_77 = vector.broadcast %div3A_76 : f32 to vector<1000x1xf32>
    %div3A_78 = arith.divf %broadcast_in_dim3A_75, %div3A_77 : vector<1000x1xf32>
    %add3A_79 = arith.constant 9.99999974E-6 : f32
    %add3A_80 = vector.broadcast %add3A_79 : f32 to vector<1000x1xf32>
    %add3A_81 = arith.addf %div3A_78, %add3A_80 : vector<1000x1xf32>
    %rsqrt3A = math.rsqrt %add3A_81 : vector<1000x1xf32>
    %mul3A_82 = vector.broadcast %rsqrt3A : vector<1000x1xf32> to vector<1000x256xf32>
    %mul3A_83 = arith.mulf %sub3A_71, %mul3A_82 : vector<1000x256xf32>
    %mul3A_84 = vector.broadcast %get3A_64 : vector<1x256xf32> to vector<1000x256xf32>
    %mul3A_85 = arith.mulf %mul3A_83, %mul3A_84 : vector<1000x256xf32>
    %add3A_86 = vector.broadcast %get3A_67 : vector<1x256xf32> to vector<1000x256xf32>
    %add3A_87 = arith.addf %mul3A_85, %add3A_86 : vector<1000x256xf32>
    %get3A_88 = arith.constant 0 : index
    %get3A_89 = arith.constant 0 : index
    %get3A_90 = vector.load %arg13[%get3A_88, %get3A_89] : memref<256x256xf32, #tpu.memory_space<vmem>>, vector<256x256xf32>
    %dot_general3A_91 = arith.constant dense<0.000000e+00> : vector<1000x256xf32>
    %dot_general3A_92 = tpu.matmul %add3A_87, %get3A_90, %dot_general3A_91 {dimension_numbers = #tpu.dot_dimension_numbers<[1], [0], [0], [1], [0, 0, 1, 1], [], []>, transpose_lhs_hint = false} : vector<1000x256xf32>, vector<256x256xf32>, vector<1000x256xf32> -> vector<1000x256xf32>
    %mul3A_93 = vector.broadcast %get3A_1 : vector<1000x1xf32> to vector<1000x256xf32>
    %mul3A_94 = arith.mulf %dot_general3A_92, %mul3A_93 : vector<1000x256xf32>
    %slice3A = vector.extract_strided_slice %mul3A_94 {offsets = [0, 0], sizes = [1000, 128], strides = [1, 1]} : vector<1000x256xf32> to vector<1000x128xf32>
    %swap3A = arith.constant 0 : index
    %swap3A_95 = arith.constant 0 : index
    %swap3A_96 = arith.constant 0 : index
    %swap3A_97 = vector.load %arg14[%swap3A, %swap3A_95, %swap3A_96] : memref<2x1000x128xf32, #tpu.memory_space<vmem>>, vector<1x1000x128xf32>
    %swap3A_98 = vector.shape_cast %swap3A_97 : vector<1x1000x128xf32> to vector<1000x128xf32>
    %swap3A_99 = vector.shape_cast %slice3A : vector<1000x128xf32> to vector<1x1000x128xf32>
    tpu.vector_store %arg14[%swap3A, %swap3A_95, %swap3A_96], %swap3A_99 {strides = array<i32>} : memref<2x1000x128xf32, #tpu.memory_space<vmem>>, vector<1x1000x128xf32>,
    %slice3A_100 = vector.extract_strided_slice %mul3A_94 {offsets = [0, 128], sizes = [1000, 128], strides = [1, 1]} : vector<1000x256xf32> to vector<1000x128xf32>
    %swap3A_101 = arith.constant 1 : index
    %swap3A_102 = arith.constant 0 : index
    %swap3A_103 = arith.constant 0 : index
    %swap3A_104 = vector.load %arg14[%swap3A_101, %swap3A_102, %swap3A_103] : memref<2x1000x128xf32, #tpu.memory_space<vmem>>, vector<1x1000x128xf32>
    %swap3A_105 = vector.shape_cast %swap3A_104 : vector<1x1000x128xf32> to vector<1000x128xf32>
    %swap3A_106 = vector.shape_cast %slice3A_100 : vector<1000x128xf32> to vector<1x1000x128xf32>
    tpu.vector_store %arg14[%swap3A_101, %swap3A_102, %swap3A_103], %swap3A_106 {strides = array<i32>} : memref<2x1000x128xf32, #tpu.memory_space<vmem>>, vector<1x1000x128xf32>,
    return
  }
  func.func @transform_0(%arg0: i32) -> (i32, i32, i32) {
    %c0_i32 = arith.constant 0 : i32
    %c0_i32_0 = arith.constant 0 : i32
    %c0_i32_1 = arith.constant 0 : i32
    return %c0_i32, %arg0, %c0_i32_0 : i32, i32, i32
  }
  func.func @transform_1(%arg0: i32) -> (i32, i32, i32) {
    %c0_i32 = arith.constant 0 : i32
    %c0_i32_0 = arith.constant 0 : i32
    %c0_i32_1 = arith.constant 0 : i32
    return %c0_i32, %arg0, %c0_i32_0 : i32, i32, i32
  }
  func.func @transform_2(%arg0: i32) -> (i32, i32) {
    %c0_i32 = arith.constant 0 : i32
    %c0_i32_0 = arith.constant 0 : i32
    return %arg0, %c0_i32 : i32, i32
  }
  func.func @transform_3(%arg0: i32) -> (i32, i32) {
    %c0_i32 = arith.constant 0 : i32
    %c0_i32_0 = arith.constant 0 : i32
    %c0_i32_1 = arith.constant 0 : i32
    return %c0_i32, %c0_i32_0 : i32, i32
  }
  func.func @transform_4(%arg0: i32) -> (i32, i32) {
    %c0_i32 = arith.constant 0 : i32
    %c0_i32_0 = arith.constant 0 : i32
    %c0_i32_1 = arith.constant 0 : i32
    return %c0_i32, %c0_i32_0 : i32, i32
  }
  func.func @transform_5(%arg0: i32) -> (i32, i32) {
    %c0_i32 = arith.constant 0 : i32
    %c0_i32_0 = arith.constant 0 : i32
    %c0_i32_1 = arith.constant 0 : i32
    return %c0_i32, %c0_i32_0 : i32, i32
  }
  func.func @transform_6(%arg0: i32) -> (i32, i32) {
    %c0_i32 = arith.constant 0 : i32
    %c0_i32_0 = arith.constant 0 : i32
    %c0_i32_1 = arith.constant 0 : i32
    return %c0_i32, %c0_i32_0 : i32, i32
  }
  func.func @transform_7(%arg0: i32) -> (i32, i32) {
    %c0_i32 = arith.constant 0 : i32
    %c0_i32_0 = arith.constant 0 : i32
    %c0_i32_1 = arith.constant 0 : i32
    return %c0_i32, %c0_i32_0 : i32, i32
  }
  func.func @transform_8(%arg0: i32) -> (i32, i32) {
    %c0_i32 = arith.constant 0 : i32
    %c0_i32_0 = arith.constant 0 : i32
    %c0_i32_1 = arith.constant 0 : i32
    return %c0_i32, %c0_i32_0 : i32, i32
  }
  func.func @transform_9(%arg0: i32) -> (i32, i32) {
    %c0_i32 = arith.constant 0 : i32
    %c0_i32_0 = arith.constant 0 : i32
    %c0_i32_1 = arith.constant 0 : i32
    return %c0_i32, %c0_i32_0 : i32, i32
  }
  func.func @transform_10(%arg0: i32) -> (i32, i32) {
    %c0_i32 = arith.constant 0 : i32
    %c0_i32_0 = arith.constant 0 : i32
    %c0_i32_1 = arith.constant 0 : i32
    return %c0_i32, %c0_i32_0 : i32, i32
  }
  func.func @transform_11(%arg0: i32) -> (i32, i32) {
    %c0_i32 = arith.constant 0 : i32
    %c0_i32_0 = arith.constant 0 : i32
    %c0_i32_1 = arith.constant 0 : i32
    return %c0_i32, %c0_i32_0 : i32, i32
  }
  func.func @transform_12(%arg0: i32) -> (i32, i32) {
    %c0_i32 = arith.constant 0 : i32
    %c0_i32_0 = arith.constant 0 : i32
    %c0_i32_1 = arith.constant 0 : i32
    return %c0_i32, %c0_i32_0 : i32, i32
  }
  func.func @transform_13(%arg0: i32) -> (i32, i32, i32) {
    %c0_i32 = arith.constant 0 : i32
    %c0_i32_0 = arith.constant 0 : i32
    %c0_i32_1 = arith.constant 0 : i32
    return %c0_i32, %arg0, %c0_i32_0 : i32, i32, i32
  }
}

module attributes {stable_mosaic.version = 14 : i64} {
  func.func @_tc3_body(%arg0: i32, %arg1: memref<2x1000x128xf32, #tpu.memory_space<vmem>>, %arg2: memref<2x1000x128xf32, #tpu.memory_space<vmem>>, %arg3: memref<1000x8xf32, #tpu.memory_space<vmem>>, %arg4: memref<1000x256xf32, #tpu.memory_space<vmem>>, %arg5: memref<1x128xf32, #tpu.memory_space<vmem>>, %arg6: memref<1x128xf32, #tpu.memory_space<vmem>>, %arg7: memref<128x256xf32, #tpu.memory_space<vmem>>, %arg8: memref<1x256xf32, #tpu.memory_space<vmem>>, %arg9: memref<128x256xf32, #tpu.memory_space<vmem>>, %arg10: memref<1x256xf32, #tpu.memory_space<vmem>>, %arg11: memref<1x256xf32, #tpu.memory_space<vmem>>, %arg12: memref<1000x256xf32, #tpu.memory_space<vmem>>) attributes {dimension_semantics = [#tpu.dimension_semantics<arbitrary>], iteration_bounds = array<i64: 10>, scalar_prefetch = 0 : i64, scratch_operands = 0 : i64, tpu.core_type = #tpu.core_type<tc>, window_params = [{transform_indices = @transform_0, window_bounds = array<i64: 2, 1000, 128>}, {transform_indices = @transform_1, window_bounds = array<i64: 2, 1000, 128>}, {transform_indices = @transform_2, window_bounds = array<i64: 1000, 8>}, {transform_indices = @transform_3, window_bounds = array<i64: 1000, 256>}, {pipeline_mode = #tpu.pipeline_mode<synchronous>, transform_indices = @transform_4, window_bounds = array<i64: 1, 128>}, {pipeline_mode = #tpu.pipeline_mode<synchronous>, transform_indices = @transform_5, window_bounds = array<i64: 1, 128>}, {pipeline_mode = #tpu.pipeline_mode<synchronous>, transform_indices = @transform_6, window_bounds = array<i64: 128, 256>}, {pipeline_mode = #tpu.pipeline_mode<synchronous>, transform_indices = @transform_7, window_bounds = array<i64: 1, 256>}, {pipeline_mode = #tpu.pipeline_mode<synchronous>, transform_indices = @transform_8, window_bounds = array<i64: 128, 256>}, {pipeline_mode = #tpu.pipeline_mode<synchronous>, transform_indices = @transform_9, window_bounds = array<i64: 1, 256>}, {pipeline_mode = #tpu.pipeline_mode<synchronous>, transform_indices = @transform_10, window_bounds = array<i64: 1, 256>}, {transform_indices = @transform_11, window_bounds = array<i64: 1000, 256>}]} {
    %get3A = arith.constant 0 : index
    %get3A_0 = arith.constant 0 : index
    %get3A_1 = vector.load %arg3[%get3A, %get3A_0] : memref<1000x8xf32, #tpu.memory_space<vmem>>, vector<1000x1xf32>
    %get3A_2 = arith.constant 0 : index
    %get3A_3 = arith.constant 0 : index
    %get3A_4 = arith.constant 0 : index
    %get3A_5 = vector.load %arg1[%get3A_2, %get3A_3, %get3A_4] : memref<2x1000x128xf32, #tpu.memory_space<vmem>>, vector<1x1000x128xf32>
    %get3A_6 = vector.shape_cast %get3A_5 : vector<1x1000x128xf32> to vector<1000x128xf32>
    %get3A_7 = arith.constant 0 : index
    %get3A_8 = arith.constant 0 : index
    %get3A_9 = arith.constant 0 : index
    %get3A_10 = vector.load %arg2[%get3A_7, %get3A_8, %get3A_9] : memref<2x1000x128xf32, #tpu.memory_space<vmem>>, vector<1x1000x128xf32>
    %get3A_11 = vector.shape_cast %get3A_10 : vector<1x1000x128xf32> to vector<1000x128xf32>
    %add3A = arith.addf %get3A_6, %get3A_11 : vector<1000x128xf32>
    %mul3A = vector.broadcast %get3A_1 : vector<1000x1xf32> to vector<1000x128xf32>
    %mul3A_12 = arith.mulf %add3A, %mul3A : vector<1000x128xf32>
    %get3A_13 = arith.constant 1 : index
    %get3A_14 = arith.constant 0 : index
    %get3A_15 = arith.constant 0 : index
    %get3A_16 = vector.load %arg1[%get3A_13, %get3A_14, %get3A_15] : memref<2x1000x128xf32, #tpu.memory_space<vmem>>, vector<1x1000x128xf32>
    %get3A_17 = vector.shape_cast %get3A_16 : vector<1x1000x128xf32> to vector<1000x128xf32>
    %get3A_18 = arith.constant 1 : index
    %get3A_19 = arith.constant 0 : index
    %get3A_20 = arith.constant 0 : index
    %get3A_21 = vector.load %arg2[%get3A_18, %get3A_19, %get3A_20] : memref<2x1000x128xf32, #tpu.memory_space<vmem>>, vector<1x1000x128xf32>
    %get3A_22 = vector.shape_cast %get3A_21 : vector<1x1000x128xf32> to vector<1000x128xf32>
    %add3A_23 = arith.addf %get3A_17, %get3A_22 : vector<1000x128xf32>
    %mul3A_24 = vector.broadcast %get3A_1 : vector<1000x1xf32> to vector<1000x128xf32>
    %mul3A_25 = arith.mulf %add3A_23, %mul3A_24 : vector<1000x128xf32>
    %concatenate3A = tpu.concatenate %mul3A_12, %mul3A_25 in 1 : vector<1000x128xf32>, vector<1000x128xf32> -> vector<1000x256xf32>
    %get3A_26 = arith.constant 0 : index
    %get3A_27 = arith.constant 0 : index
    %get3A_28 = vector.load %arg11[%get3A_26, %get3A_27] : memref<1x256xf32, #tpu.memory_space<vmem>>, vector<1x256xf32>
    %get3A_29 = arith.constant 0 : index
    %get3A_30 = arith.constant 0 : index
    %get3A_31 = vector.load %arg8[%get3A_29, %get3A_30] : memref<1x256xf32, #tpu.memory_space<vmem>>, vector<1x256xf32>
    %add3A_32 = arith.addf %get3A_28, %get3A_31 : vector<1x256xf32>
    %get3A_33 = arith.constant 0 : index
    %get3A_34 = arith.constant 0 : index
    %get3A_35 = vector.load %arg10[%get3A_33, %get3A_34] : memref<1x256xf32, #tpu.memory_space<vmem>>, vector<1x256xf32>
    %add3A_36 = arith.addf %add3A_32, %get3A_35 : vector<1x256xf32>
    %get3A_37 = arith.constant 0 : index
    %get3A_38 = arith.constant 0 : index
    %get3A_39 = vector.load %arg5[%get3A_37, %get3A_38] : memref<1x128xf32, #tpu.memory_space<vmem>>, vector<1x128xf32>
    %get3A_40 = arith.constant 0 : index
    %get3A_41 = arith.constant 0 : index
    %get3A_42 = vector.load %arg7[%get3A_40, %get3A_41] : memref<128x256xf32, #tpu.memory_space<vmem>>, vector<128x256xf32>
    %dot_general3A = arith.constant dense<0.000000e+00> : vector<1x256xf32>
    %dot_general3A_43 = tpu.matmul %get3A_39, %get3A_42, %dot_general3A {dimension_numbers = #tpu.dot_dimension_numbers<[1], [0], [0], [1], [0, 0, 1, 1], [], []>, transpose_lhs_hint = false} : vector<1x128xf32>, vector<128x256xf32>, vector<1x256xf32> -> vector<1x256xf32>
    %add3A_44 = arith.addf %add3A_36, %dot_general3A_43 : vector<1x256xf32>
    %get3A_45 = arith.constant 0 : index
    %get3A_46 = arith.constant 0 : index
    %get3A_47 = vector.load %arg6[%get3A_45, %get3A_46] : memref<1x128xf32, #tpu.memory_space<vmem>>, vector<1x128xf32>
    %get3A_48 = arith.constant 0 : index
    %get3A_49 = arith.constant 0 : index
    %get3A_50 = vector.load %arg9[%get3A_48, %get3A_49] : memref<128x256xf32, #tpu.memory_space<vmem>>, vector<128x256xf32>
    %dot_general3A_51 = arith.constant dense<0.000000e+00> : vector<1x256xf32>
    %dot_general3A_52 = tpu.matmul %get3A_47, %get3A_50, %dot_general3A_51 {dimension_numbers = #tpu.dot_dimension_numbers<[1], [0], [0], [1], [0, 0, 1, 1], [], []>, transpose_lhs_hint = false} : vector<1x128xf32>, vector<128x256xf32>, vector<1x256xf32> -> vector<1x256xf32>
    %add3A_53 = arith.addf %add3A_44, %dot_general3A_52 : vector<1x256xf32>
    %add3A_54 = vector.broadcast %add3A_53 : vector<1x256xf32> to vector<1000x256xf32>
    %add3A_55 = arith.addf %concatenate3A, %add3A_54 : vector<1000x256xf32>
    %logistic3A = arith.negf %add3A_55 : vector<1000x256xf32>
    %logistic3A_56 = math.exp %logistic3A : vector<1000x256xf32>
    %logistic3A_57 = arith.constant 1.000000e+00 : f32
    %logistic3A_58 = vector.broadcast %logistic3A_57 : f32 to vector<1000x256xf32>
    %logistic3A_59 = arith.addf %logistic3A_58, %logistic3A_56 : vector<1000x256xf32>
    %logistic3A_60 = arith.divf %logistic3A_58, %logistic3A_59 : vector<1000x256xf32>
    %mul3A_61 = arith.mulf %add3A_55, %logistic3A_60 : vector<1000x256xf32>
    %get3A_62 = arith.constant 0 : index
    %get3A_63 = arith.constant 0 : index
    %get3A_64 = vector.load %arg4[%get3A_62, %get3A_63] : memref<1000x256xf32, #tpu.memory_space<vmem>>, vector<1000x256xf32>
    %add3A_65 = arith.addf %mul3A_61, %get3A_64 : vector<1000x256xf32>
    %swap3A = arith.constant 0 : index
    %swap3A_66 = arith.constant 0 : index
    %swap3A_67 = vector.load %arg12[%swap3A, %swap3A_66] : memref<1000x256xf32, #tpu.memory_space<vmem>>, vector<1000x256xf32>
    tpu.vector_store %arg12[%swap3A, %swap3A_66], %add3A_65 {strides = array<i32>} : memref<1000x256xf32, #tpu.memory_space<vmem>>, vector<1000x256xf32>,
    return
  }
  func.func @transform_0(%arg0: i32) -> (i32, i32, i32) {
    %c0_i32 = arith.constant 0 : i32
    %c0_i32_0 = arith.constant 0 : i32
    %c0_i32_1 = arith.constant 0 : i32
    return %c0_i32, %arg0, %c0_i32_0 : i32, i32, i32
  }
  func.func @transform_1(%arg0: i32) -> (i32, i32, i32) {
    %c0_i32 = arith.constant 0 : i32
    %c0_i32_0 = arith.constant 0 : i32
    %c0_i32_1 = arith.constant 0 : i32
    return %c0_i32, %arg0, %c0_i32_0 : i32, i32, i32
  }
  func.func @transform_2(%arg0: i32) -> (i32, i32) {
    %c0_i32 = arith.constant 0 : i32
    %c0_i32_0 = arith.constant 0 : i32
    return %arg0, %c0_i32 : i32, i32
  }
  func.func @transform_3(%arg0: i32) -> (i32, i32) {
    %c0_i32 = arith.constant 0 : i32
    %c0_i32_0 = arith.constant 0 : i32
    return %arg0, %c0_i32 : i32, i32
  }
  func.func @transform_4(%arg0: i32) -> (i32, i32) {
    %c0_i32 = arith.constant 0 : i32
    %c0_i32_0 = arith.constant 0 : i32
    %c0_i32_1 = arith.constant 0 : i32
    return %c0_i32, %c0_i32_0 : i32, i32
  }
  func.func @transform_5(%arg0: i32) -> (i32, i32) {
    %c0_i32 = arith.constant 0 : i32
    %c0_i32_0 = arith.constant 0 : i32
    %c0_i32_1 = arith.constant 0 : i32
    return %c0_i32, %c0_i32_0 : i32, i32
  }
  func.func @transform_6(%arg0: i32) -> (i32, i32) {
    %c0_i32 = arith.constant 0 : i32
    %c0_i32_0 = arith.constant 0 : i32
    %c0_i32_1 = arith.constant 0 : i32
    return %c0_i32, %c0_i32_0 : i32, i32
  }
  func.func @transform_7(%arg0: i32) -> (i32, i32) {
    %c0_i32 = arith.constant 0 : i32
    %c0_i32_0 = arith.constant 0 : i32
    %c0_i32_1 = arith.constant 0 : i32
    return %c0_i32, %c0_i32_0 : i32, i32
  }
  func.func @transform_8(%arg0: i32) -> (i32, i32) {
    %c0_i32 = arith.constant 0 : i32
    %c0_i32_0 = arith.constant 0 : i32
    %c0_i32_1 = arith.constant 0 : i32
    return %c0_i32, %c0_i32_0 : i32, i32
  }
  func.func @transform_9(%arg0: i32) -> (i32, i32) {
    %c0_i32 = arith.constant 0 : i32
    %c0_i32_0 = arith.constant 0 : i32
    %c0_i32_1 = arith.constant 0 : i32
    return %c0_i32, %c0_i32_0 : i32, i32
  }
  func.func @transform_10(%arg0: i32) -> (i32, i32) {
    %c0_i32 = arith.constant 0 : i32
    %c0_i32_0 = arith.constant 0 : i32
    %c0_i32_1 = arith.constant 0 : i32
    return %c0_i32, %c0_i32_0 : i32, i32
  }
  func.func @transform_11(%arg0: i32) -> (i32, i32) {
    %c0_i32 = arith.constant 0 : i32
    %c0_i32_0 = arith.constant 0 : i32
    return %arg0, %c0_i32 : i32, i32
  }
}

</mosaic_0001>

<sc_bundles>
// kernel: sc_agg.4.cloned.1.call-start
scs
__scs_entry_jumppad:
0x0: {  	(pc) =	sbr.rel $0x88, $3  }
0x1: {  	(tag) =	ssettag $0x0;
	lr =	simm.s32 $0x1  }
0x2: {  	[smem:$0x3F8D] =	sst lr;
	_ =	strace $0xD0000000  }
0x3: {  	_ = 	snop  }
0x4: {  	_ = 	snop  }
0x5: {  	_ = 	snop  }
0x6: {  	_ = 	snop  }
0x7: {  	_ = 	snop  }
__scs_overlays_trampoline_lowered:
0x8: {  	[smem:$0x3F9C] =	sst s0  }
0x9: {  	[smem:$0x3F9D] =	sst s1  }
0xa: {  	[smem:$0x3F9E] =	sst s2  }
0xb: {  	[smem:$0x3F9F] =	sst s3  }
0xc: {  	[smem:$0x3FA0] =	sst s4  }
0xd: {  	[smem:$0x3FA1] =	sst s5  }
0xe: {  	[smem:$0x3FA2] =	sst s6  }
0xf: {  	[smem:$0x3FA3] =	sst s7  }
0x10: {  	[smem:$0x3FA4] =	sst s8  }
0x11: {  	[smem:$0x3FA5] =	sst s9;
	s0 =	simm.s32 @!p0 $0x0  }
0x12: {  	s1 =	sld [smem:$0x3F8B];
	s0 =	simm.s32 @p0 $0x1  }
0x13: {  	[smem:$0x3FA6] =	sst s0;
	s0 =	simm.s32 @!p1 $0x0  }
0x14: {  	s2 =	sld [smem:$0x3F8A];
	s0 =	simm.s32 @p1 $0x1  }
0x15: {  	[smem:$0x3FA7] =	sst s0;
	s0 =	simm.s32 @!p2 $0x0  }
0x16: {  	s3 =	sld [smem:$0x3FDB];
	s0 =	simm.s32 @p2 $0x1  }
0x17: {  	s4 =	simm.s32 $0x1BF5;
	[smem:$0x3FA9] =	sst s0  }
0x18: {  	s0 =	sld [smem:$0x3F8C];
	_ =	swait.ge [sflag:s4], $0x0  }
0x19: {  	s7 =	sld [smem:$0x3F8D]  }
0x1a: {  	s8 =	sadd.s32 $0xFFFFE003, lr  }
0x1b: {  	s9 =	sadd.s32 $0xFFFFFEF7, lr;
	s5 =	simm.s32 $0xFFFFFFFF;
	p2 =	slt.u32 s8, $0xFFFFF086  }
0x1c: {  	p1 =	slt.u32 s9, $0xF7A;
	s5 =	simm.s32 @!p2 $0x0  }
0x1d: {  	s5 =	simm.s32 @p1 $0x1;
	p0 =	seq.s32 s7, s2  }
0x1e: {  	s7 =	smul.u32 @!p0 $0xF7A, s2;
	p2 =	seq.s32 @!p0 s5, $0x0  }
0x1f: {  	s9 =	smul.u32 $0xF7A, s1;
	s8 =	simm.s32 @!p0 $0x1BF5;
	p2 =	por !p2, p0  }
0x20: {  	[sflag:s8] =	ssyncset.s32 @!p0 $0xFFFFF086;
	s6 =	sadd.s32 @!p0 s3, s7;
	s7 =	simm.s32 @!p0 $0x108  }
0x21: {  	s3 =	sadd.s32 s3, s9;
	s6 =	sadd.s32 @!p0 $0x88, s6;
	s7 =	simm.s32 @p2 $0x1082  }
0x22: {  	[simem:s7], [sflag:s8] =	dma.local @!p0 [hbm:s6], $0xF7A  }
0x23: {  	s9 =	sor.u32 $0xD0000000, s2;
	s6 =	simm.s32 $0x108;
	_ =	swait.ge @!p0 [sflag:s8], $0x0  }
0x24: {  	s3 =	sadd.s32 $0x88, s3;
	s6 =	simm.s32 @!p1 $0x1082;
	[sflag:s4] =	ssyncset.s32 $0xFFFFF086  }
0x25: {  	[simem:s6], [sflag:s4] =	dma.local [hbm:s3], $0xF7A  }
0x26: {  	[smem:$0x3F8D] =	sst s1;
	(tag) =	ssettag s2;
	_ =	strace s9  }
0x27: {  	s1 =	sld [smem:$0x3F9D]  }
0x28: {  	s2 =	sld [smem:$0x3F9E]  }
0x29: {  	s4 =	sld [smem:$0x3FA0]  }
0x2a: {  	p0 =	seq.s32 s5, $0x0;
	s5 =	sld [smem:$0x3FA1]  }
0x2b: {  	s6 =	sld [smem:$0x3FA2]  }
0x2c: {  	s7 =	sld [smem:$0x3FA3]  }
0x2d: {  	s3 =	simm.s32 $0x108;
	s8 =	sld [smem:$0x3FA4]  }
0x2e: {  	s3 =	simm.s32 @!p0 $0x1082;
	s9 =	sld [smem:$0x3FA5]  }
0x2f: {  	lr =	sadd.s32 s0, s3;
	s0 =	sld [smem:$0x3F9C]  }
0x30: {  	s3 =	sld [smem:$0x3F9F]  }
0x31: {  	[smem:$0x3FA8] =	sst s10  }
0x32: {  	s10 =	sld [smem:$0x3FA6];
	_ =	sdelay $0x3  }
0x33: {  	p0 =	seq.s32 s10, $0x1;
	s10 =	sld [smem:$0x3FA8];
	_ =	sdelay $0x3  }
0x34: {  	[smem:$0x3FA8] =	sst s10  }
0x35: {  	s10 =	sld [smem:$0x3FA7];
	_ =	sdelay $0x3  }
0x36: {  	p1 =	seq.s32 s10, $0x1;
	s10 =	sld [smem:$0x3FA8];
	_ =	sdelay $0x3  }
0x37: {  	[smem:$0x3FA8] =	sst s10  }
0x38: {  	s10 =	sld [smem:$0x3FA9]  }
0x39: {  	_ = 	snop;
	(pc) =	sbr.ind lr, $3  }
0x3a: {  	_ = 	snop  }
0x3b: {  	_ = 	snop  }
0x3c: {  	p2 =	seq.s32 s10, $0x1;
	s10 =	sld [smem:$0x3FA8]  }
0x3d: {  	_ =	shalt  }
0x3e: {  	_ =	shalt  }
0x3f: {  	_ =	shalt  }
0x40: {  	_ =	shalt  }
0x41: {  	_ =	shalt  }
0x42: {  	_ =	shalt  }
0x43: {  	_ =	shalt  }
0x44: {  	_ =	shalt  }
0x45: {  	_ =	shalt  }
0x46: {  	_ =	shalt  }
0x47: {  	_ =	shalt  }
0x48: {  	_ =	shalt  }
0x49: {  	_ =	shalt  }
0x4a: {  	_ =	shalt  }
0x4b: {  	_ =	shalt  }
0x4c: {  	_ =	shalt  }
0x4d: {  	_ =	shalt  }
0x4e: {  	_ =	shalt  }
0x4f: {  	_ =	shalt  }
0x50: {  	_ =	shalt  }
0x51: {  	_ =	shalt  }
0x52: {  	_ =	shalt  }
0x53: {  	_ =	shalt  }
0x54: {  	_ =	shalt  }
0x55: {  	_ =	shalt  }
0x56: {  	_ =	shalt  }
0x57: {  	_ =	shalt  }
0x58: {  	_ =	shalt  }
0x59: {  	_ =	shalt  }
0x5a: {  	_ =	shalt  }
0x5b: {  	_ =	shalt  }
0x5c: {  	_ =	shalt  }
0x5d: {  	_ =	shalt  }
0x5e: {  	_ =	shalt  }
0x5f: {  	_ =	shalt  }
0x60: {  	_ =	shalt  }
0x61: {  	_ =	shalt  }
0x62: {  	_ =	shalt  }
0x63: {  	_ =	shalt  }
0x64: {  	_ =	shalt  }
0x65: {  	_ =	shalt  }
0x66: {  	_ =	shalt  }
0x67: {  	_ =	shalt  }
0x68: {  	_ =	shalt  }
0x69: {  	_ =	shalt  }
0x6a: {  	_ =	shalt  }
0x6b: {  	_ =	shalt  }
0x6c: {  	_ =	shalt  }
0x6d: {  	_ =	shalt  }
0x6e: {  	_ =	shalt  }
0x6f: {  	_ =	shalt  }
0x70: {  	_ =	shalt  }
0x71: {  	_ =	shalt  }
0x72: {  	_ =	shalt  }
0x73: {  	_ =	shalt  }
0x74: {  	_ =	shalt  }
0x75: {  	_ =	shalt  }
0x76: {  	_ =	shalt  }
0x77: {  	_ =	shalt  }
0x78: {  	_ =	shalt  }
0x79: {  	_ =	shalt  }
0x7a: {  	_ =	shalt  }
0x7b: {  	_ =	shalt  }
0x7c: {  	_ =	shalt  }
0x7d: {  	_ =	shalt  }
0x7e: {  	_ =	shalt  }
0x7f: {  	_ =	shalt  }
0x80: {  	_ =	shalt  }
0x81: {  	_ =	shalt  }
0x82: {  	_ =	shalt  }
0x83: {  	_ =	shalt  }
0x84: {  	_ =	shalt  }
0x85: {  	_ =	shalt  }
0x86: {  	_ =	shalt  }
0x87: {  	_ =	shalt  }
.Lfunc_end0:
.L_simem_size_0:
called_computation.1_lowered:
.L_overlay_start_0:
0x88: {  	s2 =	sld [smem:$0x3FD9]  }
0x89: {  	s3 =	sld [smem:$0x3FFE];
	_ =	sdelay $0x1  }
0x8a: {  	s1 =	srdreg.scid  }
0x8b: {  	s0 =	sand.u32 $0x1, s1  }
0x8c: {  	s17 =	sshll.u32 s0, $0xA;
	s2 =	sadd.s32 s3, s2  }
0x8d: {  	s2 =	sadd.s32 s2, s17  }
0x8e: {  	[smem:$0x3FB4] =	sst s2  }
0x8f: {  	_ = 	snop  }
0x90: {  	s2 =	sld [smem:$0x3FD0];
	(tm) =	ssettm $0x1  }
0x91: {  	s18 =	sld [smem:$0x3FFB];
	_ =	sdelay $0x3  }
0x92: {  	_ =	strace s18  }
0x93: {  	s3 =	sld [smem:$0x3FFC];
	_ =	sdelay $0x3  }
0x94: {  	_ =	strace s3  }
0x95: {  	s3 =	sld [smem:$0x3FFD];
	_ =	sdelay $0x3  }
0x96: {  	_ =	strace s3  }
0x97: {  	_ =	strace $0x8FFFFFFF  }
0x98: {  	s19 =	sld [smem:$0x3FDB];
	_ =	sdelay $0x1  }
0x99: {  	s4 =	simm.s32 $_scs_section_size  }
0x9a: {  	s5 =	simm.s32 $_size__tile_overlayer_lowered;
	s6 =	simm.s32 $_tile_overlayer_lowered  }
0x9b: {  	s22 =	simm.s32 $0x1BFF;
	s21 =	sshll.u32 s6, $0x1;
	s3 =	sadd.s32 s4, s19  }
0x9c: {  	s7 =	simm.s32 $0x0;
	s20 =	sshll.u32 s5, $0x1;
	s5 =	sadd.s32 s21, s3  }
0x9d: {  	[timem:s7], [sflag:s22] =	dma.local [hbm:s5], s20  }
0x9e: {  	_ =	swait.ge [sflag:s22], s20  }
0x9f: {  	s4 =	ssub.s32 $0x0, s20;
	[sflag:s22] =	ssyncset.done $0x0  }
0xa0: {  	[sflag:s22] =	ssyncadd.s32 s4;
	_ =	sdelay $0x1  }
0xa1: {  	s23 =	simm.s32 $0x1B8B  }
0xa2: {  	_ =	swait.ge [sflag:s23], $0x1  }
0xa3: {  	[sflag:s23] =	ssyncset.done $0x0  }
0xa4: {  	s25 =	simm.s32 $0x1B8E;
	s24 =	sld [smem:$0x3FFE];
	[sflag:s23] =	ssyncadd.s32 $0xFFFFFFFF  }
0xa5: {  	s26 =	simm.s32 $execute0_lowered;
	[smem:$0x3FD2] =	sst s25  }
0xa6: {  	s5 =	sshll.u32 s26, $0x1;
	_ =	strace $0x80000049;
	[dreg:$0x1] =	wrdreg $0xFFFFFFFF  }
0xa7: {  	s28 =	simm.s32 $_size_execute0_lowered;
	s3 =	sadd.s32 s3, s5;
	[dreg:$0x0] =	wrdreg $0x0  }
0xa8: {  	s5 =	sshll.u32 s28, $0x1;
	[dreg:$0x2] =	wrdreg s3  }
0xa9: {  	[dreg:$0x3] =	wrdreg s5  }
0xaa: {  	[dreg:$0x4] =	wrdreg $0xC0  }
0xab: {  	_ =	task [dreg:s7], $0x5FFFF  }
0xac: {  	[dreg:$0x1] =	wrdreg $0xFFFFFFFF  }
0xad: {  	[dreg:$0x0] =	wrdreg $0x60  }
0xae: {  	[dreg:$0x2] =	wrdreg s2  }
0xaf: {  	[dreg:$0x3] =	wrdreg s24  }
0xb0: {  	[dreg:$0x4] =	wrdreg $0xB7800  }
0xb1: {  	[dreg:$0x5] =	wrdreg $0x9  }
0xb2: {  	_ =	task.clear_ibuf [dreg:s7], $0x6FFFF;
	_ =	strace $0x90000049  }
0xb3: {  	s29 =	simm.s32 $0x9;
	_ =	strace $0x8000004B  }
0xb4: {  	_ =	swait.ge [sflag:s29], $0x1  }
0xb5: {  	[sflag:s29] =	ssyncadd.s32 $0xFFFFFFFF  }
0xb6: {  	_ =	strace $0x9000004B  }
0xb7: {  	_ =	sfence  }
0xb8: {  	s30 =	sld [smem:$0x0];
	_ =	sdelay $0x2  }
0xb9: {  	s31 =	sshll.u32 s1, $0xD;
	s1 =	sshrl.u32 s1, $0x2  }
0xba: {  	s3 =	sand.u32 $0x4000, s31;
	s1 =	sadd.s32 s1, s30  }
0xbb: {  	s0 =	sor.u32 s3, s0;
	s1 =	sshll.u32 s1, $0x11  }
0xbc: {  	s0 =	sor.u32 s1, s0  }
0xbd: {  	s0 =	sadd.s32 $0x8F2B, s0  }
0xbe: {  	[sflag:s0] =	ssyncadd.remote.s32 $0x1  }
0xbf: {  	_ =	sfence.sel $0xFFFF  }
0xc0: {  	[dreg:$0x0] =	wrdreg $0xFFFFFFFF;
	(pc) =	sbr.abs _section_cstart, $3  }
0xc1: {  	[dreg:$0x1] =	wrdreg $0xFFFFFFFF  }
0xc2: {  	_ =	task.clear_ibuf [dreg:s7], $0x2FFFF;
	_ =	strace $0x9FFFFFFF  }
0xc3: {  	(tm) =	ssettm $0x7FFFFFFF  }
tec
execute0_lowered:
.L_overlay_start_1:
0x0: {  	(tag) =	ssettag $0x1  }
0x1: {  	s22 =	stileid.u32  }
0x2: {  	s23 =	smul.u32 $0x2710, s22  }
0x3: {  	s0 =	srdreg.scid;
	s7 =	smul.u32 $0x4E2, s22  }
0x4: {  	s1 =	rddreg [dreg:$0x0];
	s9 =	smul.u32 $0xA000, s22  }
0x5: {  	s5 =	rddreg [dreg:$0x1];
	s2 =	sand.u32 $0x1, s0;
	s24 =	smul.u32 $0x2800, s22  }
0x6: {  	s3 =	rddreg [dreg:$0x2];
	s6 =	smul.u32 $0x27100, s2  }
0x7: {  	s4 =	simm.s32 $0x0;
	s10 =	sor.u32 $0x10, s22;
	s8 =	smul.u32 $0x138800, s2  }
0x8: {  	s28 =	simm.s32 $0x1;
	s29 =	simm.s32 $0x50;
	s11 =	smul.u32 $0xA000, s10  }
0x9: {  	s30 =	simm.s32 $0x8F80;
	s12 =	sor.u32 $0x20, s22;
	s10 =	smul.u32 $0x2800, s10  }
0xa: {  	s31 =	simm.s32 $0x2;
	s14 =	sor.u32 $0x30, s22;
	s15 =	smul.u32 $0x2800, s12  }
0xb: {  	[smem:$0x7FF] =	sst s4;
	s17 =	sor.u32 $0x50, s22;
	s16 =	smul.u32 $0x2800, s14  }
0xc: {  	s20 =	sor.u32 $0x60, s22;
	s25 =	sor.u32 $0x70, s22;
	s21 =	smul.u32 $0x2800, s17  }
0xd: {  	_ =	strace $0x8000004A;
	s2 =	ssub.s32 $0x2, s2;
	s26 =	smul.u32 $0x2800, s20  }
0xe: {  	s12 =	smul.u32 $0xA000, s12;
	p0 =	sgt.u32 s25, $0x7C;
	s19 =	sshrl.u32 s2, $0x1  }
0xf: {  	s9 =	sshrl.u32 s9, $0x2;
	s0 =	sadd.s32 s23, s6;
	s2 =	ssub.s32 s2, s19  }
0x10: {  	s6 =	sadd.s32 s8, s24;
	s10 =	sadd.s32 s8, s10;
	s15 =	sadd.s32 s8, s15  }
0x11: {  	s16 =	sadd.s32 s8, s16;
	s21 =	sadd.s32 s8, s21;
	s19 =	sadd.s32 s8, s26  }
0x12: {  	s23 =	sadd.s32 $0x8400, s5;
	s26 =	smul.u32 $0xA000, s14;
	s11 =	sshrl.u32 s11, $0x2  }
0x13: {  	s12 =	sshrl.u32 s12, $0x2;
	s0 =	sshrl.u32 s0, $0x3;
	[dreg:$0x4] =	wrdreg s23  }
0x14: {  	s2 =	smax.u32 s2, $0x1;
	s23 =	smul.u32 $0xA000, s17;
	s6 =	sshrl.u32 s6, $0x3  }
0x15: {  	s10 =	sshrl.u32 s10, $0x3;
	s15 =	sshrl.u32 s15, $0x3;
	s16 =	sshrl.u32 s16, $0x3  }
0x16: {  	s13 =	sadd.s32 s0, s5;
	s0 =	sadd.s32 s7, s5;
	s7 =	sor.u32 $0x40, s22  }
0x17: {  	s22 =	smul.u32 $0x2800, s25;
	s5 =	sadd.s32 $0x12800, s5;
	[dreg:$0x6] =	wrdreg s2  }
0x18: {  	s2 =	sshrl.u32 s26, $0x2;
	s18 =	smul.u32 $0x2800, s7;
	s24 =	sadd.s32 $0x8A00, s13  }
0x19: {  	s7 =	smul.u32 $0xA000, s7;
	s6 =	sadd.s32 s5, s6;
	s14 =	sadd.s32 s5, s10  }
0x1a: {  	s13 =	sadd.s32 s5, s16;
	s23 =	sshrl.u32 s23, $0x2;
	[dreg:$0x5] =	wrdreg s24  }
0x1b: {  	s22 =	sadd.s32 s8, s22;
	s24 =	smul.u32 $0xA000, s20;
	[dreg:$0x7] =	wrdreg s6  }
0x1c: {  	[dreg:$0x8] =	wrdreg s14;
	s6 =	sadd.s32 s5, s15;
	s20 =	sshrl.u32 s19, $0x3  }
0x1d: {  	s19 =	sadd.s32 s2, s3;
	s2 =	simm.s32 $0x3;
	s18 =	sadd.s32 s8, s18  }
0x1e: {  	s8 =	sadd.s32 s9, s3;
	s9 =	sadd.s32 s11, s3;
	s7 =	sshrl.u32 s7, $0x2  }
0x1f: {  	[dreg:$0x9] =	wrdreg s6;
	s16 =	sadd.s32 s5, s20;
	s17 =	sshrl.u32 s18, $0x3  }
0x20: {  	s18 =	sshrl.u32 s21, $0x3;
	s21 =	sshrl.u32 s22, $0x3;
	s22 =	smul.u32 $0xA000, s25  }
0x21: {  	s20 =	sadd.s32 s7, s3;
	s26 =	sshrl.u32 s24, $0x2;
	s24 =	sadd.s32 $0x3000, s0  }
0x22: {  	s25 =	simm.s32 $0x6780;
	s0 =	simm.s32 $0x5;
	s14 =	sadd.s32 s5, s17  }
0x23: {  	s15 =	sadd.s32 s5, s18;
	s17 =	sadd.s32 s5, s21;
	s18 =	sadd.s32 s12, s3  }
0x24: {  	s21 =	sadd.s32 s23, s3;
	s5 =	sshrl.u32 s22, $0x2;
	s22 =	sadd.s32 s26, s3  }
0x25: {  	s26 =	simm.s32 $0x4;
	s23 =	sadd.s32 s5, s3;
	s5 =	simm.s32 $0x0  }
.LBB2_1:
0x26: {  	s6 =	rddreg [dreg:$0x5];
	s7 =	simm.s32 $0xA  }
0x27: {  	[tilespmem:s4], [sflag:$0x1] =	stream.linear.gather [hbm4b:s6+s4], $0x2710, $0x38;
	[tilespmem:$0x1F000] =	vst v63  }
0x28: {  	s11 =	sadd.s32 $0x0, s24;
	s10 =	simm.s32 $0x2800;
	s6 =	simm.s32 $0x2780  }
.LBB2_2:
0x29: {  	[tilespmem:s6], [sflag:$0x1] =	stream.linear.gather [hbm4b:s11+s4], $0x50, $0x38;
	[tilespmem:$0x1F000] =	vst v63  }
0x2a: {  	s11 =	smov.u32 s7;
	s6 =	smov.u32 s10;
	p1 =	sne.s32 s7, $0x4D8  }
.Ltmp0:
0x2b: {  	s7 =	sadd.s32 $0xA, s7;
	(pc) =	sbr.rel @p1 .LBB2_2-.Ltmp0, $2  }
0x2c: {  	_ =	sdelay $0x2  }
0x2d: {  	s10 =	sadd.s32 $0x80, s10;
	s11 =	sadd.s32 s11, s24  }
0x2e: {  	[tilespmem:s6], [sflag:$0x1] =	stream.linear.gather [hbm4b:s11+s4], $0x50, $0x38;
	[tilespmem:$0x1F000] =	vst v63  }
0x2f: {  	s12 =	rddreg [dreg:$0x4]  }
0x30: {  	[tilespmem:s25], [sflag:$0x4] =	stream.linear.gather [hbm4b:s12+s4], $0x2800, $0x38;
	[tilespmem:$0x1F000] =	vst v63  }
0x31: {  	_ =	swait.ge [sflag:s26], $0x2800  }
0x32: {  	[sflag:s26] =	ssyncset.done $0x0  }
0x33: {  	[sflag:s26] =	ssyncadd.s32 $0xFFFFD800  }
0x34: {  	[spmem:s8] =	stream.linear.scatter [tilespmem:s25], [sflag:$0x4], $0x2800, $0x38;
	[tilespmem:$0x1F000] =	vst v63  }
0x35: {  	_ =	swait.ge [sflag:s26], $0x2800  }
0x36: {  	[sflag:s26] =	ssyncset.done $0x0  }
0x37: {  	[sflag:s26] =	ssyncadd.s32 $0xFFFFD800  }
0x38: {  	[spmem:s9] =	stream.linear.scatter [tilespmem:s25], [sflag:$0x4], $0x2800, $0x38;
	[tilespmem:$0x1F000] =	vst v63  }
0x39: {  	_ =	swait.ge [sflag:s26], $0x2800  }
0x3a: {  	[sflag:s26] =	ssyncset.done $0x0  }
0x3b: {  	[sflag:s26] =	ssyncadd.s32 $0xFFFFD800  }
0x3c: {  	[spmem:s18] =	stream.linear.scatter [tilespmem:s25], [sflag:$0x4], $0x2800, $0x38;
	[tilespmem:$0x1F000] =	vst v63  }
0x3d: {  	_ =	swait.ge [sflag:s26], $0x2800  }
0x3e: {  	[sflag:s26] =	ssyncset.done $0x0  }
0x3f: {  	[sflag:s26] =	ssyncadd.s32 $0xFFFFD800  }
0x40: {  	[spmem:s19] =	stream.linear.scatter [tilespmem:s25], [sflag:$0x4], $0x2800, $0x38;
	[tilespmem:$0x1F000] =	vst v63  }
0x41: {  	_ =	swait.ge [sflag:s26], $0x2800  }
0x42: {  	[sflag:s26] =	ssyncset.done $0x0  }
0x43: {  	[sflag:s26] =	ssyncadd.s32 $0xFFFFD800  }
0x44: {  	[spmem:s20] =	stream.linear.scatter [tilespmem:s25], [sflag:$0x4], $0x2800, $0x38;
	[tilespmem:$0x1F000] =	vst v63  }
0x45: {  	_ =	swait.ge [sflag:s26], $0x2800  }
0x46: {  	[sflag:s26] =	ssyncset.done $0x0  }
0x47: {  	[sflag:s26] =	ssyncadd.s32 $0xFFFFD800  }
0x48: {  	[spmem:s21] =	stream.linear.scatter [tilespmem:s25], [sflag:$0x4], $0x2800, $0x38;
	[tilespmem:$0x1F000] =	vst v63  }
0x49: {  	_ =	swait.ge [sflag:s26], $0x2800  }
0x4a: {  	[sflag:s26] =	ssyncset.done $0x0  }
0x4b: {  	[sflag:s26] =	ssyncadd.s32 $0xFFFFD800  }
0x4c: {  	[spmem:s22] =	stream.linear.scatter [tilespmem:s25], [sflag:$0x4], $0x2800, $0x38;
	[tilespmem:$0x1F000] =	vst v63  }
0x4d: {  	_ =	swait.ge [sflag:s26], $0x2800  }
0x4e: {  	[sflag:s26] =	ssyncset.done $0x0  }
0x4f: {  	s6 =	simm.s32 @!p0 $0x6780;
	[sflag:s26] =	ssyncadd.s32 $0xFFFFD800  }
0x50: {  	[spmem:s23] =	stream.linear.scatter @!p0 [tilespmem:s6], [sflag:$0x4], $0x2800, $0x38;
	[tilespmem:$0x1F000] =	vst v63  }
0x51: {  	s6 =	simm.s32 @!p0 $0x4  }
0x52: {  	_ =	swait.ge @!p0 [sflag:s6], $0x2800  }
0x53: {  	[sflag:s6] =	ssyncset.done @!p0 $0x0  }
0x54: {  	[sflag:s6] =	ssyncadd.s32 @!p0 $0xFFFFD800  }
0x55: {  	_ =	swait.ge [sflag:s28], $0x2710  }
0x56: {  	[sflag:s28] =	ssyncset.done $0x0  }
0x57: {  	[sflag:s28] =	ssyncadd.s32 $0xFFFFD8F0  }
0x58: {  	_ =	swait.ge [sflag:s28], $0x50  }
0x59: {  	s6 =	simm.s32 $0x7C;
	[sflag:s28] =	ssyncset.done $0x0  }
.LBB2_4:
0x5a: {  	p1 =	sne.s32 s6, $0x1;
	s6 =	sadd.s32 $0xFFFFFFFF, s6;
	[sflag:s28] =	ssyncadd.s32 $0xFFFFFFB0  }
.Ltmp1:
0x5b: {  	(pc) =	sbr.rel @p1 .LBB2_4-.Ltmp1, $3  }
0x5c: {  	_ =	sdelay $0x1  }
0x5d: {  	_ =	swait.ge [sflag:s28], $0x50  }
0x5e: {  	[sflag:s28] =	ssyncset.done $0x0  }
0x5f: {  	[sflag:s28] =	ssyncadd.s32 $0xFFFFFFB0  }
0x60: {  	s6 =	simm.s32 $0x0;
	[bflag:$0x0] =	sbarrier.arrive $0xFFFF  }
0x61: {  	[tilespmem:s25], [sflag:$0x2] =	stream.indirect.gather [hbm4b:s1+s29], $0x80, s6, s29, $0xb8;
	[tilespmem:$0x1F000] =	vst v63  }
0x62: {  	s7 =	simm.s32 $0x50  }
0x63: {  	[tilespmem:s30], [sflag:$0x3] =	stream.indirect.gather [hbm4b:s1+s29], $0x80, s7, s29, $0xb8;
	[tilespmem:$0x1F000] =	vst v63  }
0x64: {  	_ =	swait.ge [sflag:s31], $0x2800  }
0x65: {  	[sflag:s31] =	ssyncset.done $0x0  }
0x66: {  	s10 =	simm.s32 $0x2780;
	[sflag:s31] =	ssyncadd.s32 $0xFFFFD800  }
0x67: {  	[spmem:s3] =	stream.indirect.scatter.add.f32 [tilespmem:s25], [sflag:$0x4], $0x80, s10, s29, $0xb8;
	[tilespmem:$0x1F000] =	vst v63  }
0x68: {  	_ =	swait.ge [sflag:s26], $0x2800  }
0x69: {  	[sflag:s26] =	ssyncset.done $0x0  }
0x6a: {  	s11 =	simm.s32 $0xA0;
	[sflag:s26] =	ssyncadd.s32 $0xFFFFD800  }
0x6b: {  	[tilespmem:s25], [sflag:$0x2] =	stream.indirect.gather [hbm4b:s1+s29], $0x80, s11, s29, $0xb8;
	[tilespmem:$0x1F000] =	vst v63  }
0x6c: {  	_ =	swait.ge [sflag:s2], $0x2800  }
0x6d: {  	[sflag:s2] =	ssyncset.done $0x0  }
0x6e: {  	s12 =	simm.s32 $0x2800;
	[sflag:s2] =	ssyncadd.s32 $0xFFFFD800  }
0x6f: {  	[spmem:s3] =	stream.indirect.scatter.add.f32 [tilespmem:s30], [sflag:$0x4], $0x80, s12, s29, $0xb8;
	[tilespmem:$0x1F000] =	vst v63  }
0x70: {  	s6 =	simm.s32 $0x140;
	_ =	swait.ge [sflag:s26], $0x2800  }
0x71: {  	s7 =	simm.s32 $0x400;
	s10 =	simm.s32 $0x800;
	[sflag:s26] =	ssyncset.done $0x0  }
.LBB2_6:
0x72: {  	p1 =	sne.s32 s10, $0xF400;
	s11 =	sadd.s32 $0xFFFFFFB0, s6;
	[sflag:s26] =	ssyncadd.s32 $0xFFFFD800  }
0x73: {  	[tilespmem:s30], [sflag:$0x3] =	stream.indirect.gather [hbm4b:s1+s29], $0x80, s11, s29, $0xb8;
	[tilespmem:$0x1F000] =	vst v63  }
0x74: {  	s11 =	smov.u32 s10;
	s10 =	sadd.s32 $0x400, s10;
	_ =	swait.ge [sflag:s31], $0x2800  }
0x75: {  	s12 =	sshra.s32 s7, $0x2;
	s7 =	smov.u32 s11;
	[sflag:s31] =	ssyncset.done $0x0  }
0x76: {  	s11 =	sadd.s32 $0x2780, s12;
	[sflag:s31] =	ssyncadd.s32 $0xFFFFD800  }
0x77: {  	[spmem:s3] =	stream.indirect.scatter.add.f32 [tilespmem:s25], [sflag:$0x4], $0x80, s11, s29, $0xb8;
	[tilespmem:$0x1F000] =	vst v63  }
0x78: {  	_ =	swait.ge [sflag:s26], $0x2800  }
0x79: {  	[sflag:s26] =	ssyncset.done $0x0  }
0x7a: {  	[sflag:s26] =	ssyncadd.s32 $0xFFFFD800  }
0x7b: {  	[tilespmem:s25], [sflag:$0x2] =	stream.indirect.gather [hbm4b:s1+s29], $0x80, s6, s29, $0xb8;
	[tilespmem:$0x1F000] =	vst v63  }
0x7c: {  	_ =	swait.ge [sflag:s2], $0x2800  }
.Ltmp2:
0x7d: {  	[sflag:s2] =	ssyncset.done $0x0;
	(pc) =	sbr.rel @p1 .LBB2_6-.Ltmp2, $4  }
0x7e: {  	s11 =	sadd.s32 $0x2800, s12;
	[sflag:s2] =	ssyncadd.s32 $0xFFFFD800  }
0x7f: {  	[spmem:s3] =	stream.indirect.scatter.add.f32 [tilespmem:s30], [sflag:$0x4], $0x80, s11, s29, $0xb8;
	[tilespmem:$0x1F000] =	vst v63  }
0x80: {  	_ =	swait.ge [sflag:s26], $0x2800  }
0x81: {  	s6 =	sadd.s32 $0xA0, s6;
	[sflag:s26] =	ssyncset.done $0x0  }
0x82: {  	s10 =	sadd.s32 $0xFFFFFFB0, s6;
	[sflag:s26] =	ssyncadd.s32 $0xFFFFD800  }
0x83: {  	[tilespmem:s30], [sflag:$0x3] =	stream.indirect.gather [hbm4b:s1+s29], $0x80, s10, s29, $0xb8;
	[tilespmem:$0x1F000] =	vst v63  }
0x84: {  	_ =	swait.ge [sflag:s31], $0x2800  }
0x85: {  	s7 =	sshra.s32 s7, $0x2;
	[sflag:s31] =	ssyncset.done $0x0  }
0x86: {  	s12 =	sadd.s32 $0x2780, s7;
	[sflag:s31] =	ssyncadd.s32 $0xFFFFD800  }
0x87: {  	[spmem:s3] =	stream.indirect.scatter.add.f32 [tilespmem:s25], [sflag:$0x4], $0x80, s12, s29, $0xb8;
	[tilespmem:$0x1F000] =	vst v63  }
0x88: {  	_ =	swait.ge [sflag:s26], $0x2800  }
0x89: {  	[sflag:s26] =	ssyncset.done $0x0  }
0x8a: {  	[sflag:s26] =	ssyncadd.s32 $0xFFFFD800  }
0x8b: {  	[tilespmem:s25], [sflag:$0x2] =	stream.indirect.gather [hbm4b:s1+s29], $0x80, s6, s29, $0xb8;
	[tilespmem:$0x1F000] =	vst v63  }
0x8c: {  	_ =	swait.ge [sflag:s2], $0x2800  }
0x8d: {  	[sflag:s2] =	ssyncset.done $0x0  }
0x8e: {  	s11 =	sadd.s32 $0x2800, s7;
	[sflag:s2] =	ssyncadd.s32 $0xFFFFD800  }
0x8f: {  	[spmem:s3] =	stream.indirect.scatter.add.f32 [tilespmem:s30], [sflag:$0x4], $0x80, s11, s29, $0xb8;
	[tilespmem:$0x1F000] =	vst v63  }
0x90: {  	_ =	swait.ge [sflag:s26], $0x2800  }
0x91: {  	[sflag:s26] =	ssyncset.done $0x0  }
0x92: {  	[sflag:s26] =	ssyncadd.s32 $0xFFFFD800  }
0x93: {  	_ =	swait.ge [sflag:s31], $0x2800  }
0x94: {  	[sflag:s31] =	ssyncset.done $0x0  }
0x95: {  	s12 =	simm.s32 $0x6580;
	[sflag:s31] =	ssyncadd.s32 $0xFFFFD800  }
0x96: {  	[spmem:s3] =	stream.indirect.scatter.add.f32 [tilespmem:s25], [sflag:$0x4], $0x80, s12, s29, $0xb8;
	[tilespmem:$0x1F000] =	vst v63  }
0x97: {  	_ =	swait.ge [sflag:s26], $0x2800  }
0x98: {  	[sflag:s26] =	ssyncset.done $0x0  }
0x99: {  	[sflag:s26] =	ssyncadd.s32 $0xFFFFD800  }
0x9a: {  	[bflag:$0x0] =	sbarrier.arrive $0xFFFF  }
0x9b: {  	[tilespmem:s25], [sflag:$0x5] =	stream.linear.gather [spmem:s8], $0x2800, $0x38;
	[tilespmem:$0x1F000] =	vst v63  }
0x9c: {  	_ =	swait.ge [sflag:s0], $0x2800  }
0x9d: {  	[sflag:s0] =	ssyncset.done $0x0  }
0x9e: {  	s7 =	rddreg [dreg:$0x7];
	[sflag:s0] =	ssyncadd.s32 $0xFFFFD800  }
0x9f: {  	[hbm4b:s7+s4] =	stream.linear.scatter [tilespmem:s25], [sflag:$0x4], $0x2800, $0x38;
	[tilespmem:$0x1F000] =	vst v63  }
0xa0: {  	_ =	swait.ge [sflag:s26], $0x2800  }
0xa1: {  	[sflag:s26] =	ssyncset.done $0x0  }
0xa2: {  	[sflag:s26] =	ssyncadd.s32 $0xFFFFD800  }
0xa3: {  	[tilespmem:s25], [sflag:$0x5] =	stream.linear.gather [spmem:s9], $0x2800, $0x38;
	[tilespmem:$0x1F000] =	vst v63  }
0xa4: {  	_ =	swait.ge [sflag:s0], $0x2800  }
0xa5: {  	[sflag:s0] =	ssyncset.done $0x0  }
0xa6: {  	s10 =	rddreg [dreg:$0x8];
	[sflag:s0] =	ssyncadd.s32 $0xFFFFD800  }
0xa7: {  	[hbm4b:s10+s4] =	stream.linear.scatter [tilespmem:s25], [sflag:$0x4], $0x2800, $0x38;
	[tilespmem:$0x1F000] =	vst v63  }
0xa8: {  	_ =	swait.ge [sflag:s26], $0x2800  }
0xa9: {  	[sflag:s26] =	ssyncset.done $0x0  }
0xaa: {  	[sflag:s26] =	ssyncadd.s32 $0xFFFFD800  }
0xab: {  	[tilespmem:s25], [sflag:$0x5] =	stream.linear.gather [spmem:s18], $0x2800, $0x38;
	[tilespmem:$0x1F000] =	vst v63  }
0xac: {  	_ =	swait.ge [sflag:s0], $0x2800  }
0xad: {  	[sflag:s0] =	ssyncset.done $0x0  }
0xae: {  	s11 =	rddreg [dreg:$0x9];
	[sflag:s0] =	ssyncadd.s32 $0xFFFFD800  }
0xaf: {  	[hbm4b:s11+s4] =	stream.linear.scatter [tilespmem:s25], [sflag:$0x4], $0x2800, $0x38;
	[tilespmem:$0x1F000] =	vst v63  }
0xb0: {  	_ =	swait.ge [sflag:s26], $0x2800  }
0xb1: {  	[sflag:s26] =	ssyncset.done $0x0  }
0xb2: {  	[sflag:s26] =	ssyncadd.s32 $0xFFFFD800  }
0xb3: {  	[tilespmem:s25], [sflag:$0x5] =	stream.linear.gather [spmem:s19], $0x2800, $0x38;
	[tilespmem:$0x1F000] =	vst v63  }
0xb4: {  	_ =	swait.ge [sflag:s0], $0x2800  }
0xb5: {  	[sflag:s0] =	ssyncset.done $0x0  }
0xb6: {  	[sflag:s0] =	ssyncadd.s32 $0xFFFFD800  }
0xb7: {  	[hbm4b:s13+s4] =	stream.linear.scatter [tilespmem:s25], [sflag:$0x4], $0x2800, $0x38;
	[tilespmem:$0x1F000] =	vst v63  }
0xb8: {  	_ =	swait.ge [sflag:s26], $0x2800  }
0xb9: {  	[sflag:s26] =	ssyncset.done $0x0  }
0xba: {  	[sflag:s26] =	ssyncadd.s32 $0xFFFFD800  }
0xbb: {  	[tilespmem:s25], [sflag:$0x5] =	stream.linear.gather [spmem:s20], $0x2800, $0x38;
	[tilespmem:$0x1F000] =	vst v63  }
0xbc: {  	_ =	swait.ge [sflag:s0], $0x2800  }
0xbd: {  	[sflag:s0] =	ssyncset.done $0x0  }
0xbe: {  	[sflag:s0] =	ssyncadd.s32 $0xFFFFD800  }
0xbf: {  	[hbm4b:s14+s4] =	stream.linear.scatter [tilespmem:s25], [sflag:$0x4], $0x2800, $0x38;
	[tilespmem:$0x1F000] =	vst v63  }
0xc0: {  	_ =	swait.ge [sflag:s26], $0x2800  }
0xc1: {  	[sflag:s26] =	ssyncset.done $0x0  }
0xc2: {  	[sflag:s26] =	ssyncadd.s32 $0xFFFFD800  }
0xc3: {  	[tilespmem:s25], [sflag:$0x5] =	stream.linear.gather [spmem:s21], $0x2800, $0x38;
	[tilespmem:$0x1F000] =	vst v63  }
0xc4: {  	_ =	swait.ge [sflag:s0], $0x2800  }
0xc5: {  	[sflag:s0] =	ssyncset.done $0x0  }
0xc6: {  	[sflag:s0] =	ssyncadd.s32 $0xFFFFD800  }
0xc7: {  	[hbm4b:s15+s4] =	stream.linear.scatter [tilespmem:s25], [sflag:$0x4], $0x2800, $0x38;
	[tilespmem:$0x1F000] =	vst v63  }
0xc8: {  	_ =	swait.ge [sflag:s26], $0x2800  }
0xc9: {  	[sflag:s26] =	ssyncset.done $0x0  }
0xca: {  	[sflag:s26] =	ssyncadd.s32 $0xFFFFD800  }
0xcb: {  	[tilespmem:s25], [sflag:$0x5] =	stream.linear.gather [spmem:s22], $0x2800, $0x38;
	[tilespmem:$0x1F000] =	vst v63  }
0xcc: {  	_ =	swait.ge [sflag:s0], $0x2800  }
0xcd: {  	[sflag:s0] =	ssyncset.done $0x0  }
0xce: {  	[sflag:s0] =	ssyncadd.s32 $0xFFFFD800  }
0xcf: {  	[hbm4b:s16+s4] =	stream.linear.scatter [tilespmem:s25], [sflag:$0x4], $0x2800, $0x38;
	[tilespmem:$0x1F000] =	vst v63  }
0xd0: {  	_ =	swait.ge [sflag:s26], $0x2800  }
0xd1: {  	[sflag:s26] =	ssyncset.done $0x0  }
0xd2: {  	s6 =	simm.s32 @!p0 $0x6780;
	s7 =	simm.s32 @!p0 $0x5;
	[sflag:s26] =	ssyncadd.s32 $0xFFFFD800  }
0xd3: {  	[tilespmem:s6], [sflag:$0x5] =	stream.linear.gather @!p0 [spmem:s23], $0x2800, $0x38;
	[tilespmem:$0x1F000] =	vst v63  }
0xd4: {  	_ =	swait.ge @!p0 [sflag:s7], $0x2800  }
0xd5: {  	[sflag:s7] =	ssyncset.done @!p0 $0x0  }
0xd6: {  	[sflag:s7] =	ssyncadd.s32 @!p0 $0xFFFFD800;
	s7 =	simm.s32 @!p0 $0x0  }
0xd7: {  	[hbm4b:s17+s7] =	stream.linear.scatter @!p0 [tilespmem:s6], [sflag:$0x4], $0x2800, $0x38;
	[tilespmem:$0x1F000] =	vst v63  }
0xd8: {  	s6 =	simm.s32 @!p0 $0x4  }
0xd9: {  	_ =	swait.ge @!p0 [sflag:s6], $0x2800  }
0xda: {  	s5 =	sadd.s32 $0x1, s5;
	s12 =	rddreg [dreg:$0x6]  }
0xdb: {  	p1 =	sne.s32 s5, s12  }
.Ltmp3:
0xdc: {  	_ = 	snop;
	(pc) =	sbr.rel @p1 .LBB2_1-.Ltmp3, $3  }
0xdd: {  	_ =	sdelay $0x1  }
0xde: {  	[sflag:s6] =	ssyncset.done @!p0 $0x0  }
0xdf: {  	[sflag:s6] =	ssyncadd.s32 @!p0 $0xFFFFD800  }
0xe0: {  	_ =	sfence.sel $0x180000  }
0xe1: {  	[bflag:$0x0] =	sbarrier.arrive $0xFFFF  }
0xe2: {  	_ =	strace $0x9000004A  }
0xe3: {  	s0 =	stileid.u32;
	[bflag:$0x2] =	sbarrier.arrive $0xFFFF  }
0xe4: {  	p0 =	sne.s32 s0, $0x0;
	s0 =	rddreg [dreg:$0x3]  }
0xe5: {  	s0 =	sadd.s32 @!p0 $0x100000, s0  }
0xe6: {  	[sflag:s0] =	ssyncadd.tile.s32 @!p0 $0x1;
	_ =	shalt  }
.Lfunc_end2:
_tile_overlayer_lowered:
.L_overlay_start_2:
0xe7: {  	(tag) =	ssettag $0x2  }
0xe8: {  	s0 =	rddreg [dreg:$0x0];
	s2 =	stileid.u32  }
0xe9: {  	s1 =	rddreg [dreg:$0x1];
	p0 =	sne.s32 s2, $0x0  }
0xea: {  	s3 =	rddreg [dreg:$0x2];
	[bflag:$0x3] =	sbarrier.arrive $0xFFFF;
	s2 =	simm.s32 @!p0 $0x1C04  }
0xeb: {  	[timem:s3], [sflag:s2] =	dma.local @!p0 [hbm:s0], s1  }
0xec: {  	s0 =	simm.s32 @!p0 $0x4  }
0xed: {  	_ =	swait.ge @!p0 [sflag:s0], s1  }
0xee: {  	s1 =	ssub.s32 @!p0 $0x0, s1;
	[sflag:s0] =	ssyncset.done @!p0 $0x0  }
0xef: {  	[sflag:s0] =	ssyncadd.s32 @!p0 s1  }
0xf0: {  	[bflag:$0x3] =	sbarrier.arrive $0xFFFF  }
0xf1: {  	_ =	shalt  }

// kernel: sc_agg.7.cloned.1.call-start
scs
__scs_entry_jumppad:
0x0: {  	(pc) =	sbr.rel $0x88, $3  }
0x1: {  	(tag) =	ssettag $0x0;
	lr =	simm.s32 $0x1  }
0x2: {  	[smem:$0x3F8D] =	sst lr;
	_ =	strace $0xD0000000  }
0x3: {  	_ = 	snop  }
0x4: {  	_ = 	snop  }
0x5: {  	_ = 	snop  }
0x6: {  	_ = 	snop  }
0x7: {  	_ = 	snop  }
__scs_overlays_trampoline_lowered:
0x8: {  	[smem:$0x3F9C] =	sst s0  }
0x9: {  	[smem:$0x3F9D] =	sst s1  }
0xa: {  	[smem:$0x3F9E] =	sst s2  }
0xb: {  	[smem:$0x3F9F] =	sst s3  }
0xc: {  	[smem:$0x3FA0] =	sst s4  }
0xd: {  	[smem:$0x3FA1] =	sst s5  }
0xe: {  	[smem:$0x3FA2] =	sst s6  }
0xf: {  	[smem:$0x3FA3] =	sst s7  }
0x10: {  	[smem:$0x3FA4] =	sst s8  }
0x11: {  	[smem:$0x3FA5] =	sst s9;
	s0 =	simm.s32 @!p0 $0x0  }
0x12: {  	s1 =	sld [smem:$0x3F8B];
	s0 =	simm.s32 @p0 $0x1  }
0x13: {  	[smem:$0x3FA6] =	sst s0;
	s0 =	simm.s32 @!p1 $0x0  }
0x14: {  	s2 =	sld [smem:$0x3F8A];
	s0 =	simm.s32 @p1 $0x1  }
0x15: {  	[smem:$0x3FA7] =	sst s0;
	s0 =	simm.s32 @!p2 $0x0  }
0x16: {  	s3 =	sld [smem:$0x3FDB];
	s0 =	simm.s32 @p2 $0x1  }
0x17: {  	s4 =	simm.s32 $0x1BF5;
	[smem:$0x3FA9] =	sst s0  }
0x18: {  	s0 =	sld [smem:$0x3F8C];
	_ =	swait.ge [sflag:s4], $0x0  }
0x19: {  	s7 =	sld [smem:$0x3F8D]  }
0x1a: {  	s8 =	sadd.s32 $0xFFFFE003, lr  }
0x1b: {  	s9 =	sadd.s32 $0xFFFFFEF7, lr;
	s5 =	simm.s32 $0xFFFFFFFF;
	p2 =	slt.u32 s8, $0xFFFFF086  }
0x1c: {  	p1 =	slt.u32 s9, $0xF7A;
	s5 =	simm.s32 @!p2 $0x0  }
0x1d: {  	s5 =	simm.s32 @p1 $0x1;
	p0 =	seq.s32 s7, s2  }
0x1e: {  	s7 =	smul.u32 @!p0 $0xF7A, s2;
	p2 =	seq.s32 @!p0 s5, $0x0  }
0x1f: {  	s9 =	smul.u32 $0xF7A, s1;
	s8 =	simm.s32 @!p0 $0x1BF5;
	p2 =	por !p2, p0  }
0x20: {  	[sflag:s8] =	ssyncset.s32 @!p0 $0xFFFFF086;
	s6 =	sadd.s32 @!p0 s3, s7;
	s7 =	simm.s32 @!p0 $0x108  }
0x21: {  	s3 =	sadd.s32 s3, s9;
	s6 =	sadd.s32 @!p0 $0x88, s6;
	s7 =	simm.s32 @p2 $0x1082  }
0x22: {  	[simem:s7], [sflag:s8] =	dma.local @!p0 [hbm:s6], $0xF7A  }
0x23: {  	s9 =	sor.u32 $0xD0000000, s2;
	s6 =	simm.s32 $0x108;
	_ =	swait.ge @!p0 [sflag:s8], $0x0  }
0x24: {  	s3 =	sadd.s32 $0x88, s3;
	s6 =	simm.s32 @!p1 $0x1082;
	[sflag:s4] =	ssyncset.s32 $0xFFFFF086  }
0x25: {  	[simem:s6], [sflag:s4] =	dma.local [hbm:s3], $0xF7A  }
0x26: {  	[smem:$0x3F8D] =	sst s1;
	(tag) =	ssettag s2;
	_ =	strace s9  }
0x27: {  	s1 =	sld [smem:$0x3F9D]  }
0x28: {  	s2 =	sld [smem:$0x3F9E]  }
0x29: {  	s4 =	sld [smem:$0x3FA0]  }
0x2a: {  	p0 =	seq.s32 s5, $0x0;
	s5 =	sld [smem:$0x3FA1]  }
0x2b: {  	s6 =	sld [smem:$0x3FA2]  }
0x2c: {  	s7 =	sld [smem:$0x3FA3]  }
0x2d: {  	s3 =	simm.s32 $0x108;
	s8 =	sld [smem:$0x3FA4]  }
0x2e: {  	s3 =	simm.s32 @!p0 $0x1082;
	s9 =	sld [smem:$0x3FA5]  }
0x2f: {  	lr =	sadd.s32 s0, s3;
	s0 =	sld [smem:$0x3F9C]  }
0x30: {  	s3 =	sld [smem:$0x3F9F]  }
0x31: {  	[smem:$0x3FA8] =	sst s10  }
0x32: {  	s10 =	sld [smem:$0x3FA6];
	_ =	sdelay $0x3  }
0x33: {  	p0 =	seq.s32 s10, $0x1;
	s10 =	sld [smem:$0x3FA8];
	_ =	sdelay $0x3  }
0x34: {  	[smem:$0x3FA8] =	sst s10  }
0x35: {  	s10 =	sld [smem:$0x3FA7];
	_ =	sdelay $0x3  }
0x36: {  	p1 =	seq.s32 s10, $0x1;
	s10 =	sld [smem:$0x3FA8];
	_ =	sdelay $0x3  }
0x37: {  	[smem:$0x3FA8] =	sst s10  }
0x38: {  	s10 =	sld [smem:$0x3FA9]  }
0x39: {  	_ = 	snop;
	(pc) =	sbr.ind lr, $3  }
0x3a: {  	_ = 	snop  }
0x3b: {  	_ = 	snop  }
0x3c: {  	p2 =	seq.s32 s10, $0x1;
	s10 =	sld [smem:$0x3FA8]  }
0x3d: {  	_ =	shalt  }
0x3e: {  	_ =	shalt  }
0x3f: {  	_ =	shalt  }
0x40: {  	_ =	shalt  }
0x41: {  	_ =	shalt  }
0x42: {  	_ =	shalt  }
0x43: {  	_ =	shalt  }
0x44: {  	_ =	shalt  }
0x45: {  	_ =	shalt  }
0x46: {  	_ =	shalt  }
0x47: {  	_ =	shalt  }
0x48: {  	_ =	shalt  }
0x49: {  	_ =	shalt  }
0x4a: {  	_ =	shalt  }
0x4b: {  	_ =	shalt  }
0x4c: {  	_ =	shalt  }
0x4d: {  	_ =	shalt  }
0x4e: {  	_ =	shalt  }
0x4f: {  	_ =	shalt  }
0x50: {  	_ =	shalt  }
0x51: {  	_ =	shalt  }
0x52: {  	_ =	shalt  }
0x53: {  	_ =	shalt  }
0x54: {  	_ =	shalt  }
0x55: {  	_ =	shalt  }
0x56: {  	_ =	shalt  }
0x57: {  	_ =	shalt  }
0x58: {  	_ =	shalt  }
0x59: {  	_ =	shalt  }
0x5a: {  	_ =	shalt  }
0x5b: {  	_ =	shalt  }
0x5c: {  	_ =	shalt  }
0x5d: {  	_ =	shalt  }
0x5e: {  	_ =	shalt  }
0x5f: {  	_ =	shalt  }
0x60: {  	_ =	shalt  }
0x61: {  	_ =	shalt  }
0x62: {  	_ =	shalt  }
0x63: {  	_ =	shalt  }
0x64: {  	_ =	shalt  }
0x65: {  	_ =	shalt  }
0x66: {  	_ =	shalt  }
0x67: {  	_ =	shalt  }
0x68: {  	_ =	shalt  }
0x69: {  	_ =	shalt  }
0x6a: {  	_ =	shalt  }
0x6b: {  	_ =	shalt  }
0x6c: {  	_ =	shalt  }
0x6d: {  	_ =	shalt  }
0x6e: {  	_ =	shalt  }
0x6f: {  	_ =	shalt  }
0x70: {  	_ =	shalt  }
0x71: {  	_ =	shalt  }
0x72: {  	_ =	shalt  }
0x73: {  	_ =	shalt  }
0x74: {  	_ =	shalt  }
0x75: {  	_ =	shalt  }
0x76: {  	_ =	shalt  }
0x77: {  	_ =	shalt  }
0x78: {  	_ =	shalt  }
0x79: {  	_ =	shalt  }
0x7a: {  	_ =	shalt  }
0x7b: {  	_ =	shalt  }
0x7c: {  	_ =	shalt  }
0x7d: {  	_ =	shalt  }
0x7e: {  	_ =	shalt  }
0x7f: {  	_ =	shalt  }
0x80: {  	_ =	shalt  }
0x81: {  	_ =	shalt  }
0x82: {  	_ =	shalt  }
0x83: {  	_ =	shalt  }
0x84: {  	_ =	shalt  }
0x85: {  	_ =	shalt  }
0x86: {  	_ =	shalt  }
0x87: {  	_ =	shalt  }
.Lfunc_end0:
.L_simem_size_0:
called_computation.2_lowered:
.L_overlay_start_0:
0x88: {  	s2 =	sld [smem:$0x3FD9]  }
0x89: {  	s3 =	sld [smem:$0x3FFE];
	_ =	sdelay $0x1  }
0x8a: {  	s1 =	srdreg.scid  }
0x8b: {  	s0 =	sand.u32 $0x1, s1  }
0x8c: {  	s17 =	sshll.u32 s0, $0xA;
	s2 =	sadd.s32 s3, s2  }
0x8d: {  	s2 =	sadd.s32 s2, s17  }
0x8e: {  	[smem:$0x3FB4] =	sst s2  }
0x8f: {  	_ = 	snop  }
0x90: {  	s2 =	sld [smem:$0x3FD0];
	(tm) =	ssettm $0x1  }
0x91: {  	s18 =	sld [smem:$0x3FFB];
	_ =	sdelay $0x3  }
0x92: {  	_ =	strace s18  }
0x93: {  	s3 =	sld [smem:$0x3FFC];
	_ =	sdelay $0x3  }
0x94: {  	_ =	strace s3  }
0x95: {  	s3 =	sld [smem:$0x3FFD];
	_ =	sdelay $0x3  }
0x96: {  	_ =	strace s3  }
0x97: {  	_ =	strace $0x8FFFFFFF  }
0x98: {  	s19 =	sld [smem:$0x3FDB];
	_ =	sdelay $0x1  }
0x99: {  	s4 =	simm.s32 $_scs_section_size  }
0x9a: {  	s5 =	simm.s32 $_size__tile_overlayer_lowered;
	s6 =	simm.s32 $_tile_overlayer_lowered  }
0x9b: {  	s22 =	simm.s32 $0x1BFF;
	s21 =	sshll.u32 s6, $0x1;
	s3 =	sadd.s32 s4, s19  }
0x9c: {  	s7 =	simm.s32 $0x0;
	s20 =	sshll.u32 s5, $0x1;
	s5 =	sadd.s32 s21, s3  }
0x9d: {  	[timem:s7], [sflag:s22] =	dma.local [hbm:s5], s20  }
0x9e: {  	_ =	swait.ge [sflag:s22], s20  }
0x9f: {  	s4 =	ssub.s32 $0x0, s20;
	[sflag:s22] =	ssyncset.done $0x0  }
0xa0: {  	[sflag:s22] =	ssyncadd.s32 s4;
	_ =	sdelay $0x1  }
0xa1: {  	s23 =	simm.s32 $0x1B8B  }
0xa2: {  	_ =	swait.ge [sflag:s23], $0x1  }
0xa3: {  	[sflag:s23] =	ssyncset.done $0x0  }
0xa4: {  	s25 =	simm.s32 $0x1B8E;
	s24 =	sld [smem:$0x3FFE];
	[sflag:s23] =	ssyncadd.s32 $0xFFFFFFFF  }
0xa5: {  	s26 =	simm.s32 $execute0_lowered;
	[smem:$0x3FD2] =	sst s25  }
0xa6: {  	s5 =	sshll.u32 s26, $0x1;
	_ =	strace $0x8000004C;
	[dreg:$0x1] =	wrdreg $0xFFFFFFFF  }
0xa7: {  	s28 =	simm.s32 $_size_execute0_lowered;
	s3 =	sadd.s32 s3, s5;
	[dreg:$0x0] =	wrdreg $0x0  }
0xa8: {  	s5 =	sshll.u32 s28, $0x1;
	[dreg:$0x2] =	wrdreg s3  }
0xa9: {  	[dreg:$0x3] =	wrdreg s5  }
0xaa: {  	[dreg:$0x4] =	wrdreg $0xC0  }
0xab: {  	_ =	task [dreg:s7], $0x5FFFF  }
0xac: {  	[dreg:$0x1] =	wrdreg $0xFFFFFFFF  }
0xad: {  	[dreg:$0x0] =	wrdreg $0x60  }
0xae: {  	[dreg:$0x2] =	wrdreg s24  }
0xaf: {  	[dreg:$0x3] =	wrdreg s2  }
0xb0: {  	[dreg:$0x4] =	wrdreg $0xB7800  }
0xb1: {  	[dreg:$0x5] =	wrdreg $0x9  }
0xb2: {  	_ =	task.clear_ibuf [dreg:s7], $0x6FFFF;
	_ =	strace $0x9000004C  }
0xb3: {  	s29 =	simm.s32 $0x9;
	_ =	strace $0x8000004E  }
0xb4: {  	_ =	swait.ge [sflag:s29], $0x1  }
0xb5: {  	[sflag:s29] =	ssyncadd.s32 $0xFFFFFFFF  }
0xb6: {  	_ =	strace $0x9000004E  }
0xb7: {  	_ =	sfence  }
0xb8: {  	s30 =	sld [smem:$0x0];
	_ =	sdelay $0x2  }
0xb9: {  	s31 =	sshll.u32 s1, $0xD;
	s1 =	sshrl.u32 s1, $0x2  }
0xba: {  	s3 =	sand.u32 $0x4000, s31;
	s1 =	sadd.s32 s1, s30  }
0xbb: {  	s0 =	sor.u32 s3, s0;
	s1 =	sshll.u32 s1, $0x11  }
0xbc: {  	s0 =	sor.u32 s1, s0  }
0xbd: {  	s0 =	sadd.s32 $0x8F2B, s0  }
0xbe: {  	[sflag:s0] =	ssyncadd.remote.s32 $0x1  }
0xbf: {  	_ =	sfence.sel $0xFFFF  }
0xc0: {  	[dreg:$0x0] =	wrdreg $0xFFFFFFFF;
	(pc) =	sbr.abs _section_cstart, $3  }
0xc1: {  	[dreg:$0x1] =	wrdreg $0xFFFFFFFF  }
0xc2: {  	_ =	task.clear_ibuf [dreg:s7], $0x2FFFF;
	_ =	strace $0x9FFFFFFF  }
0xc3: {  	(tm) =	ssettm $0x7FFFFFFF  }
tec
execute0_lowered:
.L_overlay_start_1:
0x0: {  	(tag) =	ssettag $0x1  }
0x1: {  	s22 =	stileid.u32  }
0x2: {  	s4 =	smul.u32 $0x2710, s22  }
0x3: {  	s7 =	smul.u32 $0x4E2, s22  }
0x4: {  	s0 =	srdreg.scid;
	s9 =	smul.u32 $0xA000, s22  }
0x5: {  	s5 =	rddreg [dreg:$0x0];
	s1 =	sand.u32 $0x1, s0;
	s11 =	smul.u32 $0x2800, s22  }
0x6: {  	s2 =	rddreg [dreg:$0x2];
	s3 =	simm.s32 $0x0;
	s6 =	smul.u32 $0x27100, s1  }
0x7: {  	s28 =	simm.s32 $0x1;
	s10 =	sor.u32 $0x10, s22;
	s8 =	smul.u32 $0x138800, s1  }
0x8: {  	s29 =	simm.s32 $0x50;
	s12 =	sor.u32 $0x20, s22;
	s13 =	smul.u32 $0x2800, s10  }
0x9: {  	s30 =	simm.s32 $0x8F80;
	s16 =	sor.u32 $0x40, s22;
	s14 =	smul.u32 $0x2800, s12  }
0xa: {  	s31 =	simm.s32 $0x2;
	s17 =	sor.u32 $0x50, s22;
	s18 =	smul.u32 $0x2800, s16  }
0xb: {  	s0 =	rddreg [dreg:$0x1];
	s20 =	sor.u32 $0x60, s22;
	s21 =	smul.u32 $0x2800, s17  }
0xc: {  	[smem:$0x7FF] =	sst s3;
	s25 =	sor.u32 $0x70, s22;
	s26 =	smul.u32 $0x2800, s20  }
0xd: {  	_ =	strace $0x8000004D;
	s1 =	ssub.s32 $0x2, s1;
	s10 =	smul.u32 $0xA000, s10  }
0xe: {  	p0 =	sgt.u32 s25, $0x7C;
	s19 =	sshrl.u32 s1, $0x1;
	s7 =	sadd.s32 s7, s5  }
0xf: {  	s4 =	sadd.s32 s4, s6;
	s6 =	sor.u32 $0x30, s22;
	s1 =	ssub.s32 s1, s19  }
0x10: {  	s11 =	sadd.s32 s8, s11;
	s13 =	sadd.s32 s8, s13;
	s22 =	smul.u32 $0x2800, s25  }
0x11: {  	s14 =	sadd.s32 s8, s14;
	s18 =	sadd.s32 s8, s18;
	s21 =	sadd.s32 s8, s21  }
0x12: {  	s19 =	sadd.s32 s8, s26;
	s15 =	sshrl.u32 s4, $0x3;
	s24 =	smul.u32 $0x2800, s6  }
0x13: {  	s4 =	sadd.s32 $0x12800, s5;
	s1 =	smax.u32 s1, $0x1;
	s26 =	smul.u32 $0xA000, s6  }
0x14: {  	s11 =	sshrl.u32 s11, $0x3;
	s22 =	sadd.s32 s8, s22;
	[dreg:$0x6] =	wrdreg s1  }
0x15: {  	s11 =	sadd.s32 s0, s11;
	s23 =	sadd.s32 s8, s24;
	s24 =	sadd.s32 s15, s5  }
0x16: {  	s5 =	sadd.s32 $0x8400, s5;
	s15 =	sshrl.u32 s10, $0x2;
	s1 =	sshrl.u32 s26, $0x2  }
0x17: {  	s10 =	smul.u32 $0xA000, s17;
	s26 =	sshrl.u32 s13, $0x3;
	[dreg:$0x7] =	wrdreg s11  }
0x18: {  	s17 =	sshrl.u32 s18, $0x3;
	s18 =	sshrl.u32 s21, $0x3;
	s21 =	sshrl.u32 s22, $0x3  }
0x19: {  	s22 =	smul.u32 $0xA000, s25;
	s25 =	simm.s32 $0x6780;
	[dreg:$0x4] =	wrdreg s5  }
0x1a: {  	s5 =	smul.u32 $0xA000, s12;
	s8 =	sadd.s32 $0x8A00, s24;
	s12 =	sshrl.u32 s9, $0x2  }
0x1b: {  	s24 =	smul.u32 $0xA000, s16;
	s9 =	sadd.s32 s15, s2;
	s13 =	sadd.s32 s0, s26  }
0x1c: {  	s15 =	sshrl.u32 s14, $0x3;
	s16 =	sshrl.u32 s23, $0x3;
	s14 =	sadd.s32 s0, s17  }
0x1d: {  	s17 =	sadd.s32 s0, s21;
	[dreg:$0x5] =	wrdreg s8;
	s8 =	sadd.s32 s12, s2  }
0x1e: {  	[dreg:$0x8] =	wrdreg s13;
	s11 =	sadd.s32 s0, s15;
	s13 =	sadd.s32 s0, s16  }
0x1f: {  	s15 =	sadd.s32 s0, s18;
	s23 =	sshrl.u32 s10, $0x2;
	s5 =	sshrl.u32 s5, $0x2  }
0x20: {  	s6 =	sshrl.u32 s24, $0x2;
	s24 =	smul.u32 $0xA000, s20;
	[dreg:$0x9] =	wrdreg s11  }
0x21: {  	s20 =	sshrl.u32 s19, $0x3;
	s19 =	sadd.s32 s1, s2;
	s21 =	sadd.s32 s23, s2  }
0x22: {  	s1 =	simm.s32 $0x3;
	s16 =	sadd.s32 s0, s20;
	s18 =	sadd.s32 s5, s2  }
0x23: {  	s20 =	sadd.s32 s6, s2;
	s0 =	sshrl.u32 s22, $0x2;
	s5 =	simm.s32 $0x0  }
0x24: {  	s26 =	sshrl.u32 s24, $0x2;
	s23 =	sadd.s32 s0, s2;
	s24 =	sadd.s32 $0x3000, s7  }
0x25: {  	s0 =	simm.s32 $0x5;
	s22 =	sadd.s32 s26, s2;
	s26 =	simm.s32 $0x4  }
.LBB2_1:
0x26: {  	s6 =	rddreg [dreg:$0x5];
	s7 =	simm.s32 $0xA  }
0x27: {  	[tilespmem:s3], [sflag:$0x1] =	stream.linear.gather [hbm4b:s6+s3], $0x2710, $0x38;
	[tilespmem:$0x1F000] =	vst v63  }
0x28: {  	s11 =	sadd.s32 $0x0, s24;
	s10 =	simm.s32 $0x2800;
	s6 =	simm.s32 $0x2780  }
.LBB2_2:
0x29: {  	[tilespmem:s6], [sflag:$0x1] =	stream.linear.gather [hbm4b:s11+s3], $0x50, $0x38;
	[tilespmem:$0x1F000] =	vst v63  }
0x2a: {  	s11 =	smov.u32 s7;
	s6 =	smov.u32 s10;
	p1 =	sne.s32 s7, $0x4D8  }
.Ltmp0:
0x2b: {  	s7 =	sadd.s32 $0xA, s7;
	(pc) =	sbr.rel @p1 .LBB2_2-.Ltmp0, $2  }
0x2c: {  	_ =	sdelay $0x2  }
0x2d: {  	s10 =	sadd.s32 $0x80, s10;
	s11 =	sadd.s32 s11, s24  }
0x2e: {  	[tilespmem:s6], [sflag:$0x1] =	stream.linear.gather [hbm4b:s11+s3], $0x50, $0x38;
	[tilespmem:$0x1F000] =	vst v63  }
0x2f: {  	s12 =	rddreg [dreg:$0x4]  }
0x30: {  	[tilespmem:s25], [sflag:$0x4] =	stream.linear.gather [hbm4b:s12+s3], $0x2800, $0x38;
	[tilespmem:$0x1F000] =	vst v63  }
0x31: {  	_ =	swait.ge [sflag:s26], $0x2800  }
0x32: {  	[sflag:s26] =	ssyncset.done $0x0  }
0x33: {  	[sflag:s26] =	ssyncadd.s32 $0xFFFFD800  }
0x34: {  	[spmem:s8] =	stream.linear.scatter [tilespmem:s25], [sflag:$0x4], $0x2800, $0x38;
	[tilespmem:$0x1F000] =	vst v63  }
0x35: {  	_ =	swait.ge [sflag:s26], $0x2800  }
0x36: {  	[sflag:s26] =	ssyncset.done $0x0  }
0x37: {  	[sflag:s26] =	ssyncadd.s32 $0xFFFFD800  }
0x38: {  	[spmem:s9] =	stream.linear.scatter [tilespmem:s25], [sflag:$0x4], $0x2800, $0x38;
	[tilespmem:$0x1F000] =	vst v63  }
0x39: {  	_ =	swait.ge [sflag:s26], $0x2800  }
0x3a: {  	[sflag:s26] =	ssyncset.done $0x0  }
0x3b: {  	[sflag:s26] =	ssyncadd.s32 $0xFFFFD800  }
0x3c: {  	[spmem:s18] =	stream.linear.scatter [tilespmem:s25], [sflag:$0x4], $0x2800, $0x38;
	[tilespmem:$0x1F000] =	vst v63  }
0x3d: {  	_ =	swait.ge [sflag:s26], $0x2800  }
0x3e: {  	[sflag:s26] =	ssyncset.done $0x0  }
0x3f: {  	[sflag:s26] =	ssyncadd.s32 $0xFFFFD800  }
0x40: {  	[spmem:s19] =	stream.linear.scatter [tilespmem:s25], [sflag:$0x4], $0x2800, $0x38;
	[tilespmem:$0x1F000] =	vst v63  }
0x41: {  	_ =	swait.ge [sflag:s26], $0x2800  }
0x42: {  	[sflag:s26] =	ssyncset.done $0x0  }
0x43: {  	[sflag:s26] =	ssyncadd.s32 $0xFFFFD800  }
0x44: {  	[spmem:s20] =	stream.linear.scatter [tilespmem:s25], [sflag:$0x4], $0x2800, $0x38;
	[tilespmem:$0x1F000] =	vst v63  }
0x45: {  	_ =	swait.ge [sflag:s26], $0x2800  }
0x46: {  	[sflag:s26] =	ssyncset.done $0x0  }
0x47: {  	[sflag:s26] =	ssyncadd.s32 $0xFFFFD800  }
0x48: {  	[spmem:s21] =	stream.linear.scatter [tilespmem:s25], [sflag:$0x4], $0x2800, $0x38;
	[tilespmem:$0x1F000] =	vst v63  }
0x49: {  	_ =	swait.ge [sflag:s26], $0x2800  }
0x4a: {  	[sflag:s26] =	ssyncset.done $0x0  }
0x4b: {  	[sflag:s26] =	ssyncadd.s32 $0xFFFFD800  }
0x4c: {  	[spmem:s22] =	stream.linear.scatter [tilespmem:s25], [sflag:$0x4], $0x2800, $0x38;
	[tilespmem:$0x1F000] =	vst v63  }
0x4d: {  	_ =	swait.ge [sflag:s26], $0x2800  }
0x4e: {  	[sflag:s26] =	ssyncset.done $0x0  }
0x4f: {  	s6 =	simm.s32 @!p0 $0x6780;
	[sflag:s26] =	ssyncadd.s32 $0xFFFFD800  }
0x50: {  	[spmem:s23] =	stream.linear.scatter @!p0 [tilespmem:s6], [sflag:$0x4], $0x2800, $0x38;
	[tilespmem:$0x1F000] =	vst v63  }
0x51: {  	s6 =	simm.s32 @!p0 $0x4  }
0x52: {  	_ =	swait.ge @!p0 [sflag:s6], $0x2800  }
0x53: {  	[sflag:s6] =	ssyncset.done @!p0 $0x0  }
0x54: {  	[sflag:s6] =	ssyncadd.s32 @!p0 $0xFFFFD800  }
0x55: {  	_ =	swait.ge [sflag:s28], $0x2710  }
0x56: {  	[sflag:s28] =	ssyncset.done $0x0  }
0x57: {  	[sflag:s28] =	ssyncadd.s32 $0xFFFFD8F0  }
0x58: {  	_ =	swait.ge [sflag:s28], $0x50  }
0x59: {  	s6 =	simm.s32 $0x7C;
	[sflag:s28] =	ssyncset.done $0x0  }
.LBB2_4:
0x5a: {  	p1 =	sne.s32 s6, $0x1;
	s6 =	sadd.s32 $0xFFFFFFFF, s6;
	[sflag:s28] =	ssyncadd.s32 $0xFFFFFFB0  }
.Ltmp1:
0x5b: {  	(pc) =	sbr.rel @p1 .LBB2_4-.Ltmp1, $3  }
0x5c: {  	_ =	sdelay $0x1  }
0x5d: {  	_ =	swait.ge [sflag:s28], $0x50  }
0x5e: {  	[sflag:s28] =	ssyncset.done $0x0  }
0x5f: {  	[sflag:s28] =	ssyncadd.s32 $0xFFFFFFB0  }
0x60: {  	s6 =	simm.s32 $0x0;
	[bflag:$0x0] =	sbarrier.arrive $0xFFFF  }
0x61: {  	[tilespmem:s25], [sflag:$0x2] =	stream.indirect.gather [hbm4b:s4+s29], $0x80, s6, s29, $0xb8;
	[tilespmem:$0x1F000] =	vst v63  }
0x62: {  	s7 =	simm.s32 $0x50  }
0x63: {  	[tilespmem:s30], [sflag:$0x3] =	stream.indirect.gather [hbm4b:s4+s29], $0x80, s7, s29, $0xb8;
	[tilespmem:$0x1F000] =	vst v63  }
0x64: {  	_ =	swait.ge [sflag:s31], $0x2800  }
0x65: {  	[sflag:s31] =	ssyncset.done $0x0  }
0x66: {  	s10 =	simm.s32 $0x2780;
	[sflag:s31] =	ssyncadd.s32 $0xFFFFD800  }
0x67: {  	[spmem:s2] =	stream.indirect.scatter.add.f32 [tilespmem:s25], [sflag:$0x4], $0x80, s10, s29, $0xb8;
	[tilespmem:$0x1F000] =	vst v63  }
0x68: {  	_ =	swait.ge [sflag:s26], $0x2800  }
0x69: {  	[sflag:s26] =	ssyncset.done $0x0  }
0x6a: {  	s11 =	simm.s32 $0xA0;
	[sflag:s26] =	ssyncadd.s32 $0xFFFFD800  }
0x6b: {  	[tilespmem:s25], [sflag:$0x2] =	stream.indirect.gather [hbm4b:s4+s29], $0x80, s11, s29, $0xb8;
	[tilespmem:$0x1F000] =	vst v63  }
0x6c: {  	_ =	swait.ge [sflag:s1], $0x2800  }
0x6d: {  	[sflag:s1] =	ssyncset.done $0x0  }
0x6e: {  	s12 =	simm.s32 $0x2800;
	[sflag:s1] =	ssyncadd.s32 $0xFFFFD800  }
0x6f: {  	[spmem:s2] =	stream.indirect.scatter.add.f32 [tilespmem:s30], [sflag:$0x4], $0x80, s12, s29, $0xb8;
	[tilespmem:$0x1F000] =	vst v63  }
0x70: {  	s6 =	simm.s32 $0x140;
	_ =	swait.ge [sflag:s26], $0x2800  }
0x71: {  	s7 =	simm.s32 $0x400;
	s10 =	simm.s32 $0x800;
	[sflag:s26] =	ssyncset.done $0x0  }
.LBB2_6:
0x72: {  	p1 =	sne.s32 s10, $0xF400;
	s11 =	sadd.s32 $0xFFFFFFB0, s6;
	[sflag:s26] =	ssyncadd.s32 $0xFFFFD800  }
0x73: {  	[tilespmem:s30], [sflag:$0x3] =	stream.indirect.gather [hbm4b:s4+s29], $0x80, s11, s29, $0xb8;
	[tilespmem:$0x1F000] =	vst v63  }
0x74: {  	s11 =	smov.u32 s10;
	s10 =	sadd.s32 $0x400, s10;
	_ =	swait.ge [sflag:s31], $0x2800  }
0x75: {  	s12 =	sshra.s32 s7, $0x2;
	s7 =	smov.u32 s11;
	[sflag:s31] =	ssyncset.done $0x0  }
0x76: {  	s11 =	sadd.s32 $0x2780, s12;
	[sflag:s31] =	ssyncadd.s32 $0xFFFFD800  }
0x77: {  	[spmem:s2] =	stream.indirect.scatter.add.f32 [tilespmem:s25], [sflag:$0x4], $0x80, s11, s29, $0xb8;
	[tilespmem:$0x1F000] =	vst v63  }
0x78: {  	_ =	swait.ge [sflag:s26], $0x2800  }
0x79: {  	[sflag:s26] =	ssyncset.done $0x0  }
0x7a: {  	[sflag:s26] =	ssyncadd.s32 $0xFFFFD800  }
0x7b: {  	[tilespmem:s25], [sflag:$0x2] =	stream.indirect.gather [hbm4b:s4+s29], $0x80, s6, s29, $0xb8;
	[tilespmem:$0x1F000] =	vst v63  }
0x7c: {  	_ =	swait.ge [sflag:s1], $0x2800  }
.Ltmp2:
0x7d: {  	[sflag:s1] =	ssyncset.done $0x0;
	(pc) =	sbr.rel @p1 .LBB2_6-.Ltmp2, $4  }
0x7e: {  	s11 =	sadd.s32 $0x2800, s12;
	[sflag:s1] =	ssyncadd.s32 $0xFFFFD800  }
0x7f: {  	[spmem:s2] =	stream.indirect.scatter.add.f32 [tilespmem:s30], [sflag:$0x4], $0x80, s11, s29, $0xb8;
	[tilespmem:$0x1F000] =	vst v63  }
0x80: {  	_ =	swait.ge [sflag:s26], $0x2800  }
0x81: {  	s6 =	sadd.s32 $0xA0, s6;
	[sflag:s26] =	ssyncset.done $0x0  }
0x82: {  	s10 =	sadd.s32 $0xFFFFFFB0, s6;
	[sflag:s26] =	ssyncadd.s32 $0xFFFFD800  }
0x83: {  	[tilespmem:s30], [sflag:$0x3] =	stream.indirect.gather [hbm4b:s4+s29], $0x80, s10, s29, $0xb8;
	[tilespmem:$0x1F000] =	vst v63  }
0x84: {  	_ =	swait.ge [sflag:s31], $0x2800  }
0x85: {  	s7 =	sshra.s32 s7, $0x2;
	[sflag:s31] =	ssyncset.done $0x0  }
0x86: {  	s12 =	sadd.s32 $0x2780, s7;
	[sflag:s31] =	ssyncadd.s32 $0xFFFFD800  }
0x87: {  	[spmem:s2] =	stream.indirect.scatter.add.f32 [tilespmem:s25], [sflag:$0x4], $0x80, s12, s29, $0xb8;
	[tilespmem:$0x1F000] =	vst v63  }
0x88: {  	_ =	swait.ge [sflag:s26], $0x2800  }
0x89: {  	[sflag:s26] =	ssyncset.done $0x0  }
0x8a: {  	[sflag:s26] =	ssyncadd.s32 $0xFFFFD800  }
0x8b: {  	[tilespmem:s25], [sflag:$0x2] =	stream.indirect.gather [hbm4b:s4+s29], $0x80, s6, s29, $0xb8;
	[tilespmem:$0x1F000] =	vst v63  }
0x8c: {  	_ =	swait.ge [sflag:s1], $0x2800  }
0x8d: {  	[sflag:s1] =	ssyncset.done $0x0  }
0x8e: {  	s11 =	sadd.s32 $0x2800, s7;
	[sflag:s1] =	ssyncadd.s32 $0xFFFFD800  }
0x8f: {  	[spmem:s2] =	stream.indirect.scatter.add.f32 [tilespmem:s30], [sflag:$0x4], $0x80, s11, s29, $0xb8;
	[tilespmem:$0x1F000] =	vst v63  }
0x90: {  	_ =	swait.ge [sflag:s26], $0x2800  }
0x91: {  	[sflag:s26] =	ssyncset.done $0x0  }
0x92: {  	[sflag:s26] =	ssyncadd.s32 $0xFFFFD800  }
0x93: {  	_ =	swait.ge [sflag:s31], $0x2800  }
0x94: {  	[sflag:s31] =	ssyncset.done $0x0  }
0x95: {  	s12 =	simm.s32 $0x6580;
	[sflag:s31] =	ssyncadd.s32 $0xFFFFD800  }
0x96: {  	[spmem:s2] =	stream.indirect.scatter.add.f32 [tilespmem:s25], [sflag:$0x4], $0x80, s12, s29, $0xb8;
	[tilespmem:$0x1F000] =	vst v63  }
0x97: {  	_ =	swait.ge [sflag:s26], $0x2800  }
0x98: {  	[sflag:s26] =	ssyncset.done $0x0  }
0x99: {  	[sflag:s26] =	ssyncadd.s32 $0xFFFFD800  }
0x9a: {  	[bflag:$0x0] =	sbarrier.arrive $0xFFFF  }
0x9b: {  	[tilespmem:s25], [sflag:$0x5] =	stream.linear.gather [spmem:s8], $0x2800, $0x38;
	[tilespmem:$0x1F000] =	vst v63  }
0x9c: {  	_ =	swait.ge [sflag:s0], $0x2800  }
0x9d: {  	[sflag:s0] =	ssyncset.done $0x0  }
0x9e: {  	s7 =	rddreg [dreg:$0x7];
	[sflag:s0] =	ssyncadd.s32 $0xFFFFD800  }
0x9f: {  	[hbm4b:s7+s3] =	stream.linear.scatter [tilespmem:s25], [sflag:$0x4], $0x2800, $0x38;
	[tilespmem:$0x1F000] =	vst v63  }
0xa0: {  	_ =	swait.ge [sflag:s26], $0x2800  }
0xa1: {  	[sflag:s26] =	ssyncset.done $0x0  }
0xa2: {  	[sflag:s26] =	ssyncadd.s32 $0xFFFFD800  }
0xa3: {  	[tilespmem:s25], [sflag:$0x5] =	stream.linear.gather [spmem:s9], $0x2800, $0x38;
	[tilespmem:$0x1F000] =	vst v63  }
0xa4: {  	_ =	swait.ge [sflag:s0], $0x2800  }
0xa5: {  	[sflag:s0] =	ssyncset.done $0x0  }
0xa6: {  	s10 =	rddreg [dreg:$0x8];
	[sflag:s0] =	ssyncadd.s32 $0xFFFFD800  }
0xa7: {  	[hbm4b:s10+s3] =	stream.linear.scatter [tilespmem:s25], [sflag:$0x4], $0x2800, $0x38;
	[tilespmem:$0x1F000] =	vst v63  }
0xa8: {  	_ =	swait.ge [sflag:s26], $0x2800  }
0xa9: {  	[sflag:s26] =	ssyncset.done $0x0  }
0xaa: {  	[sflag:s26] =	ssyncadd.s32 $0xFFFFD800  }
0xab: {  	[tilespmem:s25], [sflag:$0x5] =	stream.linear.gather [spmem:s18], $0x2800, $0x38;
	[tilespmem:$0x1F000] =	vst v63  }
0xac: {  	_ =	swait.ge [sflag:s0], $0x2800  }
0xad: {  	[sflag:s0] =	ssyncset.done $0x0  }
0xae: {  	s11 =	rddreg [dreg:$0x9];
	[sflag:s0] =	ssyncadd.s32 $0xFFFFD800  }
0xaf: {  	[hbm4b:s11+s3] =	stream.linear.scatter [tilespmem:s25], [sflag:$0x4], $0x2800, $0x38;
	[tilespmem:$0x1F000] =	vst v63  }
0xb0: {  	_ =	swait.ge [sflag:s26], $0x2800  }
0xb1: {  	[sflag:s26] =	ssyncset.done $0x0  }
0xb2: {  	[sflag:s26] =	ssyncadd.s32 $0xFFFFD800  }
0xb3: {  	[tilespmem:s25], [sflag:$0x5] =	stream.linear.gather [spmem:s19], $0x2800, $0x38;
	[tilespmem:$0x1F000] =	vst v63  }
0xb4: {  	_ =	swait.ge [sflag:s0], $0x2800  }
0xb5: {  	[sflag:s0] =	ssyncset.done $0x0  }
0xb6: {  	[sflag:s0] =	ssyncadd.s32 $0xFFFFD800  }
0xb7: {  	[hbm4b:s13+s3] =	stream.linear.scatter [tilespmem:s25], [sflag:$0x4], $0x2800, $0x38;
	[tilespmem:$0x1F000] =	vst v63  }
0xb8: {  	_ =	swait.ge [sflag:s26], $0x2800  }
0xb9: {  	[sflag:s26] =	ssyncset.done $0x0  }
0xba: {  	[sflag:s26] =	ssyncadd.s32 $0xFFFFD800  }
0xbb: {  	[tilespmem:s25], [sflag:$0x5] =	stream.linear.gather [spmem:s20], $0x2800, $0x38;
	[tilespmem:$0x1F000] =	vst v63  }
0xbc: {  	_ =	swait.ge [sflag:s0], $0x2800  }
0xbd: {  	[sflag:s0] =	ssyncset.done $0x0  }
0xbe: {  	[sflag:s0] =	ssyncadd.s32 $0xFFFFD800  }
0xbf: {  	[hbm4b:s14+s3] =	stream.linear.scatter [tilespmem:s25], [sflag:$0x4], $0x2800, $0x38;
	[tilespmem:$0x1F000] =	vst v63  }
0xc0: {  	_ =	swait.ge [sflag:s26], $0x2800  }
0xc1: {  	[sflag:s26] =	ssyncset.done $0x0  }
0xc2: {  	[sflag:s26] =	ssyncadd.s32 $0xFFFFD800  }
0xc3: {  	[tilespmem:s25], [sflag:$0x5] =	stream.linear.gather [spmem:s21], $0x2800, $0x38;
	[tilespmem:$0x1F000] =	vst v63  }
0xc4: {  	_ =	swait.ge [sflag:s0], $0x2800  }
0xc5: {  	[sflag:s0] =	ssyncset.done $0x0  }
0xc6: {  	[sflag:s0] =	ssyncadd.s32 $0xFFFFD800  }
0xc7: {  	[hbm4b:s15+s3] =	stream.linear.scatter [tilespmem:s25], [sflag:$0x4], $0x2800, $0x38;
	[tilespmem:$0x1F000] =	vst v63  }
0xc8: {  	_ =	swait.ge [sflag:s26], $0x2800  }
0xc9: {  	[sflag:s26] =	ssyncset.done $0x0  }
0xca: {  	[sflag:s26] =	ssyncadd.s32 $0xFFFFD800  }
0xcb: {  	[tilespmem:s25], [sflag:$0x5] =	stream.linear.gather [spmem:s22], $0x2800, $0x38;
	[tilespmem:$0x1F000] =	vst v63  }
0xcc: {  	_ =	swait.ge [sflag:s0], $0x2800  }
0xcd: {  	[sflag:s0] =	ssyncset.done $0x0  }
0xce: {  	[sflag:s0] =	ssyncadd.s32 $0xFFFFD800  }
0xcf: {  	[hbm4b:s16+s3] =	stream.linear.scatter [tilespmem:s25], [sflag:$0x4], $0x2800, $0x38;
	[tilespmem:$0x1F000] =	vst v63  }
0xd0: {  	_ =	swait.ge [sflag:s26], $0x2800  }
0xd1: {  	[sflag:s26] =	ssyncset.done $0x0  }
0xd2: {  	s6 =	simm.s32 @!p0 $0x6780;
	s7 =	simm.s32 @!p0 $0x5;
	[sflag:s26] =	ssyncadd.s32 $0xFFFFD800  }
0xd3: {  	[tilespmem:s6], [sflag:$0x5] =	stream.linear.gather @!p0 [spmem:s23], $0x2800, $0x38;
	[tilespmem:$0x1F000] =	vst v63  }
0xd4: {  	_ =	swait.ge @!p0 [sflag:s7], $0x2800  }
0xd5: {  	[sflag:s7] =	ssyncset.done @!p0 $0x0  }
0xd6: {  	[sflag:s7] =	ssyncadd.s32 @!p0 $0xFFFFD800;
	s7 =	simm.s32 @!p0 $0x0  }
0xd7: {  	[hbm4b:s17+s7] =	stream.linear.scatter @!p0 [tilespmem:s6], [sflag:$0x4], $0x2800, $0x38;
	[tilespmem:$0x1F000] =	vst v63  }
0xd8: {  	s6 =	simm.s32 @!p0 $0x4  }
0xd9: {  	_ =	swait.ge @!p0 [sflag:s6], $0x2800  }
0xda: {  	s5 =	sadd.s32 $0x1, s5;
	s12 =	rddreg [dreg:$0x6]  }
0xdb: {  	p1 =	sne.s32 s5, s12  }
.Ltmp3:
0xdc: {  	_ = 	snop;
	(pc) =	sbr.rel @p1 .LBB2_1-.Ltmp3, $3  }
0xdd: {  	_ =	sdelay $0x1  }
0xde: {  	[sflag:s6] =	ssyncset.done @!p0 $0x0  }
0xdf: {  	[sflag:s6] =	ssyncadd.s32 @!p0 $0xFFFFD800  }
0xe0: {  	_ =	sfence.sel $0x180000  }
0xe1: {  	[bflag:$0x0] =	sbarrier.arrive $0xFFFF  }
0xe2: {  	_ =	strace $0x9000004D  }
0xe3: {  	s0 =	stileid.u32;
	[bflag:$0x2] =	sbarrier.arrive $0xFFFF  }
0xe4: {  	p0 =	sne.s32 s0, $0x0;
	s0 =	rddreg [dreg:$0x3]  }
0xe5: {  	s0 =	sadd.s32 @!p0 $0x100000, s0  }
0xe6: {  	[sflag:s0] =	ssyncadd.tile.s32 @!p0 $0x1;
	_ =	shalt  }
.Lfunc_end2:
_tile_overlayer_lowered:
.L_overlay_start_2:
0xe7: {  	(tag) =	ssettag $0x2  }
0xe8: {  	s0 =	rddreg [dreg:$0x0];
	s2 =	stileid.u32  }
0xe9: {  	s1 =	rddreg [dreg:$0x1];
	p0 =	sne.s32 s2, $0x0  }
0xea: {  	s3 =	rddreg [dreg:$0x2];
	[bflag:$0x3] =	sbarrier.arrive $0xFFFF;
	s2 =	simm.s32 @!p0 $0x1C04  }
0xeb: {  	[timem:s3], [sflag:s2] =	dma.local @!p0 [hbm:s0], s1  }
0xec: {  	s0 =	simm.s32 @!p0 $0x4  }
0xed: {  	_ =	swait.ge @!p0 [sflag:s0], s1  }
0xee: {  	s1 =	ssub.s32 @!p0 $0x0, s1;
	[sflag:s0] =	ssyncset.done @!p0 $0x0  }
0xef: {  	[sflag:s0] =	ssyncadd.s32 @!p0 s1  }
0xf0: {  	[bflag:$0x3] =	sbarrier.arrive $0xFFFF  }
0xf1: {  	_ =	shalt  }

// kernel: sc_deg.3.cloned.1.call-start
scs
__scs_entry_jumppad:
0x0: {  	(pc) =	sbr.rel $0x88, $3  }
0x1: {  	(tag) =	ssettag $0x0;
	lr =	simm.s32 $0x1  }
0x2: {  	[smem:$0x3F8D] =	sst lr;
	_ =	strace $0xD0000000  }
0x3: {  	_ = 	snop  }
0x4: {  	_ = 	snop  }
0x5: {  	_ = 	snop  }
0x6: {  	_ = 	snop  }
0x7: {  	_ = 	snop  }
__scs_overlays_trampoline_lowered:
0x8: {  	[smem:$0x3F9C] =	sst s0  }
0x9: {  	[smem:$0x3F9D] =	sst s1  }
0xa: {  	[smem:$0x3F9E] =	sst s2  }
0xb: {  	[smem:$0x3F9F] =	sst s3  }
0xc: {  	[smem:$0x3FA0] =	sst s4  }
0xd: {  	[smem:$0x3FA1] =	sst s5  }
0xe: {  	[smem:$0x3FA2] =	sst s6  }
0xf: {  	[smem:$0x3FA3] =	sst s7  }
0x10: {  	[smem:$0x3FA4] =	sst s8  }
0x11: {  	[smem:$0x3FA5] =	sst s9;
	s0 =	simm.s32 @!p0 $0x0  }
0x12: {  	s1 =	sld [smem:$0x3F8B];
	s0 =	simm.s32 @p0 $0x1  }
0x13: {  	[smem:$0x3FA6] =	sst s0;
	s0 =	simm.s32 @!p1 $0x0  }
0x14: {  	s2 =	sld [smem:$0x3F8A];
	s0 =	simm.s32 @p1 $0x1  }
0x15: {  	[smem:$0x3FA7] =	sst s0;
	s0 =	simm.s32 @!p2 $0x0  }
0x16: {  	s3 =	sld [smem:$0x3FDB];
	s0 =	simm.s32 @p2 $0x1  }
0x17: {  	s4 =	simm.s32 $0x1BF5;
	[smem:$0x3FA9] =	sst s0  }
0x18: {  	s0 =	sld [smem:$0x3F8C];
	_ =	swait.ge [sflag:s4], $0x0  }
0x19: {  	s7 =	sld [smem:$0x3F8D]  }
0x1a: {  	s8 =	sadd.s32 $0xFFFFE003, lr  }
0x1b: {  	s9 =	sadd.s32 $0xFFFFFEF7, lr;
	s5 =	simm.s32 $0xFFFFFFFF;
	p2 =	slt.u32 s8, $0xFFFFF086  }
0x1c: {  	p1 =	slt.u32 s9, $0xF7A;
	s5 =	simm.s32 @!p2 $0x0  }
0x1d: {  	s5 =	simm.s32 @p1 $0x1;
	p0 =	seq.s32 s7, s2  }
0x1e: {  	s7 =	smul.u32 @!p0 $0xF7A, s2;
	p2 =	seq.s32 @!p0 s5, $0x0  }
0x1f: {  	s9 =	smul.u32 $0xF7A, s1;
	s8 =	simm.s32 @!p0 $0x1BF5;
	p2 =	por !p2, p0  }
0x20: {  	[sflag:s8] =	ssyncset.s32 @!p0 $0xFFFFF086;
	s6 =	sadd.s32 @!p0 s3, s7;
	s7 =	simm.s32 @!p0 $0x108  }
0x21: {  	s3 =	sadd.s32 s3, s9;
	s6 =	sadd.s32 @!p0 $0x88, s6;
	s7 =	simm.s32 @p2 $0x1082  }
0x22: {  	[simem:s7], [sflag:s8] =	dma.local @!p0 [hbm:s6], $0xF7A  }
0x23: {  	s9 =	sor.u32 $0xD0000000, s2;
	s6 =	simm.s32 $0x108;
	_ =	swait.ge @!p0 [sflag:s8], $0x0  }
0x24: {  	s3 =	sadd.s32 $0x88, s3;
	s6 =	simm.s32 @!p1 $0x1082;
	[sflag:s4] =	ssyncset.s32 $0xFFFFF086  }
0x25: {  	[simem:s6], [sflag:s4] =	dma.local [hbm:s3], $0xF7A  }
0x26: {  	[smem:$0x3F8D] =	sst s1;
	(tag) =	ssettag s2;
	_ =	strace s9  }
0x27: {  	s1 =	sld [smem:$0x3F9D]  }
0x28: {  	s2 =	sld [smem:$0x3F9E]  }
0x29: {  	s4 =	sld [smem:$0x3FA0]  }
0x2a: {  	p0 =	seq.s32 s5, $0x0;
	s5 =	sld [smem:$0x3FA1]  }
0x2b: {  	s6 =	sld [smem:$0x3FA2]  }
0x2c: {  	s7 =	sld [smem:$0x3FA3]  }
0x2d: {  	s3 =	simm.s32 $0x108;
	s8 =	sld [smem:$0x3FA4]  }
0x2e: {  	s3 =	simm.s32 @!p0 $0x1082;
	s9 =	sld [smem:$0x3FA5]  }
0x2f: {  	lr =	sadd.s32 s0, s3;
	s0 =	sld [smem:$0x3F9C]  }
0x30: {  	s3 =	sld [smem:$0x3F9F]  }
0x31: {  	[smem:$0x3FA8] =	sst s10  }
0x32: {  	s10 =	sld [smem:$0x3FA6];
	_ =	sdelay $0x3  }
0x33: {  	p0 =	seq.s32 s10, $0x1;
	s10 =	sld [smem:$0x3FA8];
	_ =	sdelay $0x3  }
0x34: {  	[smem:$0x3FA8] =	sst s10  }
0x35: {  	s10 =	sld [smem:$0x3FA7];
	_ =	sdelay $0x3  }
0x36: {  	p1 =	seq.s32 s10, $0x1;
	s10 =	sld [smem:$0x3FA8];
	_ =	sdelay $0x3  }
0x37: {  	[smem:$0x3FA8] =	sst s10  }
0x38: {  	s10 =	sld [smem:$0x3FA9]  }
0x39: {  	_ = 	snop;
	(pc) =	sbr.ind lr, $3  }
0x3a: {  	_ = 	snop  }
0x3b: {  	_ = 	snop  }
0x3c: {  	p2 =	seq.s32 s10, $0x1;
	s10 =	sld [smem:$0x3FA8]  }
0x3d: {  	_ =	shalt  }
0x3e: {  	_ =	shalt  }
0x3f: {  	_ =	shalt  }
0x40: {  	_ =	shalt  }
0x41: {  	_ =	shalt  }
0x42: {  	_ =	shalt  }
0x43: {  	_ =	shalt  }
0x44: {  	_ =	shalt  }
0x45: {  	_ =	shalt  }
0x46: {  	_ =	shalt  }
0x47: {  	_ =	shalt  }
0x48: {  	_ =	shalt  }
0x49: {  	_ =	shalt  }
0x4a: {  	_ =	shalt  }
0x4b: {  	_ =	shalt  }
0x4c: {  	_ =	shalt  }
0x4d: {  	_ =	shalt  }
0x4e: {  	_ =	shalt  }
0x4f: {  	_ =	shalt  }
0x50: {  	_ =	shalt  }
0x51: {  	_ =	shalt  }
0x52: {  	_ =	shalt  }
0x53: {  	_ =	shalt  }
0x54: {  	_ =	shalt  }
0x55: {  	_ =	shalt  }
0x56: {  	_ =	shalt  }
0x57: {  	_ =	shalt  }
0x58: {  	_ =	shalt  }
0x59: {  	_ =	shalt  }
0x5a: {  	_ =	shalt  }
0x5b: {  	_ =	shalt  }
0x5c: {  	_ =	shalt  }
0x5d: {  	_ =	shalt  }
0x5e: {  	_ =	shalt  }
0x5f: {  	_ =	shalt  }
0x60: {  	_ =	shalt  }
0x61: {  	_ =	shalt  }
0x62: {  	_ =	shalt  }
0x63: {  	_ =	shalt  }
0x64: {  	_ =	shalt  }
0x65: {  	_ =	shalt  }
0x66: {  	_ =	shalt  }
0x67: {  	_ =	shalt  }
0x68: {  	_ =	shalt  }
0x69: {  	_ =	shalt  }
0x6a: {  	_ =	shalt  }
0x6b: {  	_ =	shalt  }
0x6c: {  	_ =	shalt  }
0x6d: {  	_ =	shalt  }
0x6e: {  	_ =	shalt  }
0x6f: {  	_ =	shalt  }
0x70: {  	_ =	shalt  }
0x71: {  	_ =	shalt  }
0x72: {  	_ =	shalt  }
0x73: {  	_ =	shalt  }
0x74: {  	_ =	shalt  }
0x75: {  	_ =	shalt  }
0x76: {  	_ =	shalt  }
0x77: {  	_ =	shalt  }
0x78: {  	_ =	shalt  }
0x79: {  	_ =	shalt  }
0x7a: {  	_ =	shalt  }
0x7b: {  	_ =	shalt  }
0x7c: {  	_ =	shalt  }
0x7d: {  	_ =	shalt  }
0x7e: {  	_ =	shalt  }
0x7f: {  	_ =	shalt  }
0x80: {  	_ =	shalt  }
0x81: {  	_ =	shalt  }
0x82: {  	_ =	shalt  }
0x83: {  	_ =	shalt  }
0x84: {  	_ =	shalt  }
0x85: {  	_ =	shalt  }
0x86: {  	_ =	shalt  }
0x87: {  	_ =	shalt  }
.Lfunc_end0:
.L_simem_size_0:
called_computation_lowered:
.L_overlay_start_0:
0x88: {  	s2 =	sld [smem:$0x3FD9]  }
0x89: {  	s3 =	sld [smem:$0x3FFE];
	_ =	sdelay $0x1  }
0x8a: {  	s1 =	srdreg.scid  }
0x8b: {  	s0 =	sand.u32 $0x1, s1  }
0x8c: {  	s17 =	sshll.u32 s0, $0xA;
	s2 =	sadd.s32 s3, s2  }
0x8d: {  	s2 =	sadd.s32 s2, s17  }
0x8e: {  	[smem:$0x3FB4] =	sst s2  }
0x8f: {  	_ = 	snop  }
0x90: {  	s2 =	sld [smem:$0x3FD0];
	(tm) =	ssettm $0x1  }
0x91: {  	s18 =	sld [smem:$0x3FFB];
	_ =	sdelay $0x3  }
0x92: {  	_ =	strace s18  }
0x93: {  	s3 =	sld [smem:$0x3FFC];
	_ =	sdelay $0x3  }
0x94: {  	_ =	strace s3  }
0x95: {  	s3 =	sld [smem:$0x3FFD];
	_ =	sdelay $0x3  }
0x96: {  	_ =	strace s3  }
0x97: {  	_ =	strace $0x8FFFFFFF  }
0x98: {  	s19 =	sld [smem:$0x3FDB];
	_ =	sdelay $0x1  }
0x99: {  	s4 =	simm.s32 $_scs_section_size  }
0x9a: {  	s5 =	simm.s32 $_size__tile_overlayer_lowered;
	s6 =	simm.s32 $_tile_overlayer_lowered  }
0x9b: {  	s22 =	simm.s32 $0x1BFF;
	s21 =	sshll.u32 s6, $0x1;
	s3 =	sadd.s32 s4, s19  }
0x9c: {  	s7 =	simm.s32 $0x0;
	s20 =	sshll.u32 s5, $0x1;
	s5 =	sadd.s32 s21, s3  }
0x9d: {  	[timem:s7], [sflag:s22] =	dma.local [hbm:s5], s20  }
0x9e: {  	_ =	swait.ge [sflag:s22], s20  }
0x9f: {  	s4 =	ssub.s32 $0x0, s20;
	[sflag:s22] =	ssyncset.done $0x0  }
0xa0: {  	[sflag:s22] =	ssyncadd.s32 s4;
	_ =	sdelay $0x1  }
0xa1: {  	s23 =	simm.s32 $0x1B8B  }
0xa2: {  	_ =	swait.ge [sflag:s23], $0x1  }
0xa3: {  	[sflag:s23] =	ssyncset.done $0x0  }
0xa4: {  	s25 =	simm.s32 $0x1B8E;
	s24 =	sld [smem:$0x3FFE];
	[sflag:s23] =	ssyncadd.s32 $0xFFFFFFFF  }
0xa5: {  	s26 =	simm.s32 $execute0_lowered;
	[smem:$0x3FD2] =	sst s25  }
0xa6: {  	s5 =	sshll.u32 s26, $0x1;
	_ =	strace $0x80000046;
	[dreg:$0x1] =	wrdreg $0xFFFFFFFF  }
0xa7: {  	s28 =	simm.s32 $_size_execute0_lowered;
	s3 =	sadd.s32 s3, s5;
	[dreg:$0x0] =	wrdreg $0x0  }
0xa8: {  	s5 =	sshll.u32 s28, $0x1;
	[dreg:$0x2] =	wrdreg s3  }
0xa9: {  	[dreg:$0x3] =	wrdreg s5  }
0xaa: {  	[dreg:$0x4] =	wrdreg $0xC0  }
0xab: {  	_ =	task [dreg:s7], $0x5FFFF  }
0xac: {  	[dreg:$0x1] =	wrdreg $0xFFFFFFFF  }
0xad: {  	[dreg:$0x0] =	wrdreg $0x60  }
0xae: {  	[dreg:$0x2] =	wrdreg s24  }
0xaf: {  	[dreg:$0x3] =	wrdreg s2  }
0xb0: {  	[dreg:$0x4] =	wrdreg $0x7C000  }
0xb1: {  	[dreg:$0x5] =	wrdreg $0x9  }
0xb2: {  	_ =	task.clear_ibuf [dreg:s7], $0x6FFFF;
	_ =	strace $0x90000046  }
0xb3: {  	s29 =	simm.s32 $0x9;
	_ =	strace $0x80000048  }
0xb4: {  	_ =	swait.ge [sflag:s29], $0x1  }
0xb5: {  	[sflag:s29] =	ssyncadd.s32 $0xFFFFFFFF  }
0xb6: {  	_ =	strace $0x90000048  }
0xb7: {  	_ =	sfence  }
0xb8: {  	s30 =	sld [smem:$0x0];
	_ =	sdelay $0x2  }
0xb9: {  	s31 =	sshll.u32 s1, $0xD;
	s1 =	sshrl.u32 s1, $0x2  }
0xba: {  	s3 =	sand.u32 $0x4000, s31;
	s1 =	sadd.s32 s1, s30  }
0xbb: {  	s0 =	sor.u32 s3, s0;
	s1 =	sshll.u32 s1, $0x11  }
0xbc: {  	s0 =	sor.u32 s1, s0  }
0xbd: {  	s0 =	sadd.s32 $0x8F2B, s0  }
0xbe: {  	[sflag:s0] =	ssyncadd.remote.s32 $0x1  }
0xbf: {  	_ =	sfence.sel $0xFFFF  }
0xc0: {  	[dreg:$0x0] =	wrdreg $0xFFFFFFFF;
	(pc) =	sbr.abs _section_cstart, $3  }
0xc1: {  	[dreg:$0x1] =	wrdreg $0xFFFFFFFF  }
0xc2: {  	_ =	task.clear_ibuf [dreg:s7], $0x2FFFF;
	_ =	strace $0x9FFFFFFF  }
0xc3: {  	(tm) =	ssettm $0x7FFFFFFF  }
tec
execute0_lowered:
.L_overlay_start_1:
0x0: {  	(tag) =	ssettag $0x1  }
0x1: {  	s22 =	stileid.u32  }
0x2: {  	s2 =	srdreg.scid;
	s6 =	smul.u32 $0x1388, s22  }
0x3: {  	s4 =	sand.u32 $0x1, s2;
	s7 =	smul.u32 $0xA000, s22  }
0x4: {  	s5 =	smul.u32 $0x13880, s4  }
0x5: {  	s8 =	sor.u32 $0x10, s22;
	s11 =	smul.u32 $0x138800, s4  }
0x6: {  	s10 =	sor.u32 $0x20, s22;
	s9 =	smul.u32 $0xA000, s8  }
0x7: {  	s0 =	rddreg [dreg:$0x0];
	s12 =	sor.u32 $0x30, s22;
	s24 =	smul.u32 $0xA000, s10  }
0x8: {  	s1 =	rddreg [dreg:$0x1];
	s14 =	sor.u32 $0x40, s22;
	s13 =	smul.u32 $0xA000, s12  }
0x9: {  	s3 =	simm.s32 $0x0;
	s16 =	sor.u32 $0x50, s22;
	s15 =	smul.u32 $0xA000, s14  }
0xa: {  	s2 =	rddreg [dreg:$0x2];
	s18 =	sor.u32 $0x60, s22;
	s17 =	smul.u32 $0xA000, s16  }
0xb: {  	[smem:$0x7FF] =	sst s3;
	s19 =	sadd.s32 $0x8400, s0;
	s20 =	smul.u32 $0xA000, s18  }
0xc: {  	_ =	strace $0x80000047;
	[dreg:$0x4] =	wrdreg s19;
	s19 =	smul.u32 $0x2800, s22  }
0xd: {  	s21 =	smul.u32 $0x2800, s10  }
0xe: {  	s28 =	simm.s32 $0x1;
	s12 =	smul.u32 $0x2800, s12  }
0xf: {  	s29 =	simm.s32 $0x28;
	s30 =	simm.s32 $0x2;
	s14 =	smul.u32 $0x2800, s14  }
0x10: {  	s31 =	simm.s32 $0x4;
	s4 =	ssub.s32 $0x2, s4;
	s23 =	smul.u32 $0x2800, s16  }
0x11: {  	s26 =	sshrl.u32 s4, $0x1;
	s25 =	sshrl.u32 s7, $0x2;
	s5 =	sadd.s32 s6, s5  }
0x12: {  	s4 =	ssub.s32 s4, s26;
	s26 =	smul.u32 $0x2800, s8;
	s7 =	sadd.s32 s25, s2  }
0x13: {  	s9 =	sshrl.u32 s9, $0x2;
	s10 =	sshrl.u32 s24, $0x2;
	s13 =	sshrl.u32 s13, $0x2  }
0x14: {  	s24 =	sor.u32 $0x70, s22;
	s25 =	smul.u32 $0x2800, s18;
	s18 =	sadd.s32 s11, s21  }
0x15: {  	s6 =	sadd.s32 s11, s12;
	s21 =	sadd.s32 s11, s23;
	s17 =	sshrl.u32 s17, $0x2  }
0x16: {  	s5 =	sshrl.u32 s5, $0x3;
	s8 =	sadd.s32 s9, s2;
	s9 =	sadd.s32 s10, s2  }
0x17: {  	s10 =	sadd.s32 s13, s2;
	s16 =	smul.u32 $0xA000, s24;
	s12 =	sadd.s32 s17, s2  }
0x18: {  	s17 =	sshrl.u32 s18, $0x3;
	s18 =	sshrl.u32 s6, $0x3;
	s21 =	sshrl.u32 s21, $0x3  }
0x19: {  	p0 =	sgt.u32 s24, $0x7C;
	s5 =	sadd.s32 s5, s0;
	s0 =	sadd.s32 $0x8000, s0  }
0x1a: {  	s22 =	sadd.s32 s11, s25;
	s25 =	sshrl.u32 s20, $0x2;
	s17 =	sadd.s32 s1, s17  }
0x1b: {  	s18 =	sadd.s32 s1, s18;
	[dreg:$0x5] =	wrdreg s0;
	s0 =	smax.u32 s4, $0x1  }
0x1c: {  	s4 =	sadd.s32 s11, s19;
	s19 =	sadd.s32 s11, s14;
	s13 =	sadd.s32 s25, s2  }
0x1d: {  	s25 =	sshrl.u32 s22, $0x3;
	[dreg:$0x6] =	wrdreg s0;
	s0 =	sshrl.u32 s15, $0x2  }
0x1e: {  	s15 =	sadd.s32 s11, s26;
	s26 =	smul.u32 $0x2800, s24;
	s20 =	sshrl.u32 s19, $0x3  }
0x1f: {  	s4 =	sshrl.u32 s4, $0x3;
	s24 =	simm.s32 $0x4000;
	s19 =	sadd.s32 s1, s20  }
0x20: {  	s20 =	sadd.s32 s1, s21;
	s21 =	sadd.s32 s1, s25;
	s25 =	simm.s32 $0x3  }
0x21: {  	s23 =	sadd.s32 s11, s26;
	s11 =	sadd.s32 s0, s2;
	s26 =	sshrl.u32 s16, $0x2  }
0x22: {  	s16 =	sshrl.u32 s15, $0x3;
	s15 =	sadd.s32 s1, s4;
	s14 =	sadd.s32 s26, s2  }
0x23: {  	s16 =	sadd.s32 s1, s16;
	s26 =	sshrl.u32 s23, $0x3;
	s23 =	sadd.s32 $0x3000, s5  }
0x24: {  	s22 =	sadd.s32 s1, s26;
	s26 =	simm.s32 $0x5400;
	s1 =	simm.s32 $0x0  }
.LBB2_1:
0x25: {  	s0 =	simm.s32 $0x5  }
0x26: {  	s6 =	sadd.s32 $0x0, s23;
	s4 =	simm.s32 $0x80;
	s5 =	simm.s32 $0x0  }
.LBB2_2:
0x27: {  	[tilespmem:s5], [sflag:$0x1] =	stream.linear.gather [hbm4b:s6+s3], $0x28, $0x38;
	[tilespmem:$0x1B480] =	vst v63  }
0x28: {  	s6 =	smov.u32 s0;
	s5 =	smov.u32 s4;
	p1 =	sne.s32 s0, $0x26C  }
.Ltmp0:
0x29: {  	s0 =	sadd.s32 $0x5, s0;
	(pc) =	sbr.rel @p1 .LBB2_2-.Ltmp0, $2  }
0x2a: {  	_ =	sdelay $0x2  }
0x2b: {  	s4 =	sadd.s32 $0x80, s4;
	s6 =	sadd.s32 s6, s23  }
0x2c: {  	[tilespmem:s5], [sflag:$0x1] =	stream.linear.gather [hbm4b:s6+s3], $0x28, $0x38;
	[tilespmem:$0x1B480] =	vst v63  }
0x2d: {  	s0 =	rddreg [dreg:$0x5]  }
0x2e: {  	[tilespmem:s24], [sflag:$0x3] =	stream.linear.gather [hbm4b:s0+s3], $0x1400, $0x38;
	[tilespmem:$0x1B480] =	vst v63  }
0x2f: {  	_ =	swait.ge [sflag:s25], $0x1400  }
0x30: {  	[sflag:s25] =	ssyncset.done $0x0  }
0x31: {  	s6 =	rddreg [dreg:$0x4];
	[sflag:s25] =	ssyncadd.s32 $0xFFFFEC00  }
0x32: {  	[tilespmem:s26], [sflag:$0x3] =	stream.linear.gather [hbm4b:s6+s3], $0x2800, $0x38;
	[tilespmem:$0x1B480] =	vst v63  }
0x33: {  	_ =	swait.ge [sflag:s25], $0x2800  }
0x34: {  	[sflag:s25] =	ssyncset.done $0x0  }
0x35: {  	[sflag:s25] =	ssyncadd.s32 $0xFFFFD800  }
0x36: {  	[spmem:s7] =	stream.linear.scatter [tilespmem:s26], [sflag:$0x3], $0x2800, $0x38;
	[tilespmem:$0x1B480] =	vst v63  }
0x37: {  	_ =	swait.ge [sflag:s25], $0x2800  }
0x38: {  	[sflag:s25] =	ssyncset.done $0x0  }
0x39: {  	[sflag:s25] =	ssyncadd.s32 $0xFFFFD800  }
0x3a: {  	[spmem:s8] =	stream.linear.scatter [tilespmem:s26], [sflag:$0x3], $0x2800, $0x38;
	[tilespmem:$0x1B480] =	vst v63  }
0x3b: {  	_ =	swait.ge [sflag:s25], $0x2800  }
0x3c: {  	[sflag:s25] =	ssyncset.done $0x0  }
0x3d: {  	[sflag:s25] =	ssyncadd.s32 $0xFFFFD800  }
0x3e: {  	[spmem:s9] =	stream.linear.scatter [tilespmem:s26], [sflag:$0x3], $0x2800, $0x38;
	[tilespmem:$0x1B480] =	vst v63  }
0x3f: {  	_ =	swait.ge [sflag:s25], $0x2800  }
0x40: {  	[sflag:s25] =	ssyncset.done $0x0  }
0x41: {  	[sflag:s25] =	ssyncadd.s32 $0xFFFFD800  }
0x42: {  	[spmem:s10] =	stream.linear.scatter [tilespmem:s26], [sflag:$0x3], $0x2800, $0x38;
	[tilespmem:$0x1B480] =	vst v63  }
0x43: {  	_ =	swait.ge [sflag:s25], $0x2800  }
0x44: {  	[sflag:s25] =	ssyncset.done $0x0  }
0x45: {  	[sflag:s25] =	ssyncadd.s32 $0xFFFFD800  }
0x46: {  	[spmem:s11] =	stream.linear.scatter [tilespmem:s26], [sflag:$0x3], $0x2800, $0x38;
	[tilespmem:$0x1B480] =	vst v63  }
0x47: {  	_ =	swait.ge [sflag:s25], $0x2800  }
0x48: {  	[sflag:s25] =	ssyncset.done $0x0  }
0x49: {  	[sflag:s25] =	ssyncadd.s32 $0xFFFFD800  }
0x4a: {  	[spmem:s12] =	stream.linear.scatter [tilespmem:s26], [sflag:$0x3], $0x2800, $0x38;
	[tilespmem:$0x1B480] =	vst v63  }
0x4b: {  	_ =	swait.ge [sflag:s25], $0x2800  }
0x4c: {  	[sflag:s25] =	ssyncset.done $0x0  }
0x4d: {  	[sflag:s25] =	ssyncadd.s32 $0xFFFFD800  }
0x4e: {  	[spmem:s13] =	stream.linear.scatter [tilespmem:s26], [sflag:$0x3], $0x2800, $0x38;
	[tilespmem:$0x1B480] =	vst v63  }
0x4f: {  	_ =	swait.ge [sflag:s25], $0x2800  }
0x50: {  	[sflag:s25] =	ssyncset.done $0x0  }
0x51: {  	s0 =	simm.s32 @!p0 $0x5400;
	[sflag:s25] =	ssyncadd.s32 $0xFFFFD800  }
0x52: {  	[spmem:s14] =	stream.linear.scatter @!p0 [tilespmem:s0], [sflag:$0x3], $0x2800, $0x38;
	[tilespmem:$0x1B480] =	vst v63  }
0x53: {  	s0 =	simm.s32 @!p0 $0x3  }
0x54: {  	_ =	swait.ge @!p0 [sflag:s0], $0x2800  }
0x55: {  	[sflag:s0] =	ssyncset.done @!p0 $0x0  }
0x56: {  	[sflag:s0] =	ssyncadd.s32 @!p0 $0xFFFFD800  }
0x57: {  	_ =	swait.ge [sflag:s28], $0x28  }
0x58: {  	s0 =	simm.s32 $0x7C;
	[sflag:s28] =	ssyncset.done $0x0  }
.LBB2_4:
0x59: {  	p1 =	sne.s32 s0, $0x1;
	s0 =	sadd.s32 $0xFFFFFFFF, s0;
	[sflag:s28] =	ssyncadd.s32 $0xFFFFFFD8  }
.Ltmp1:
0x5a: {  	(pc) =	sbr.rel @p1 .LBB2_4-.Ltmp1, $3  }
0x5b: {  	_ =	sdelay $0x1  }
0x5c: {  	_ =	swait.ge [sflag:s28], $0x28  }
0x5d: {  	[sflag:s28] =	ssyncset.done $0x0  }
0x5e: {  	[sflag:s28] =	ssyncadd.s32 $0xFFFFFFD8  }
0x5f: {  	s0 =	simm.s32 $0x0;
	[bflag:$0x0] =	sbarrier.arrive $0xFFFF  }
.LBB2_6:
0x60: {  	p1 =	sne.s32 s0, $0xF800  }
.Ltmp2:
0x61: {  	_ = 	snop;
	(pc) =	sbr.rel @p1 .LBB2_6-.Ltmp2, $3  }
0x62: {  	_ =	sdelay $0x1  }
0x63: {  	s4 =	sshra.s32 s0, $0x2;
	s0 =	sadd.s32 $0x200, s0  }
0x64: {  	[spmem:s2] =	stream.indirect.scatter.add.f32 [tilespmem:s24], [sflag:$0x2], $0x80, s4, s29, $0xb8;
	[tilespmem:$0x1B480] =	vst v63  }
0x65: {  	_ =	swait.ge [sflag:s30], $0x1400  }
0x66: {  	s0 =	simm.s32 $0x7C;
	[sflag:s30] =	ssyncset.done $0x0  }
.LBB2_8:
0x67: {  	p1 =	sne.s32 s0, $0x1;
	s0 =	sadd.s32 $0xFFFFFFFF, s0;
	[sflag:s30] =	ssyncadd.s32 $0xFFFFEC00  }
.Ltmp3:
0x68: {  	(pc) =	sbr.rel @p1 .LBB2_8-.Ltmp3, $3  }
0x69: {  	_ =	sdelay $0x1  }
0x6a: {  	_ =	swait.ge [sflag:s30], $0x1400  }
0x6b: {  	[sflag:s30] =	ssyncset.done $0x0  }
0x6c: {  	[sflag:s30] =	ssyncadd.s32 $0xFFFFEC00  }
0x6d: {  	[bflag:$0x0] =	sbarrier.arrive $0xFFFF  }
0x6e: {  	[tilespmem:s26], [sflag:$0x4] =	stream.linear.gather [spmem:s7], $0x2800, $0x38;
	[tilespmem:$0x1B480] =	vst v63  }
0x6f: {  	_ =	swait.ge [sflag:s31], $0x2800  }
0x70: {  	[sflag:s31] =	ssyncset.done $0x0  }
0x71: {  	[sflag:s31] =	ssyncadd.s32 $0xFFFFD800  }
0x72: {  	[hbm4b:s15+s3] =	stream.linear.scatter [tilespmem:s26], [sflag:$0x3], $0x2800, $0x38;
	[tilespmem:$0x1B480] =	vst v63  }
0x73: {  	_ =	swait.ge [sflag:s25], $0x2800  }
0x74: {  	[sflag:s25] =	ssyncset.done $0x0  }
0x75: {  	[sflag:s25] =	ssyncadd.s32 $0xFFFFD800  }
0x76: {  	[tilespmem:s26], [sflag:$0x4] =	stream.linear.gather [spmem:s8], $0x2800, $0x38;
	[tilespmem:$0x1B480] =	vst v63  }
0x77: {  	_ =	swait.ge [sflag:s31], $0x2800  }
0x78: {  	[sflag:s31] =	ssyncset.done $0x0  }
0x79: {  	[sflag:s31] =	ssyncadd.s32 $0xFFFFD800  }
0x7a: {  	[hbm4b:s16+s3] =	stream.linear.scatter [tilespmem:s26], [sflag:$0x3], $0x2800, $0x38;
	[tilespmem:$0x1B480] =	vst v63  }
0x7b: {  	_ =	swait.ge [sflag:s25], $0x2800  }
0x7c: {  	[sflag:s25] =	ssyncset.done $0x0  }
0x7d: {  	[sflag:s25] =	ssyncadd.s32 $0xFFFFD800  }
0x7e: {  	[tilespmem:s26], [sflag:$0x4] =	stream.linear.gather [spmem:s9], $0x2800, $0x38;
	[tilespmem:$0x1B480] =	vst v63  }
0x7f: {  	_ =	swait.ge [sflag:s31], $0x2800  }
0x80: {  	[sflag:s31] =	ssyncset.done $0x0  }
0x81: {  	[sflag:s31] =	ssyncadd.s32 $0xFFFFD800  }
0x82: {  	[hbm4b:s17+s3] =	stream.linear.scatter [tilespmem:s26], [sflag:$0x3], $0x2800, $0x38;
	[tilespmem:$0x1B480] =	vst v63  }
0x83: {  	_ =	swait.ge [sflag:s25], $0x2800  }
0x84: {  	[sflag:s25] =	ssyncset.done $0x0  }
0x85: {  	[sflag:s25] =	ssyncadd.s32 $0xFFFFD800  }
0x86: {  	[tilespmem:s26], [sflag:$0x4] =	stream.linear.gather [spmem:s10], $0x2800, $0x38;
	[tilespmem:$0x1B480] =	vst v63  }
0x87: {  	_ =	swait.ge [sflag:s31], $0x2800  }
0x88: {  	[sflag:s31] =	ssyncset.done $0x0  }
0x89: {  	[sflag:s31] =	ssyncadd.s32 $0xFFFFD800  }
0x8a: {  	[hbm4b:s18+s3] =	stream.linear.scatter [tilespmem:s26], [sflag:$0x3], $0x2800, $0x38;
	[tilespmem:$0x1B480] =	vst v63  }
0x8b: {  	_ =	swait.ge [sflag:s25], $0x2800  }
0x8c: {  	[sflag:s25] =	ssyncset.done $0x0  }
0x8d: {  	[sflag:s25] =	ssyncadd.s32 $0xFFFFD800  }
0x8e: {  	[tilespmem:s26], [sflag:$0x4] =	stream.linear.gather [spmem:s11], $0x2800, $0x38;
	[tilespmem:$0x1B480] =	vst v63  }
0x8f: {  	_ =	swait.ge [sflag:s31], $0x2800  }
0x90: {  	[sflag:s31] =	ssyncset.done $0x0  }
0x91: {  	[sflag:s31] =	ssyncadd.s32 $0xFFFFD800  }
0x92: {  	[hbm4b:s19+s3] =	stream.linear.scatter [tilespmem:s26], [sflag:$0x3], $0x2800, $0x38;
	[tilespmem:$0x1B480] =	vst v63  }
0x93: {  	_ =	swait.ge [sflag:s25], $0x2800  }
0x94: {  	[sflag:s25] =	ssyncset.done $0x0  }
0x95: {  	[sflag:s25] =	ssyncadd.s32 $0xFFFFD800  }
0x96: {  	[tilespmem:s26], [sflag:$0x4] =	stream.linear.gather [spmem:s12], $0x2800, $0x38;
	[tilespmem:$0x1B480] =	vst v63  }
0x97: {  	_ =	swait.ge [sflag:s31], $0x2800  }
0x98: {  	[sflag:s31] =	ssyncset.done $0x0  }
0x99: {  	[sflag:s31] =	ssyncadd.s32 $0xFFFFD800  }
0x9a: {  	[hbm4b:s20+s3] =	stream.linear.scatter [tilespmem:s26], [sflag:$0x3], $0x2800, $0x38;
	[tilespmem:$0x1B480] =	vst v63  }
0x9b: {  	_ =	swait.ge [sflag:s25], $0x2800  }
0x9c: {  	[sflag:s25] =	ssyncset.done $0x0  }
0x9d: {  	[sflag:s25] =	ssyncadd.s32 $0xFFFFD800  }
0x9e: {  	[tilespmem:s26], [sflag:$0x4] =	stream.linear.gather [spmem:s13], $0x2800, $0x38;
	[tilespmem:$0x1B480] =	vst v63  }
0x9f: {  	_ =	swait.ge [sflag:s31], $0x2800  }
0xa0: {  	[sflag:s31] =	ssyncset.done $0x0  }
0xa1: {  	[sflag:s31] =	ssyncadd.s32 $0xFFFFD800  }
0xa2: {  	[hbm4b:s21+s3] =	stream.linear.scatter [tilespmem:s26], [sflag:$0x3], $0x2800, $0x38;
	[tilespmem:$0x1B480] =	vst v63  }
0xa3: {  	_ =	swait.ge [sflag:s25], $0x2800  }
0xa4: {  	[sflag:s25] =	ssyncset.done $0x0  }
0xa5: {  	s0 =	simm.s32 @!p0 $0x5400;
	s4 =	simm.s32 @!p0 $0x4;
	[sflag:s25] =	ssyncadd.s32 $0xFFFFD800  }
0xa6: {  	[tilespmem:s0], [sflag:$0x4] =	stream.linear.gather @!p0 [spmem:s14], $0x2800, $0x38;
	[tilespmem:$0x1B480] =	vst v63  }
0xa7: {  	_ =	swait.ge @!p0 [sflag:s4], $0x2800  }
0xa8: {  	[sflag:s4] =	ssyncset.done @!p0 $0x0  }
0xa9: {  	[sflag:s4] =	ssyncadd.s32 @!p0 $0xFFFFD800;
	s4 =	simm.s32 @!p0 $0x0  }
0xaa: {  	[hbm4b:s22+s4] =	stream.linear.scatter @!p0 [tilespmem:s0], [sflag:$0x3], $0x2800, $0x38;
	[tilespmem:$0x1B480] =	vst v63  }
0xab: {  	s0 =	simm.s32 @!p0 $0x3  }
0xac: {  	_ =	swait.ge @!p0 [sflag:s0], $0x2800  }
0xad: {  	s1 =	sadd.s32 $0x1, s1;
	s6 =	rddreg [dreg:$0x6]  }
0xae: {  	p1 =	sne.s32 s1, s6  }
.Ltmp4:
0xaf: {  	_ = 	snop;
	(pc) =	sbr.rel @p1 .LBB2_1-.Ltmp4, $3  }
0xb0: {  	_ =	sdelay $0x1  }
0xb1: {  	[sflag:s0] =	ssyncset.done @!p0 $0x0  }
0xb2: {  	[sflag:s0] =	ssyncadd.s32 @!p0 $0xFFFFD800  }
0xb3: {  	_ =	sfence.sel $0x180000  }
0xb4: {  	[bflag:$0x0] =	sbarrier.arrive $0xFFFF  }
0xb5: {  	_ =	strace $0x90000047  }
0xb6: {  	s0 =	stileid.u32;
	[bflag:$0x2] =	sbarrier.arrive $0xFFFF  }
0xb7: {  	p0 =	sne.s32 s0, $0x0;
	s0 =	rddreg [dreg:$0x3]  }
0xb8: {  	s0 =	sadd.s32 @!p0 $0x100000, s0  }
0xb9: {  	[sflag:s0] =	ssyncadd.tile.s32 @!p0 $0x1;
	_ =	shalt  }
.Lfunc_end2:
_tile_overlayer_lowered:
.L_overlay_start_2:
0xba: {  	(tag) =	ssettag $0x2  }
0xbb: {  	s0 =	rddreg [dreg:$0x0];
	s2 =	stileid.u32  }
0xbc: {  	s1 =	rddreg [dreg:$0x1];
	p0 =	sne.s32 s2, $0x0  }
0xbd: {  	s3 =	rddreg [dreg:$0x2];
	[bflag:$0x3] =	sbarrier.arrive $0xFFFF;
	s2 =	simm.s32 @!p0 $0x1C03  }
0xbe: {  	[timem:s3], [sflag:s2] =	dma.local @!p0 [hbm:s0], s1  }
0xbf: {  	s0 =	simm.s32 @!p0 $0x3  }
0xc0: {  	_ =	swait.ge @!p0 [sflag:s0], s1  }
0xc1: {  	s1 =	ssub.s32 @!p0 $0x0, s1;
	[sflag:s0] =	ssyncset.done @!p0 $0x0  }
0xc2: {  	[sflag:s0] =	ssyncadd.s32 @!p0 s1  }
0xc3: {  	[bflag:$0x3] =	sbarrier.arrive $0xFFFF  }
0xc4: {  	_ =	shalt  }

</sc_bundles>
